<compile_context>
chip_gen: v7x
topology: tpu7x:2x2x1
jax: 0.10.2.dev20260603
libtpu: 0.0.44.dev20260713+nightly
codegen_flags: <defaults>
</compile_context>

<pallas_src>
import jax
import jax.numpy as jnp
from jax import lax
from jax.experimental import pallas as pl
from jax.experimental.pallas import tpu as pltpu
from jax.experimental.pallas import tpu_sc as plsc

B = 16384
F = 100
VOCAB = 1000000
VOCAB_PAD = 1000448

NC = 2
NS = 16
NW = NC * NS

W = 128
EPC = W * F
NCHUNK = B // W
CPW = NCHUNK // NW

TAB_SLICE = VOCAB_PAD // NS


def _body(idx_hbm, val_hbm, bias_hbm, table_hbm, out_hbm,
          idx_v0, idx_v1, val_v0, val_v1, gat_v, out_v, bias_v, tab_s,
          si0, si1, sv0, sv1, sg, sa, sb):
  sid = lax.axis_index("s")
  wid = sid * NC + lax.axis_index("c")
  pltpu.sync_copy(bias_hbm, bias_v)
  bias_vec = bias_v[...]
  idx_bufs = (idx_v0, idx_v1)
  val_bufs = (val_v0, val_v1)
  idx_sems = (si0, si1)
  val_sems = (sv0, sv1)

  def idx_start(k, s):
    c0 = (wid * CPW + k) * W
    ib = idx_bufs[s]

    def issue(f, carry):
      pltpu.make_async_copy(
          idx_hbm.at[f, pl.ds(c0, W)], ib.at[pl.ds(f * W, W)], idx_sems[s]
      ).start()
      return carry

    lax.fori_loop(0, F, issue, 0)

  def val_start(k, s):
    c0 = (wid * CPW + k) * W
    vb = val_bufs[s]

    def issue(f, carry):
      pltpu.make_async_copy(
          val_hbm.at[f, pl.ds(c0, W)], vb.at[pl.ds(f * W, W)], val_sems[s]
      ).start()
      return carry

    lax.fori_loop(0, F, issue, 0)

  def copies_start(k, s):
    idx_start(k, s)
    val_start(k, s)

  def idx_wait(k, s):
    pltpu.make_async_copy(
        idx_hbm.at[0, pl.ds(0, EPC)], idx_bufs[s], idx_sems[s]
    ).wait()

  def val_wait(k, s):
    pltpu.make_async_copy(
        val_hbm.at[0, pl.ds(0, EPC)], val_bufs[s], val_sems[s]
    ).wait()

  idx_start(0, 0)

  base = sid * TAB_SLICE
  pieces = [EPC] * 4 + [TAB_SLICE - 4 * EPC]
  offs = [sum(pieces[:i]) for i in range(len(pieces))]
  bounce = (gat_v, val_bufs[0], val_bufs[1])

  def _arr(i):
    return pltpu.make_async_copy(
        table_hbm.at[pl.ds(base + offs[i], pieces[i])],
        bounce[i % 3].at[pl.ds(0, pieces[i])], sa)

  def _wr(i):
    return pltpu.make_async_copy(
        bounce[i % 3].at[pl.ds(0, pieces[i])],
        tab_s.at[pl.ds(base + offs[i], pieces[i])], sb)

  n = len(pieces)
  for i in range(3):
    _arr(i).start()
  for i in range(n):
    _arr(i).wait()
    _wr(i).start()
    if i + 3 < n:
      _wr(i).wait()
      _arr(i + 3).start()
  for i in range(max(0, n - 3), n):
    _wr(i).wait()
  plsc.subcore_barrier()

  val_start(0, 0)
  HALF = EPC // 2

  def mk_ga(s):
    return pltpu.make_async_copy(
        tab_s.at[idx_bufs[s].at[pl.ds(0, HALF)]], gat_v.at[pl.ds(0, HALF)], sg)

  def mk_gb(s):
    return pltpu.make_async_copy(
        tab_s.at[idx_bufs[s].at[pl.ds(HALF, HALF)]],
        gat_v.at[pl.ds(HALF, HALF)], sg)

  idx_wait(0, 0)
  ga = mk_ga(0)
  ga.start()
  for k in range(CPW):
    s = k % 2
    vb = val_bufs[s]
    if k + 1 < CPW:
      copies_start(k + 1, 1 - s)
    val_wait(k, s)
    ga.wait()
    gb = mk_gb(s)
    gb.start()

    def fbody(f, accs):
      out = []
      for g in range(8):
        a = gat_v[pl.ds(f * W + g * 16, 16)]
        v = vb[pl.ds(f * W + g * 16, 16)]
        out.append(accs[g] + a * v)
      return tuple(out)

    accs = lax.fori_loop(
        0, F // 2, fbody, tuple(jnp.zeros((16,), jnp.float32) for _ in range(8))
    )
    gb.wait()
    if k + 1 < CPW:
      idx_wait(k + 1, 1 - s)
      ga = mk_ga(1 - s)
      ga.start()
    accs = lax.fori_loop(F // 2, F, fbody, accs)
    for g in range(8):
      out_v[pl.ds(g * 16, 16)] = accs[g] + bias_vec

    c0 = (wid * CPW + k) * W
    pltpu.sync_copy(out_v, out_hbm.at[pl.ds(c0, W)])


@jax.jit
def _wide_sc(idx, val, bias16, tab):
  mesh = plsc.VectorSubcoreMesh(core_axis_name="c", subcore_axis_name="s")
  f = pl.kernel(
      _body,
      mesh=mesh,
      compiler_params=pltpu.CompilerParams(needs_layout_passes=False),
      out_type=jax.ShapeDtypeStruct((B,), jnp.float32),
      scratch_types=[
          pltpu.VMEM((EPC,), jnp.int32),
          pltpu.VMEM((EPC,), jnp.int32),
          pltpu.VMEM((EPC,), jnp.float32),
          pltpu.VMEM((EPC,), jnp.float32),
          pltpu.VMEM((EPC,), jnp.float32),
          pltpu.VMEM((W,), jnp.float32),
          pltpu.VMEM((16,), jnp.float32),
          pltpu.VMEM_SHARED((VOCAB_PAD,), jnp.float32),
          pltpu.SemaphoreType.DMA,
          pltpu.SemaphoreType.DMA,
          pltpu.SemaphoreType.DMA,
          pltpu.SemaphoreType.DMA,
          pltpu.SemaphoreType.DMA,
          pltpu.SemaphoreType.DMA,
          pltpu.SemaphoreType.DMA,
      ],
  )
  return f(idx, val, bias16, tab)


def kernel(index, field, value, table, bias):
  del field
  idx = index.astype(jnp.int32).T
  val = value.T
  tab = jnp.pad(table, ((0, VOCAB_PAD - VOCAB), (0, 0)))[:, 0]
  bias16 = jnp.broadcast_to(bias.astype(jnp.float32), (16,))
  out = _wide_sc(idx, val, bias16, tab)
  return out.reshape(B, 1)

# --- scband reference (transcript-rebuilt; emitter-appended) ---
"""Pipeline reference for scband-wide-72404558676760 (READ-ONLY COPY).

The authoritative reference and input builder live on the scoring server;
editing this copy changes nothing except your own understanding.
"""

import jax, jax.numpy as jnp
import numpy as np

B = 16384
F = 100
VOCAB = 1000000

def setup_inputs(seed: int = 0) -> dict:
    key = jax.random.key(seed)
    k1, k2, k3, k4 = jax.random.split(key, 4)
    index = jax.random.randint(k1, (B, F), 0, VOCAB, dtype=jnp.int64)
    field = jax.random.randint(k2, (B, F), 0, F, dtype=jnp.int64)
    value = jax.random.uniform(k3, (B, F), dtype=jnp.float32)
    table = jax.random.normal(k4, (VOCAB, 1), dtype=jnp.float32) * 0.01
    bias = jnp.zeros((1,), dtype=jnp.float32)
    return {"index": index, "field": field, "value": value, "table": table, "bias": bias}

def reference(index, field, value, table, bias):
    # Wide.deal_v1 with sparse_to_dense=True, use_fm_first_order=False:
    # x = squeeze(emb(indexes), -1) * values; x = sum(x, 1, keepdims=True); x = x + bias
    emb = jnp.take(table, index, axis=0)          # [B, F, 1] embedding gather
    x = jnp.squeeze(emb, -1)                      # [B, F]
    x = x * value                                 # weight by feature values
    x = jnp.sum(x, axis=1, keepdims=True)         # [B, 1]
    x = x + bias                                  # add wide bias
    return x

if __name__ == "__main__":
    import jax
    _d = setup_inputs()
    print(jax.jit(kernel)(*tuple(_d.values())))

</pallas_src>

<mosaic_0001>
#map = affine_map<(d0, d1) -> (0, 0)>
#map1 = affine_map<(d0, d1) -> (0)>
module attributes {stable_mosaic.version = 14 : i64} {
  func.func @_body(%arg0: i32, %arg1: i32, %arg2: memref<100x16384xi32, #tpu.memory_space<hbm>>, %arg3: memref<100x16384xf32, #tpu.memory_space<hbm>>, %arg4: memref<16xf32, #tpu.memory_space<hbm>>, %arg5: memref<1000448xf32, #tpu.memory_space<hbm>>, %arg6: memref<16384xf32, #tpu.memory_space<hbm>>, %arg7: memref<12800xi32, #tpu.memory_space<vmem>>, %arg8: memref<12800xi32, #tpu.memory_space<vmem>>, %arg9: memref<12800xf32, #tpu.memory_space<vmem>>, %arg10: memref<12800xf32, #tpu.memory_space<vmem>>, %arg11: memref<12800xf32, #tpu.memory_space<vmem>>, %arg12: memref<128xf32, #tpu.memory_space<vmem>>, %arg13: memref<16xf32, #tpu.memory_space<vmem>>, %arg14: memref<1000448xf32, #tpu.memory_space<vmem_shared>>, %arg15: memref<!tpu.dma_semaphore, #tpu.memory_space<semaphore_mem>>, %arg16: memref<!tpu.dma_semaphore, #tpu.memory_space<semaphore_mem>>, %arg17: memref<!tpu.dma_semaphore, #tpu.memory_space<semaphore_mem>>, %arg18: memref<!tpu.dma_semaphore, #tpu.memory_space<semaphore_mem>>, %arg19: memref<!tpu.dma_semaphore, #tpu.memory_space<semaphore_mem>>, %arg20: memref<!tpu.dma_semaphore, #tpu.memory_space<semaphore_mem>>, %arg21: memref<!tpu.dma_semaphore, #tpu.memory_space<semaphore_mem>>) attributes {dimension_semantics = [#tpu.dimension_semantics<core_parallel>, #tpu.dimension_semantics<subcore_parallel>], iteration_bounds = array<i64: 2, 16>, scalar_prefetch = 0 : i64, scratch_operands = 15 : i64, tpu.core_type = #tpu.core_type<sc_vector_subcore>, window_params = [{transform_indices = #map}, {transform_indices = #map}, {transform_indices = #map1}, {transform_indices = #map1}, {transform_indices = #map1}]} {
    %mul3A = arith.constant 2 : i32
    %mul3A_0 = arith.muli %arg1, %mul3A : i32
    %add3A = arith.addi %mul3A_0, %arg0 : i32
    "tpu.region"() ({
      %run_scoped3A = tpu.sem_alloc : memref<!tpu.dma_semaphore, #tpu.memory_space<semaphore_mem>>
      tpu.enqueue_dma source(%arg4 : memref<16xf32, #tpu.memory_space<hbm>>) target(%arg13 : memref<16xf32, #tpu.memory_space<vmem>>) target_semaphore(%run_scoped3A : memref<!tpu.dma_semaphore, #tpu.memory_space<semaphore_mem>>)
      tpu.wait_dma2 semaphore(%run_scoped3A : memref<!tpu.dma_semaphore, #tpu.memory_space<semaphore_mem>>) src(%arg4 : memref<16xf32, #tpu.memory_space<hbm>>) dst(%arg13 : memref<16xf32, #tpu.memory_space<vmem>>)
      tpu.yield
    }) : () -> ()
    %get3A = arith.constant 0 : index
    %get3A_1 = tpu.vector_load %arg13[%get3A] {strides = array<i32>} : memref<16xf32, #tpu.memory_space<vmem>>, vector<16xf32>,
    %mul3A_2 = arith.constant 4 : i32
    %mul3A_3 = arith.muli %add3A, %mul3A_2 : i32
    %add3A_4 = arith.constant 0 : i32
    %add3A_5 = arith.addi %mul3A_3, %add3A_4 : i32
    %mul3A_6 = arith.constant 128 : i32
    %mul3A_7 = arith.muli %add3A_5, %mul3A_6 : i32
    %scan3A = arith.constant 0 : i32
    %scan3A_8 = arith.constant 0 : i32
    %scan3A_9 = arith.constant 100 : i32
    %scan3A_10 = arith.addi %scan3A_8, %scan3A_9 : i32
    %scan3A_11 = arith.constant 1 : i32
    scf.for %scan3A_639 = %scan3A_8 to %scan3A_10 step %scan3A_11  : i32 {
      %mul3A_640 = arith.constant 128 : i32
      %mul3A_641 = arith.muli %scan3A_639, %mul3A_640 : i32
      %dma_start3A_642 = tpu.memref_slice %arg7[%mul3A_641] : memref<12800xi32, #tpu.memory_space<vmem>> -> memref<128xi32, #tpu.memory_space<vmem>>
      %dma_start3A_643 = tpu.memref_slice %arg2[%scan3A_639, %mul3A_7] : memref<100x16384xi32, #tpu.memory_space<hbm>> -> memref<1x128xi32, #tpu.memory_space<hbm>>
      %dma_start3A_644 = tpu.memref_squeeze %dma_start3A_643 : memref<1x128xi32, #tpu.memory_space<hbm>> -> memref<128xi32, #tpu.memory_space<hbm>>
      %dma_start3A_645 = tpu.memref_slice %arg7[%mul3A_641] : memref<12800xi32, #tpu.memory_space<vmem>> -> memref<128xi32, #tpu.memory_space<vmem>>
      %dma_start3A_646 = tpu.memref_slice %arg2[%scan3A_639, %mul3A_7] : memref<100x16384xi32, #tpu.memory_space<hbm>> -> memref<1x128xi32, #tpu.memory_space<hbm>>
      %dma_start3A_647 = tpu.memref_squeeze %dma_start3A_646 : memref<1x128xi32, #tpu.memory_space<hbm>> -> memref<128xi32, #tpu.memory_space<hbm>>
      tpu.enqueue_dma source(%dma_start3A_647 : memref<128xi32, #tpu.memory_space<hbm>>) target(%dma_start3A_645 : memref<128xi32, #tpu.memory_space<vmem>>) target_semaphore(%arg15 : memref<!tpu.dma_semaphore, #tpu.memory_space<semaphore_mem>>)
    }
    %scan3A_12 = arith.constant 100 : i32
    %mul3A_13 = arith.constant 62528 : i32
    %mul3A_14 = arith.muli %arg1, %mul3A_13 : i32
    %add3A_15 = arith.constant 0 : i32
    %add3A_16 = arith.addi %mul3A_14, %add3A_15 : i32
    %dma_start3A = arith.constant 0 : i32
    %dma_start3A_17 = tpu.memref_slice %arg11[%dma_start3A] : memref<12800xf32, #tpu.memory_space<vmem>> -> memref<12800xf32, #tpu.memory_space<vmem>>
    %dma_start3A_18 = tpu.memref_slice %arg5[%add3A_16] : memref<1000448xf32, #tpu.memory_space<hbm>> -> memref<12800xf32, #tpu.memory_space<hbm>>
    %dma_start3A_19 = arith.constant 0 : i32
    %dma_start3A_20 = tpu.memref_slice %arg11[%dma_start3A_19] : memref<12800xf32, #tpu.memory_space<vmem>> -> memref<12800xf32, #tpu.memory_space<vmem>>
    %dma_start3A_21 = tpu.memref_slice %arg5[%add3A_16] : memref<1000448xf32, #tpu.memory_space<hbm>> -> memref<12800xf32, #tpu.memory_space<hbm>>
    tpu.enqueue_dma source(%dma_start3A_21 : memref<12800xf32, #tpu.memory_space<hbm>>) target(%dma_start3A_20 : memref<12800xf32, #tpu.memory_space<vmem>>) target_semaphore(%arg20 : memref<!tpu.dma_semaphore, #tpu.memory_space<semaphore_mem>>)
    %add3A_22 = arith.constant 12800 : i32
    %add3A_23 = arith.addi %mul3A_14, %add3A_22 : i32
    %dma_start3A_24 = arith.constant 0 : i32
    %dma_start3A_25 = tpu.memref_slice %arg9[%dma_start3A_24] : memref<12800xf32, #tpu.memory_space<vmem>> -> memref<12800xf32, #tpu.memory_space<vmem>>
    %dma_start3A_26 = tpu.memref_slice %arg5[%add3A_23] : memref<1000448xf32, #tpu.memory_space<hbm>> -> memref<12800xf32, #tpu.memory_space<hbm>>
    %dma_start3A_27 = arith.constant 0 : i32
    %dma_start3A_28 = tpu.memref_slice %arg9[%dma_start3A_27] : memref<12800xf32, #tpu.memory_space<vmem>> -> memref<12800xf32, #tpu.memory_space<vmem>>
    %dma_start3A_29 = tpu.memref_slice %arg5[%add3A_23] : memref<1000448xf32, #tpu.memory_space<hbm>> -> memref<12800xf32, #tpu.memory_space<hbm>>
    tpu.enqueue_dma source(%dma_start3A_29 : memref<12800xf32, #tpu.memory_space<hbm>>) target(%dma_start3A_28 : memref<12800xf32, #tpu.memory_space<vmem>>) target_semaphore(%arg20 : memref<!tpu.dma_semaphore, #tpu.memory_space<semaphore_mem>>)
    %add3A_30 = arith.constant 25600 : i32
    %add3A_31 = arith.addi %mul3A_14, %add3A_30 : i32
    %dma_start3A_32 = arith.constant 0 : i32
    %dma_start3A_33 = tpu.memref_slice %arg10[%dma_start3A_32] : memref<12800xf32, #tpu.memory_space<vmem>> -> memref<12800xf32, #tpu.memory_space<vmem>>
    %dma_start3A_34 = tpu.memref_slice %arg5[%add3A_31] : memref<1000448xf32, #tpu.memory_space<hbm>> -> memref<12800xf32, #tpu.memory_space<hbm>>
    %dma_start3A_35 = arith.constant 0 : i32
    %dma_start3A_36 = tpu.memref_slice %arg10[%dma_start3A_35] : memref<12800xf32, #tpu.memory_space<vmem>> -> memref<12800xf32, #tpu.memory_space<vmem>>
    %dma_start3A_37 = tpu.memref_slice %arg5[%add3A_31] : memref<1000448xf32, #tpu.memory_space<hbm>> -> memref<12800xf32, #tpu.memory_space<hbm>>
    tpu.enqueue_dma source(%dma_start3A_37 : memref<12800xf32, #tpu.memory_space<hbm>>) target(%dma_start3A_36 : memref<12800xf32, #tpu.memory_space<vmem>>) target_semaphore(%arg20 : memref<!tpu.dma_semaphore, #tpu.memory_space<semaphore_mem>>)
    %add3A_38 = arith.constant 0 : i32
    %add3A_39 = arith.addi %mul3A_14, %add3A_38 : i32
    %dma_wait3A = arith.constant 0 : i32
    %dma_wait3A_40 = tpu.memref_slice %arg11[%dma_wait3A] : memref<12800xf32, #tpu.memory_space<vmem>> -> memref<12800xf32, #tpu.memory_space<vmem>>
    %dma_wait3A_41 = tpu.memref_slice %arg5[%add3A_39] : memref<1000448xf32, #tpu.memory_space<hbm>> -> memref<12800xf32, #tpu.memory_space<hbm>>
    %dma_wait3A_42 = arith.constant 0 : i32
    %dma_wait3A_43 = tpu.memref_slice %arg11[%dma_wait3A_42] : memref<12800xf32, #tpu.memory_space<vmem>> -> memref<12800xf32, #tpu.memory_space<vmem>>
    %dma_wait3A_44 = tpu.memref_slice %arg5[%add3A_39] : memref<1000448xf32, #tpu.memory_space<hbm>> -> memref<12800xf32, #tpu.memory_space<hbm>>
    tpu.wait_dma2 semaphore(%arg20 : memref<!tpu.dma_semaphore, #tpu.memory_space<semaphore_mem>>) src(%dma_wait3A_44 : memref<12800xf32, #tpu.memory_space<hbm>>) dst(%dma_wait3A_43 : memref<12800xf32, #tpu.memory_space<vmem>>)
    %add3A_45 = arith.constant 0 : i32
    %add3A_46 = arith.addi %mul3A_14, %add3A_45 : i32
    %dma_start3A_47 = arith.constant 0 : i32
    %dma_start3A_48 = tpu.memref_slice %arg11[%dma_start3A_47] : memref<12800xf32, #tpu.memory_space<vmem>> -> memref<12800xf32, #tpu.memory_space<vmem>>
    %dma_start3A_49 = tpu.memref_slice %arg14[%add3A_46] : memref<1000448xf32, #tpu.memory_space<vmem_shared>> -> memref<12800xf32, #tpu.memory_space<vmem_shared>>
    %dma_start3A_50 = tpu.memref_slice %arg14[%add3A_46] : memref<1000448xf32, #tpu.memory_space<vmem_shared>> -> memref<12800xf32, #tpu.memory_space<vmem_shared>>
    %dma_start3A_51 = arith.constant 0 : i32
    %dma_start3A_52 = tpu.memref_slice %arg11[%dma_start3A_51] : memref<12800xf32, #tpu.memory_space<vmem>> -> memref<12800xf32, #tpu.memory_space<vmem>>
    tpu.enqueue_dma source(%dma_start3A_52 : memref<12800xf32, #tpu.memory_space<vmem>>) target(%dma_start3A_50 : memref<12800xf32, #tpu.memory_space<vmem_shared>>) target_semaphore(%arg21 : memref<!tpu.dma_semaphore, #tpu.memory_space<semaphore_mem>>)
    %add3A_53 = arith.constant 0 : i32
    %add3A_54 = arith.addi %mul3A_14, %add3A_53 : i32
    %dma_wait3A_55 = arith.constant 0 : i32
    %dma_wait3A_56 = tpu.memref_slice %arg11[%dma_wait3A_55] : memref<12800xf32, #tpu.memory_space<vmem>> -> memref<12800xf32, #tpu.memory_space<vmem>>
    %dma_wait3A_57 = tpu.memref_slice %arg14[%add3A_54] : memref<1000448xf32, #tpu.memory_space<vmem_shared>> -> memref<12800xf32, #tpu.memory_space<vmem_shared>>
    %dma_wait3A_58 = tpu.memref_slice %arg14[%add3A_54] : memref<1000448xf32, #tpu.memory_space<vmem_shared>> -> memref<12800xf32, #tpu.memory_space<vmem_shared>>
    %dma_wait3A_59 = arith.constant 0 : i32
    %dma_wait3A_60 = tpu.memref_slice %arg11[%dma_wait3A_59] : memref<12800xf32, #tpu.memory_space<vmem>> -> memref<12800xf32, #tpu.memory_space<vmem>>
    tpu.wait_dma2 semaphore(%arg21 : memref<!tpu.dma_semaphore, #tpu.memory_space<semaphore_mem>>) src(%dma_wait3A_60 : memref<12800xf32, #tpu.memory_space<vmem>>) dst(%dma_wait3A_58 : memref<12800xf32, #tpu.memory_space<vmem_shared>>)
    %add3A_61 = arith.constant 38400 : i32
    %add3A_62 = arith.addi %mul3A_14, %add3A_61 : i32
    %dma_start3A_63 = arith.constant 0 : i32
    %dma_start3A_64 = tpu.memref_slice %arg11[%dma_start3A_63] : memref<12800xf32, #tpu.memory_space<vmem>> -> memref<12800xf32, #tpu.memory_space<vmem>>
    %dma_start3A_65 = tpu.memref_slice %arg5[%add3A_62] : memref<1000448xf32, #tpu.memory_space<hbm>> -> memref<12800xf32, #tpu.memory_space<hbm>>
    %dma_start3A_66 = arith.constant 0 : i32
    %dma_start3A_67 = tpu.memref_slice %arg11[%dma_start3A_66] : memref<12800xf32, #tpu.memory_space<vmem>> -> memref<12800xf32, #tpu.memory_space<vmem>>
    %dma_start3A_68 = tpu.memref_slice %arg5[%add3A_62] : memref<1000448xf32, #tpu.memory_space<hbm>> -> memref<12800xf32, #tpu.memory_space<hbm>>
    tpu.enqueue_dma source(%dma_start3A_68 : memref<12800xf32, #tpu.memory_space<hbm>>) target(%dma_start3A_67 : memref<12800xf32, #tpu.memory_space<vmem>>) target_semaphore(%arg20 : memref<!tpu.dma_semaphore, #tpu.memory_space<semaphore_mem>>)
    %add3A_69 = arith.constant 12800 : i32
    %add3A_70 = arith.addi %mul3A_14, %add3A_69 : i32
    %dma_wait3A_71 = arith.constant 0 : i32
    %dma_wait3A_72 = tpu.memref_slice %arg9[%dma_wait3A_71] : memref<12800xf32, #tpu.memory_space<vmem>> -> memref<12800xf32, #tpu.memory_space<vmem>>
    %dma_wait3A_73 = tpu.memref_slice %arg5[%add3A_70] : memref<1000448xf32, #tpu.memory_space<hbm>> -> memref<12800xf32, #tpu.memory_space<hbm>>
    %dma_wait3A_74 = arith.constant 0 : i32
    %dma_wait3A_75 = tpu.memref_slice %arg9[%dma_wait3A_74] : memref<12800xf32, #tpu.memory_space<vmem>> -> memref<12800xf32, #tpu.memory_space<vmem>>
    %dma_wait3A_76 = tpu.memref_slice %arg5[%add3A_70] : memref<1000448xf32, #tpu.memory_space<hbm>> -> memref<12800xf32, #tpu.memory_space<hbm>>
    tpu.wait_dma2 semaphore(%arg20 : memref<!tpu.dma_semaphore, #tpu.memory_space<semaphore_mem>>) src(%dma_wait3A_76 : memref<12800xf32, #tpu.memory_space<hbm>>) dst(%dma_wait3A_75 : memref<12800xf32, #tpu.memory_space<vmem>>)
    %add3A_77 = arith.constant 12800 : i32
    %add3A_78 = arith.addi %mul3A_14, %add3A_77 : i32
    %dma_start3A_79 = arith.constant 0 : i32
    %dma_start3A_80 = tpu.memref_slice %arg9[%dma_start3A_79] : memref<12800xf32, #tpu.memory_space<vmem>> -> memref<12800xf32, #tpu.memory_space<vmem>>
    %dma_start3A_81 = tpu.memref_slice %arg14[%add3A_78] : memref<1000448xf32, #tpu.memory_space<vmem_shared>> -> memref<12800xf32, #tpu.memory_space<vmem_shared>>
    %dma_start3A_82 = tpu.memref_slice %arg14[%add3A_78] : memref<1000448xf32, #tpu.memory_space<vmem_shared>> -> memref<12800xf32, #tpu.memory_space<vmem_shared>>
    %dma_start3A_83 = arith.constant 0 : i32
    %dma_start3A_84 = tpu.memref_slice %arg9[%dma_start3A_83] : memref<12800xf32, #tpu.memory_space<vmem>> -> memref<12800xf32, #tpu.memory_space<vmem>>
    tpu.enqueue_dma source(%dma_start3A_84 : memref<12800xf32, #tpu.memory_space<vmem>>) target(%dma_start3A_82 : memref<12800xf32, #tpu.memory_space<vmem_shared>>) target_semaphore(%arg21 : memref<!tpu.dma_semaphore, #tpu.memory_space<semaphore_mem>>)
    %add3A_85 = arith.constant 12800 : i32
    %add3A_86 = arith.addi %mul3A_14, %add3A_85 : i32
    %dma_wait3A_87 = arith.constant 0 : i32
    %dma_wait3A_88 = tpu.memref_slice %arg9[%dma_wait3A_87] : memref<12800xf32, #tpu.memory_space<vmem>> -> memref<12800xf32, #tpu.memory_space<vmem>>
    %dma_wait3A_89 = tpu.memref_slice %arg14[%add3A_86] : memref<1000448xf32, #tpu.memory_space<vmem_shared>> -> memref<12800xf32, #tpu.memory_space<vmem_shared>>
    %dma_wait3A_90 = tpu.memref_slice %arg14[%add3A_86] : memref<1000448xf32, #tpu.memory_space<vmem_shared>> -> memref<12800xf32, #tpu.memory_space<vmem_shared>>
    %dma_wait3A_91 = arith.constant 0 : i32
    %dma_wait3A_92 = tpu.memref_slice %arg9[%dma_wait3A_91] : memref<12800xf32, #tpu.memory_space<vmem>> -> memref<12800xf32, #tpu.memory_space<vmem>>
    tpu.wait_dma2 semaphore(%arg21 : memref<!tpu.dma_semaphore, #tpu.memory_space<semaphore_mem>>) src(%dma_wait3A_92 : memref<12800xf32, #tpu.memory_space<vmem>>) dst(%dma_wait3A_90 : memref<12800xf32, #tpu.memory_space<vmem_shared>>)
    %add3A_93 = arith.constant 51200 : i32
    %add3A_94 = arith.addi %mul3A_14, %add3A_93 : i32
    %dma_start3A_95 = arith.constant 0 : i32
    %dma_start3A_96 = tpu.memref_slice %arg9[%dma_start3A_95] : memref<12800xf32, #tpu.memory_space<vmem>> -> memref<11328xf32, #tpu.memory_space<vmem>>
    %dma_start3A_97 = tpu.memref_slice %arg5[%add3A_94] : memref<1000448xf32, #tpu.memory_space<hbm>> -> memref<11328xf32, #tpu.memory_space<hbm>>
    %dma_start3A_98 = arith.constant 0 : i32
    %dma_start3A_99 = tpu.memref_slice %arg9[%dma_start3A_98] : memref<12800xf32, #tpu.memory_space<vmem>> -> memref<11328xf32, #tpu.memory_space<vmem>>
    %dma_start3A_100 = tpu.memref_slice %arg5[%add3A_94] : memref<1000448xf32, #tpu.memory_space<hbm>> -> memref<11328xf32, #tpu.memory_space<hbm>>
    tpu.enqueue_dma source(%dma_start3A_100 : memref<11328xf32, #tpu.memory_space<hbm>>) target(%dma_start3A_99 : memref<11328xf32, #tpu.memory_space<vmem>>) target_semaphore(%arg20 : memref<!tpu.dma_semaphore, #tpu.memory_space<semaphore_mem>>)
    %add3A_101 = arith.constant 25600 : i32
    %add3A_102 = arith.addi %mul3A_14, %add3A_101 : i32
    %dma_wait3A_103 = arith.constant 0 : i32
    %dma_wait3A_104 = tpu.memref_slice %arg10[%dma_wait3A_103] : memref<12800xf32, #tpu.memory_space<vmem>> -> memref<12800xf32, #tpu.memory_space<vmem>>
    %dma_wait3A_105 = tpu.memref_slice %arg5[%add3A_102] : memref<1000448xf32, #tpu.memory_space<hbm>> -> memref<12800xf32, #tpu.memory_space<hbm>>
    %dma_wait3A_106 = arith.constant 0 : i32
    %dma_wait3A_107 = tpu.memref_slice %arg10[%dma_wait3A_106] : memref<12800xf32, #tpu.memory_space<vmem>> -> memref<12800xf32, #tpu.memory_space<vmem>>
    %dma_wait3A_108 = tpu.memref_slice %arg5[%add3A_102] : memref<1000448xf32, #tpu.memory_space<hbm>> -> memref<12800xf32, #tpu.memory_space<hbm>>
    tpu.wait_dma2 semaphore(%arg20 : memref<!tpu.dma_semaphore, #tpu.memory_space<semaphore_mem>>) src(%dma_wait3A_108 : memref<12800xf32, #tpu.memory_space<hbm>>) dst(%dma_wait3A_107 : memref<12800xf32, #tpu.memory_space<vmem>>)
    %add3A_109 = arith.constant 25600 : i32
    %add3A_110 = arith.addi %mul3A_14, %add3A_109 : i32
    %dma_start3A_111 = arith.constant 0 : i32
    %dma_start3A_112 = tpu.memref_slice %arg10[%dma_start3A_111] : memref<12800xf32, #tpu.memory_space<vmem>> -> memref<12800xf32, #tpu.memory_space<vmem>>
    %dma_start3A_113 = tpu.memref_slice %arg14[%add3A_110] : memref<1000448xf32, #tpu.memory_space<vmem_shared>> -> memref<12800xf32, #tpu.memory_space<vmem_shared>>
    %dma_start3A_114 = tpu.memref_slice %arg14[%add3A_110] : memref<1000448xf32, #tpu.memory_space<vmem_shared>> -> memref<12800xf32, #tpu.memory_space<vmem_shared>>
    %dma_start3A_115 = arith.constant 0 : i32
    %dma_start3A_116 = tpu.memref_slice %arg10[%dma_start3A_115] : memref<12800xf32, #tpu.memory_space<vmem>> -> memref<12800xf32, #tpu.memory_space<vmem>>
    tpu.enqueue_dma source(%dma_start3A_116 : memref<12800xf32, #tpu.memory_space<vmem>>) target(%dma_start3A_114 : memref<12800xf32, #tpu.memory_space<vmem_shared>>) target_semaphore(%arg21 : memref<!tpu.dma_semaphore, #tpu.memory_space<semaphore_mem>>)
    %add3A_117 = arith.constant 38400 : i32
    %add3A_118 = arith.addi %mul3A_14, %add3A_117 : i32
    %dma_wait3A_119 = arith.constant 0 : i32
    %dma_wait3A_120 = tpu.memref_slice %arg11[%dma_wait3A_119] : memref<12800xf32, #tpu.memory_space<vmem>> -> memref<12800xf32, #tpu.memory_space<vmem>>
    %dma_wait3A_121 = tpu.memref_slice %arg5[%add3A_118] : memref<1000448xf32, #tpu.memory_space<hbm>> -> memref<12800xf32, #tpu.memory_space<hbm>>
    %dma_wait3A_122 = arith.constant 0 : i32
    %dma_wait3A_123 = tpu.memref_slice %arg11[%dma_wait3A_122] : memref<12800xf32, #tpu.memory_space<vmem>> -> memref<12800xf32, #tpu.memory_space<vmem>>
    %dma_wait3A_124 = tpu.memref_slice %arg5[%add3A_118] : memref<1000448xf32, #tpu.memory_space<hbm>> -> memref<12800xf32, #tpu.memory_space<hbm>>
    tpu.wait_dma2 semaphore(%arg20 : memref<!tpu.dma_semaphore, #tpu.memory_space<semaphore_mem>>) src(%dma_wait3A_124 : memref<12800xf32, #tpu.memory_space<hbm>>) dst(%dma_wait3A_123 : memref<12800xf32, #tpu.memory_space<vmem>>)
    %add3A_125 = arith.constant 38400 : i32
    %add3A_126 = arith.addi %mul3A_14, %add3A_125 : i32
    %dma_start3A_127 = arith.constant 0 : i32
    %dma_start3A_128 = tpu.memref_slice %arg11[%dma_start3A_127] : memref<12800xf32, #tpu.memory_space<vmem>> -> memref<12800xf32, #tpu.memory_space<vmem>>
    %dma_start3A_129 = tpu.memref_slice %arg14[%add3A_126] : memref<1000448xf32, #tpu.memory_space<vmem_shared>> -> memref<12800xf32, #tpu.memory_space<vmem_shared>>
    %dma_start3A_130 = tpu.memref_slice %arg14[%add3A_126] : memref<1000448xf32, #tpu.memory_space<vmem_shared>> -> memref<12800xf32, #tpu.memory_space<vmem_shared>>
    %dma_start3A_131 = arith.constant 0 : i32
    %dma_start3A_132 = tpu.memref_slice %arg11[%dma_start3A_131] : memref<12800xf32, #tpu.memory_space<vmem>> -> memref<12800xf32, #tpu.memory_space<vmem>>
    tpu.enqueue_dma source(%dma_start3A_132 : memref<12800xf32, #tpu.memory_space<vmem>>) target(%dma_start3A_130 : memref<12800xf32, #tpu.memory_space<vmem_shared>>) target_semaphore(%arg21 : memref<!tpu.dma_semaphore, #tpu.memory_space<semaphore_mem>>)
    %add3A_133 = arith.constant 51200 : i32
    %add3A_134 = arith.addi %mul3A_14, %add3A_133 : i32
    %dma_wait3A_135 = arith.constant 0 : i32
    %dma_wait3A_136 = tpu.memref_slice %arg9[%dma_wait3A_135] : memref<12800xf32, #tpu.memory_space<vmem>> -> memref<11328xf32, #tpu.memory_space<vmem>>
    %dma_wait3A_137 = tpu.memref_slice %arg5[%add3A_134] : memref<1000448xf32, #tpu.memory_space<hbm>> -> memref<11328xf32, #tpu.memory_space<hbm>>
    %dma_wait3A_138 = arith.constant 0 : i32
    %dma_wait3A_139 = tpu.memref_slice %arg9[%dma_wait3A_138] : memref<12800xf32, #tpu.memory_space<vmem>> -> memref<11328xf32, #tpu.memory_space<vmem>>
    %dma_wait3A_140 = tpu.memref_slice %arg5[%add3A_134] : memref<1000448xf32, #tpu.memory_space<hbm>> -> memref<11328xf32, #tpu.memory_space<hbm>>
    tpu.wait_dma2 semaphore(%arg20 : memref<!tpu.dma_semaphore, #tpu.memory_space<semaphore_mem>>) src(%dma_wait3A_140 : memref<11328xf32, #tpu.memory_space<hbm>>) dst(%dma_wait3A_139 : memref<11328xf32, #tpu.memory_space<vmem>>)
    %add3A_141 = arith.constant 51200 : i32
    %add3A_142 = arith.addi %mul3A_14, %add3A_141 : i32
    %dma_start3A_143 = arith.constant 0 : i32
    %dma_start3A_144 = tpu.memref_slice %arg9[%dma_start3A_143] : memref<12800xf32, #tpu.memory_space<vmem>> -> memref<11328xf32, #tpu.memory_space<vmem>>
    %dma_start3A_145 = tpu.memref_slice %arg14[%add3A_142] : memref<1000448xf32, #tpu.memory_space<vmem_shared>> -> memref<11328xf32, #tpu.memory_space<vmem_shared>>
    %dma_start3A_146 = tpu.memref_slice %arg14[%add3A_142] : memref<1000448xf32, #tpu.memory_space<vmem_shared>> -> memref<11328xf32, #tpu.memory_space<vmem_shared>>
    %dma_start3A_147 = arith.constant 0 : i32
    %dma_start3A_148 = tpu.memref_slice %arg9[%dma_start3A_147] : memref<12800xf32, #tpu.memory_space<vmem>> -> memref<11328xf32, #tpu.memory_space<vmem>>
    tpu.enqueue_dma source(%dma_start3A_148 : memref<11328xf32, #tpu.memory_space<vmem>>) target(%dma_start3A_146 : memref<11328xf32, #tpu.memory_space<vmem_shared>>) target_semaphore(%arg21 : memref<!tpu.dma_semaphore, #tpu.memory_space<semaphore_mem>>)
    %add3A_149 = arith.constant 25600 : i32
    %add3A_150 = arith.addi %mul3A_14, %add3A_149 : i32
    %dma_wait3A_151 = arith.constant 0 : i32
    %dma_wait3A_152 = tpu.memref_slice %arg10[%dma_wait3A_151] : memref<12800xf32, #tpu.memory_space<vmem>> -> memref<12800xf32, #tpu.memory_space<vmem>>
    %dma_wait3A_153 = tpu.memref_slice %arg14[%add3A_150] : memref<1000448xf32, #tpu.memory_space<vmem_shared>> -> memref<12800xf32, #tpu.memory_space<vmem_shared>>
    %dma_wait3A_154 = tpu.memref_slice %arg14[%add3A_150] : memref<1000448xf32, #tpu.memory_space<vmem_shared>> -> memref<12800xf32, #tpu.memory_space<vmem_shared>>
    %dma_wait3A_155 = arith.constant 0 : i32
    %dma_wait3A_156 = tpu.memref_slice %arg10[%dma_wait3A_155] : memref<12800xf32, #tpu.memory_space<vmem>> -> memref<12800xf32, #tpu.memory_space<vmem>>
    tpu.wait_dma2 semaphore(%arg21 : memref<!tpu.dma_semaphore, #tpu.memory_space<semaphore_mem>>) src(%dma_wait3A_156 : memref<12800xf32, #tpu.memory_space<vmem>>) dst(%dma_wait3A_154 : memref<12800xf32, #tpu.memory_space<vmem_shared>>)
    %add3A_157 = arith.constant 38400 : i32
    %add3A_158 = arith.addi %mul3A_14, %add3A_157 : i32
    %dma_wait3A_159 = arith.constant 0 : i32
    %dma_wait3A_160 = tpu.memref_slice %arg11[%dma_wait3A_159] : memref<12800xf32, #tpu.memory_space<vmem>> -> memref<12800xf32, #tpu.memory_space<vmem>>
    %dma_wait3A_161 = tpu.memref_slice %arg14[%add3A_158] : memref<1000448xf32, #tpu.memory_space<vmem_shared>> -> memref<12800xf32, #tpu.memory_space<vmem_shared>>
    %dma_wait3A_162 = tpu.memref_slice %arg14[%add3A_158] : memref<1000448xf32, #tpu.memory_space<vmem_shared>> -> memref<12800xf32, #tpu.memory_space<vmem_shared>>
    %dma_wait3A_163 = arith.constant 0 : i32
    %dma_wait3A_164 = tpu.memref_slice %arg11[%dma_wait3A_163] : memref<12800xf32, #tpu.memory_space<vmem>> -> memref<12800xf32, #tpu.memory_space<vmem>>
    tpu.wait_dma2 semaphore(%arg21 : memref<!tpu.dma_semaphore, #tpu.memory_space<semaphore_mem>>) src(%dma_wait3A_164 : memref<12800xf32, #tpu.memory_space<vmem>>) dst(%dma_wait3A_162 : memref<12800xf32, #tpu.memory_space<vmem_shared>>)
    %add3A_165 = arith.constant 51200 : i32
    %add3A_166 = arith.addi %mul3A_14, %add3A_165 : i32
    %dma_wait3A_167 = arith.constant 0 : i32
    %dma_wait3A_168 = tpu.memref_slice %arg9[%dma_wait3A_167] : memref<12800xf32, #tpu.memory_space<vmem>> -> memref<11328xf32, #tpu.memory_space<vmem>>
    %dma_wait3A_169 = tpu.memref_slice %arg14[%add3A_166] : memref<1000448xf32, #tpu.memory_space<vmem_shared>> -> memref<11328xf32, #tpu.memory_space<vmem_shared>>
    %dma_wait3A_170 = tpu.memref_slice %arg14[%add3A_166] : memref<1000448xf32, #tpu.memory_space<vmem_shared>> -> memref<11328xf32, #tpu.memory_space<vmem_shared>>
    %dma_wait3A_171 = arith.constant 0 : i32
    %dma_wait3A_172 = tpu.memref_slice %arg9[%dma_wait3A_171] : memref<12800xf32, #tpu.memory_space<vmem>> -> memref<11328xf32, #tpu.memory_space<vmem>>
    tpu.wait_dma2 semaphore(%arg21 : memref<!tpu.dma_semaphore, #tpu.memory_space<semaphore_mem>>) src(%dma_wait3A_172 : memref<11328xf32, #tpu.memory_space<vmem>>) dst(%dma_wait3A_170 : memref<11328xf32, #tpu.memory_space<vmem_shared>>)
    %barrier3A = arith.constant 0 : index
    tpu.barrier barrier_id(%barrier3A)
    %mul3A_173 = arith.constant 4 : i32
    %mul3A_174 = arith.muli %add3A, %mul3A_173 : i32
    %add3A_175 = arith.constant 0 : i32
    %add3A_176 = arith.addi %mul3A_174, %add3A_175 : i32
    %mul3A_177 = arith.constant 128 : i32
    %mul3A_178 = arith.muli %add3A_176, %mul3A_177 : i32
    %scan3A_179 = arith.constant 0 : i32
    %scan3A_180 = arith.constant 0 : i32
    %scan3A_181 = arith.constant 100 : i32
    %scan3A_182 = arith.addi %scan3A_180, %scan3A_181 : i32
    %scan3A_183 = arith.constant 1 : i32
    scf.for %scan3A_639 = %scan3A_180 to %scan3A_182 step %scan3A_183  : i32 {
      %mul3A_640 = arith.constant 128 : i32
      %mul3A_641 = arith.muli %scan3A_639, %mul3A_640 : i32
      %dma_start3A_642 = tpu.memref_slice %arg9[%mul3A_641] : memref<12800xf32, #tpu.memory_space<vmem>> -> memref<128xf32, #tpu.memory_space<vmem>>
      %dma_start3A_643 = tpu.memref_slice %arg3[%scan3A_639, %mul3A_178] : memref<100x16384xf32, #tpu.memory_space<hbm>> -> memref<1x128xf32, #tpu.memory_space<hbm>>
      %dma_start3A_644 = tpu.memref_squeeze %dma_start3A_643 : memref<1x128xf32, #tpu.memory_space<hbm>> -> memref<128xf32, #tpu.memory_space<hbm>>
      %dma_start3A_645 = tpu.memref_slice %arg9[%mul3A_641] : memref<12800xf32, #tpu.memory_space<vmem>> -> memref<128xf32, #tpu.memory_space<vmem>>
      %dma_start3A_646 = tpu.memref_slice %arg3[%scan3A_639, %mul3A_178] : memref<100x16384xf32, #tpu.memory_space<hbm>> -> memref<1x128xf32, #tpu.memory_space<hbm>>
      %dma_start3A_647 = tpu.memref_squeeze %dma_start3A_646 : memref<1x128xf32, #tpu.memory_space<hbm>> -> memref<128xf32, #tpu.memory_space<hbm>>
      tpu.enqueue_dma source(%dma_start3A_647 : memref<128xf32, #tpu.memory_space<hbm>>) target(%dma_start3A_645 : memref<128xf32, #tpu.memory_space<vmem>>) target_semaphore(%arg17 : memref<!tpu.dma_semaphore, #tpu.memory_space<semaphore_mem>>)
    }
    %scan3A_184 = arith.constant 100 : i32
    %dma_wait3A_185 = arith.constant 0 : i32
    %dma_wait3A_186 = arith.constant 0 : i32
    %dma_wait3A_187 = tpu.memref_slice %arg2[%dma_wait3A_185, %dma_wait3A_186] : memref<100x16384xi32, #tpu.memory_space<hbm>> -> memref<1x12800xi32, #tpu.memory_space<hbm>>
    %dma_wait3A_188 = tpu.memref_squeeze %dma_wait3A_187 : memref<1x12800xi32, #tpu.memory_space<hbm>> -> memref<12800xi32, #tpu.memory_space<hbm>>
    %dma_wait3A_189 = arith.constant 0 : i32
    %dma_wait3A_190 = tpu.memref_slice %arg2[%dma_wait3A_185, %dma_wait3A_189] : memref<100x16384xi32, #tpu.memory_space<hbm>> -> memref<1x12800xi32, #tpu.memory_space<hbm>>
    %dma_wait3A_191 = tpu.memref_squeeze %dma_wait3A_190 : memref<1x12800xi32, #tpu.memory_space<hbm>> -> memref<12800xi32, #tpu.memory_space<hbm>>
    tpu.wait_dma2 semaphore(%arg15 : memref<!tpu.dma_semaphore, #tpu.memory_space<semaphore_mem>>) src(%dma_wait3A_191 : memref<12800xi32, #tpu.memory_space<hbm>>) dst(%arg7 : memref<12800xi32, #tpu.memory_space<vmem>>)
    %dma_start3A_192 = arith.constant 0 : i32
    %dma_start3A_193 = tpu.memref_slice %arg11[%dma_start3A_192] : memref<12800xf32, #tpu.memory_space<vmem>> -> memref<6400xf32, #tpu.memory_space<vmem>>
    %dma_start3A_194 = arith.constant 0 : i32
    %dma_start3A_195 = tpu.memref_slice %arg7[%dma_start3A_194] : memref<12800xi32, #tpu.memory_space<vmem>> -> memref<6400xi32, #tpu.memory_space<vmem>>
    %dma_start3A_196 = arith.constant 0 : i32
    %dma_start3A_197 = tpu.memref_slice %arg14[%dma_start3A_196] : memref<1000448xf32, #tpu.memory_space<vmem_shared>> -> memref<1000448xf32, #tpu.memory_space<vmem_shared>>
    tpu.enqueue_indirect_dma source(%dma_start3A_197 : memref<1000448xf32, #tpu.memory_space<vmem_shared>>) target(%dma_start3A_193 : memref<6400xf32, #tpu.memory_space<vmem>>) offsets(%dma_start3A_195 : memref<6400xi32, #tpu.memory_space<vmem>>) semaphore(%arg19 : memref<!tpu.dma_semaphore, #tpu.memory_space<semaphore_mem>>)
    %mul3A_198 = arith.constant 4 : i32
    %mul3A_199 = arith.muli %add3A, %mul3A_198 : i32
    %add3A_200 = arith.constant 1 : i32
    %add3A_201 = arith.addi %mul3A_199, %add3A_200 : i32
    %mul3A_202 = arith.constant 128 : i32
    %mul3A_203 = arith.muli %add3A_201, %mul3A_202 : i32
    %scan3A_204 = arith.constant 0 : i32
    %scan3A_205 = arith.constant 0 : i32
    %scan3A_206 = arith.constant 100 : i32
    %scan3A_207 = arith.addi %scan3A_205, %scan3A_206 : i32
    %scan3A_208 = arith.constant 1 : i32
    scf.for %scan3A_639 = %scan3A_205 to %scan3A_207 step %scan3A_208  : i32 {
      %mul3A_640 = arith.constant 128 : i32
      %mul3A_641 = arith.muli %scan3A_639, %mul3A_640 : i32
      %dma_start3A_642 = tpu.memref_slice %arg8[%mul3A_641] : memref<12800xi32, #tpu.memory_space<vmem>> -> memref<128xi32, #tpu.memory_space<vmem>>
      %dma_start3A_643 = tpu.memref_slice %arg2[%scan3A_639, %mul3A_203] : memref<100x16384xi32, #tpu.memory_space<hbm>> -> memref<1x128xi32, #tpu.memory_space<hbm>>
      %dma_start3A_644 = tpu.memref_squeeze %dma_start3A_643 : memref<1x128xi32, #tpu.memory_space<hbm>> -> memref<128xi32, #tpu.memory_space<hbm>>
      %dma_start3A_645 = tpu.memref_slice %arg8[%mul3A_641] : memref<12800xi32, #tpu.memory_space<vmem>> -> memref<128xi32, #tpu.memory_space<vmem>>
      %dma_start3A_646 = tpu.memref_slice %arg2[%scan3A_639, %mul3A_203] : memref<100x16384xi32, #tpu.memory_space<hbm>> -> memref<1x128xi32, #tpu.memory_space<hbm>>
      %dma_start3A_647 = tpu.memref_squeeze %dma_start3A_646 : memref<1x128xi32, #tpu.memory_space<hbm>> -> memref<128xi32, #tpu.memory_space<hbm>>
      tpu.enqueue_dma source(%dma_start3A_647 : memref<128xi32, #tpu.memory_space<hbm>>) target(%dma_start3A_645 : memref<128xi32, #tpu.memory_space<vmem>>) target_semaphore(%arg16 : memref<!tpu.dma_semaphore, #tpu.memory_space<semaphore_mem>>)
    }
    %scan3A_209 = arith.constant 100 : i32
    %mul3A_210 = arith.constant 4 : i32
    %mul3A_211 = arith.muli %add3A, %mul3A_210 : i32
    %add3A_212 = arith.constant 1 : i32
    %add3A_213 = arith.addi %mul3A_211, %add3A_212 : i32
    %mul3A_214 = arith.constant 128 : i32
    %mul3A_215 = arith.muli %add3A_213, %mul3A_214 : i32
    %scan3A_216 = arith.constant 0 : i32
    %scan3A_217 = arith.constant 0 : i32
    %scan3A_218 = arith.constant 100 : i32
    %scan3A_219 = arith.addi %scan3A_217, %scan3A_218 : i32
    %scan3A_220 = arith.constant 1 : i32
    scf.for %scan3A_639 = %scan3A_217 to %scan3A_219 step %scan3A_220  : i32 {
      %mul3A_640 = arith.constant 128 : i32
      %mul3A_641 = arith.muli %scan3A_639, %mul3A_640 : i32
      %dma_start3A_642 = tpu.memref_slice %arg10[%mul3A_641] : memref<12800xf32, #tpu.memory_space<vmem>> -> memref<128xf32, #tpu.memory_space<vmem>>
      %dma_start3A_643 = tpu.memref_slice %arg3[%scan3A_639, %mul3A_215] : memref<100x16384xf32, #tpu.memory_space<hbm>> -> memref<1x128xf32, #tpu.memory_space<hbm>>
      %dma_start3A_644 = tpu.memref_squeeze %dma_start3A_643 : memref<1x128xf32, #tpu.memory_space<hbm>> -> memref<128xf32, #tpu.memory_space<hbm>>
      %dma_start3A_645 = tpu.memref_slice %arg10[%mul3A_641] : memref<12800xf32, #tpu.memory_space<vmem>> -> memref<128xf32, #tpu.memory_space<vmem>>
      %dma_start3A_646 = tpu.memref_slice %arg3[%scan3A_639, %mul3A_215] : memref<100x16384xf32, #tpu.memory_space<hbm>> -> memref<1x128xf32, #tpu.memory_space<hbm>>
      %dma_start3A_647 = tpu.memref_squeeze %dma_start3A_646 : memref<1x128xf32, #tpu.memory_space<hbm>> -> memref<128xf32, #tpu.memory_space<hbm>>
      tpu.enqueue_dma source(%dma_start3A_647 : memref<128xf32, #tpu.memory_space<hbm>>) target(%dma_start3A_645 : memref<128xf32, #tpu.memory_space<vmem>>) target_semaphore(%arg18 : memref<!tpu.dma_semaphore, #tpu.memory_space<semaphore_mem>>)
    }
    %scan3A_221 = arith.constant 100 : i32
    %dma_wait3A_222 = arith.constant 0 : i32
    %dma_wait3A_223 = arith.constant 0 : i32
    %dma_wait3A_224 = tpu.memref_slice %arg3[%dma_wait3A_222, %dma_wait3A_223] : memref<100x16384xf32, #tpu.memory_space<hbm>> -> memref<1x12800xf32, #tpu.memory_space<hbm>>
    %dma_wait3A_225 = tpu.memref_squeeze %dma_wait3A_224 : memref<1x12800xf32, #tpu.memory_space<hbm>> -> memref<12800xf32, #tpu.memory_space<hbm>>
    %dma_wait3A_226 = arith.constant 0 : i32
    %dma_wait3A_227 = tpu.memref_slice %arg3[%dma_wait3A_222, %dma_wait3A_226] : memref<100x16384xf32, #tpu.memory_space<hbm>> -> memref<1x12800xf32, #tpu.memory_space<hbm>>
    %dma_wait3A_228 = tpu.memref_squeeze %dma_wait3A_227 : memref<1x12800xf32, #tpu.memory_space<hbm>> -> memref<12800xf32, #tpu.memory_space<hbm>>
    tpu.wait_dma2 semaphore(%arg17 : memref<!tpu.dma_semaphore, #tpu.memory_space<semaphore_mem>>) src(%dma_wait3A_228 : memref<12800xf32, #tpu.memory_space<hbm>>) dst(%arg9 : memref<12800xf32, #tpu.memory_space<vmem>>)
    %dma_wait3A_229 = arith.constant 0 : i32
    %dma_wait3A_230 = tpu.memref_slice %arg11[%dma_wait3A_229] : memref<12800xf32, #tpu.memory_space<vmem>> -> memref<6400xf32, #tpu.memory_space<vmem>>
    %dma_wait3A_231 = arith.constant 0 : i32
    %dma_wait3A_232 = tpu.memref_slice %arg7[%dma_wait3A_231] : memref<12800xi32, #tpu.memory_space<vmem>> -> memref<6400xi32, #tpu.memory_space<vmem>>
    %dma_wait3A_233 = arith.constant 0 : i32
    %dma_wait3A_234 = tpu.memref_slice %arg14[%dma_wait3A_233] : memref<1000448xf32, #tpu.memory_space<vmem_shared>> -> memref<1000448xf32, #tpu.memory_space<vmem_shared>>
    tpu.wait_indirect_dma semaphore(%arg19 : memref<!tpu.dma_semaphore, #tpu.memory_space<semaphore_mem>>) src(%dma_wait3A_234 : memref<1000448xf32, #tpu.memory_space<vmem_shared>>) dst(%dma_wait3A_230 : memref<6400xf32, #tpu.memory_space<vmem>>)
    %dma_start3A_235 = arith.constant 6400 : i32
    %dma_start3A_236 = tpu.memref_slice %arg11[%dma_start3A_235] : memref<12800xf32, #tpu.memory_space<vmem>> -> memref<6400xf32, #tpu.memory_space<vmem>>
    %dma_start3A_237 = arith.constant 6400 : i32
    %dma_start3A_238 = tpu.memref_slice %arg7[%dma_start3A_237] : memref<12800xi32, #tpu.memory_space<vmem>> -> memref<6400xi32, #tpu.memory_space<vmem>>
    %dma_start3A_239 = arith.constant 0 : i32
    %dma_start3A_240 = tpu.memref_slice %arg14[%dma_start3A_239] : memref<1000448xf32, #tpu.memory_space<vmem_shared>> -> memref<1000448xf32, #tpu.memory_space<vmem_shared>>
    tpu.enqueue_indirect_dma source(%dma_start3A_240 : memref<1000448xf32, #tpu.memory_space<vmem_shared>>) target(%dma_start3A_236 : memref<6400xf32, #tpu.memory_space<vmem>>) offsets(%dma_start3A_238 : memref<6400xi32, #tpu.memory_space<vmem>>) semaphore(%arg19 : memref<!tpu.dma_semaphore, #tpu.memory_space<semaphore_mem>>)
    %broadcast_in_dim3A = arith.constant 0.000000e+00 : f32
    %broadcast_in_dim3A_241 = vector.broadcast %broadcast_in_dim3A : f32 to vector<16xf32>
    %broadcast_in_dim3A_242 = arith.constant 0.000000e+00 : f32
    %broadcast_in_dim3A_243 = vector.broadcast %broadcast_in_dim3A_242 : f32 to vector<16xf32>
    %broadcast_in_dim3A_244 = arith.constant 0.000000e+00 : f32
    %broadcast_in_dim3A_245 = vector.broadcast %broadcast_in_dim3A_244 : f32 to vector<16xf32>
    %broadcast_in_dim3A_246 = arith.constant 0.000000e+00 : f32
    %broadcast_in_dim3A_247 = vector.broadcast %broadcast_in_dim3A_246 : f32 to vector<16xf32>
    %broadcast_in_dim3A_248 = arith.constant 0.000000e+00 : f32
    %broadcast_in_dim3A_249 = vector.broadcast %broadcast_in_dim3A_248 : f32 to vector<16xf32>
    %broadcast_in_dim3A_250 = arith.constant 0.000000e+00 : f32
    %broadcast_in_dim3A_251 = vector.broadcast %broadcast_in_dim3A_250 : f32 to vector<16xf32>
    %broadcast_in_dim3A_252 = arith.constant 0.000000e+00 : f32
    %broadcast_in_dim3A_253 = vector.broadcast %broadcast_in_dim3A_252 : f32 to vector<16xf32>
    %broadcast_in_dim3A_254 = arith.constant 0.000000e+00 : f32
    %broadcast_in_dim3A_255 = vector.broadcast %broadcast_in_dim3A_254 : f32 to vector<16xf32>
    %scan3A_256 = arith.constant 0 : i32
    %scan3A_257 = arith.constant 50 : i32
    %scan3A_258 = arith.addi %scan3A_256, %scan3A_257 : i32
    %scan3A_259 = arith.constant 1 : i32
    %scan3A_260:8 = scf.for %scan3A_639 = %scan3A_256 to %scan3A_258 step %scan3A_259 iter_args(%scan3A_640 = %broadcast_in_dim3A_241, %scan3A_641 = %broadcast_in_dim3A_243, %scan3A_642 = %broadcast_in_dim3A_245, %scan3A_643 = %broadcast_in_dim3A_247, %scan3A_644 = %broadcast_in_dim3A_249, %scan3A_645 = %broadcast_in_dim3A_251, %scan3A_646 = %broadcast_in_dim3A_253, %scan3A_647 = %broadcast_in_dim3A_255) -> (vector<16xf32>, vector<16xf32>, vector<16xf32>, vector<16xf32>, vector<16xf32>, vector<16xf32>, vector<16xf32>, vector<16xf32>)  : i32 {
      %mul3A_648 = arith.constant 128 : i32
      %mul3A_649 = arith.muli %scan3A_639, %mul3A_648 : i32
      %add3A_650 = arith.constant 0 : i32
      %add3A_651 = arith.addi %mul3A_649, %add3A_650 : i32
      %get3A_652 = arith.index_cast %add3A_651 : i32 to index
      %get3A_653 = tpu.vector_load %arg11[%get3A_652] {strides = array<i32>} : memref<12800xf32, #tpu.memory_space<vmem>>, vector<16xf32>,
      %mul3A_654 = arith.constant 128 : i32
      %mul3A_655 = arith.muli %scan3A_639, %mul3A_654 : i32
      %add3A_656 = arith.constant 0 : i32
      %add3A_657 = arith.addi %mul3A_655, %add3A_656 : i32
      %get3A_658 = arith.index_cast %add3A_657 : i32 to index
      %get3A_659 = tpu.vector_load %arg9[%get3A_658] {strides = array<i32>} : memref<12800xf32, #tpu.memory_space<vmem>>, vector<16xf32>,
      %mul3A_660 = arith.mulf %get3A_653, %get3A_659 : vector<16xf32>
      %add3A_661 = arith.addf %scan3A_640, %mul3A_660 : vector<16xf32>
      %mul3A_662 = arith.constant 128 : i32
      %mul3A_663 = arith.muli %scan3A_639, %mul3A_662 : i32
      %add3A_664 = arith.constant 16 : i32
      %add3A_665 = arith.addi %mul3A_663, %add3A_664 : i32
      %get3A_666 = arith.index_cast %add3A_665 : i32 to index
      %get3A_667 = tpu.vector_load %arg11[%get3A_666] {strides = array<i32>} : memref<12800xf32, #tpu.memory_space<vmem>>, vector<16xf32>,
      %mul3A_668 = arith.constant 128 : i32
      %mul3A_669 = arith.muli %scan3A_639, %mul3A_668 : i32
      %add3A_670 = arith.constant 16 : i32
      %add3A_671 = arith.addi %mul3A_669, %add3A_670 : i32
      %get3A_672 = arith.index_cast %add3A_671 : i32 to index
      %get3A_673 = tpu.vector_load %arg9[%get3A_672] {strides = array<i32>} : memref<12800xf32, #tpu.memory_space<vmem>>, vector<16xf32>,
      %mul3A_674 = arith.mulf %get3A_667, %get3A_673 : vector<16xf32>
      %add3A_675 = arith.addf %scan3A_641, %mul3A_674 : vector<16xf32>
      %mul3A_676 = arith.constant 128 : i32
      %mul3A_677 = arith.muli %scan3A_639, %mul3A_676 : i32
      %add3A_678 = arith.constant 32 : i32
      %add3A_679 = arith.addi %mul3A_677, %add3A_678 : i32
      %get3A_680 = arith.index_cast %add3A_679 : i32 to index
      %get3A_681 = tpu.vector_load %arg11[%get3A_680] {strides = array<i32>} : memref<12800xf32, #tpu.memory_space<vmem>>, vector<16xf32>,
      %mul3A_682 = arith.constant 128 : i32
      %mul3A_683 = arith.muli %scan3A_639, %mul3A_682 : i32
      %add3A_684 = arith.constant 32 : i32
      %add3A_685 = arith.addi %mul3A_683, %add3A_684 : i32
      %get3A_686 = arith.index_cast %add3A_685 : i32 to index
      %get3A_687 = tpu.vector_load %arg9[%get3A_686] {strides = array<i32>} : memref<12800xf32, #tpu.memory_space<vmem>>, vector<16xf32>,
      %mul3A_688 = arith.mulf %get3A_681, %get3A_687 : vector<16xf32>
      %add3A_689 = arith.addf %scan3A_642, %mul3A_688 : vector<16xf32>
      %mul3A_690 = arith.constant 128 : i32
      %mul3A_691 = arith.muli %scan3A_639, %mul3A_690 : i32
      %add3A_692 = arith.constant 48 : i32
      %add3A_693 = arith.addi %mul3A_691, %add3A_692 : i32
      %get3A_694 = arith.index_cast %add3A_693 : i32 to index
      %get3A_695 = tpu.vector_load %arg11[%get3A_694] {strides = array<i32>} : memref<12800xf32, #tpu.memory_space<vmem>>, vector<16xf32>,
      %mul3A_696 = arith.constant 128 : i32
      %mul3A_697 = arith.muli %scan3A_639, %mul3A_696 : i32
      %add3A_698 = arith.constant 48 : i32
      %add3A_699 = arith.addi %mul3A_697, %add3A_698 : i32
      %get3A_700 = arith.index_cast %add3A_699 : i32 to index
      %get3A_701 = tpu.vector_load %arg9[%get3A_700] {strides = array<i32>} : memref<12800xf32, #tpu.memory_space<vmem>>, vector<16xf32>,
      %mul3A_702 = arith.mulf %get3A_695, %get3A_701 : vector<16xf32>
      %add3A_703 = arith.addf %scan3A_643, %mul3A_702 : vector<16xf32>
      %mul3A_704 = arith.constant 128 : i32
      %mul3A_705 = arith.muli %scan3A_639, %mul3A_704 : i32
      %add3A_706 = arith.constant 64 : i32
      %add3A_707 = arith.addi %mul3A_705, %add3A_706 : i32
      %get3A_708 = arith.index_cast %add3A_707 : i32 to index
      %get3A_709 = tpu.vector_load %arg11[%get3A_708] {strides = array<i32>} : memref<12800xf32, #tpu.memory_space<vmem>>, vector<16xf32>,
      %mul3A_710 = arith.constant 128 : i32
      %mul3A_711 = arith.muli %scan3A_639, %mul3A_710 : i32
      %add3A_712 = arith.constant 64 : i32
      %add3A_713 = arith.addi %mul3A_711, %add3A_712 : i32
      %get3A_714 = arith.index_cast %add3A_713 : i32 to index
      %get3A_715 = tpu.vector_load %arg9[%get3A_714] {strides = array<i32>} : memref<12800xf32, #tpu.memory_space<vmem>>, vector<16xf32>,
      %mul3A_716 = arith.mulf %get3A_709, %get3A_715 : vector<16xf32>
      %add3A_717 = arith.addf %scan3A_644, %mul3A_716 : vector<16xf32>
      %mul3A_718 = arith.constant 128 : i32
      %mul3A_719 = arith.muli %scan3A_639, %mul3A_718 : i32
      %add3A_720 = arith.constant 80 : i32
      %add3A_721 = arith.addi %mul3A_719, %add3A_720 : i32
      %get3A_722 = arith.index_cast %add3A_721 : i32 to index
      %get3A_723 = tpu.vector_load %arg11[%get3A_722] {strides = array<i32>} : memref<12800xf32, #tpu.memory_space<vmem>>, vector<16xf32>,
      %mul3A_724 = arith.constant 128 : i32
      %mul3A_725 = arith.muli %scan3A_639, %mul3A_724 : i32
      %add3A_726 = arith.constant 80 : i32
      %add3A_727 = arith.addi %mul3A_725, %add3A_726 : i32
      %get3A_728 = arith.index_cast %add3A_727 : i32 to index
      %get3A_729 = tpu.vector_load %arg9[%get3A_728] {strides = array<i32>} : memref<12800xf32, #tpu.memory_space<vmem>>, vector<16xf32>,
      %mul3A_730 = arith.mulf %get3A_723, %get3A_729 : vector<16xf32>
      %add3A_731 = arith.addf %scan3A_645, %mul3A_730 : vector<16xf32>
      %mul3A_732 = arith.constant 128 : i32
      %mul3A_733 = arith.muli %scan3A_639, %mul3A_732 : i32
      %add3A_734 = arith.constant 96 : i32
      %add3A_735 = arith.addi %mul3A_733, %add3A_734 : i32
      %get3A_736 = arith.index_cast %add3A_735 : i32 to index
      %get3A_737 = tpu.vector_load %arg11[%get3A_736] {strides = array<i32>} : memref<12800xf32, #tpu.memory_space<vmem>>, vector<16xf32>,
      %mul3A_738 = arith.constant 128 : i32
      %mul3A_739 = arith.muli %scan3A_639, %mul3A_738 : i32
      %add3A_740 = arith.constant 96 : i32
      %add3A_741 = arith.addi %mul3A_739, %add3A_740 : i32
      %get3A_742 = arith.index_cast %add3A_741 : i32 to index
      %get3A_743 = tpu.vector_load %arg9[%get3A_742] {strides = array<i32>} : memref<12800xf32, #tpu.memory_space<vmem>>, vector<16xf32>,
      %mul3A_744 = arith.mulf %get3A_737, %get3A_743 : vector<16xf32>
      %add3A_745 = arith.addf %scan3A_646, %mul3A_744 : vector<16xf32>
      %mul3A_746 = arith.constant 128 : i32
      %mul3A_747 = arith.muli %scan3A_639, %mul3A_746 : i32
      %add3A_748 = arith.constant 112 : i32
      %add3A_749 = arith.addi %mul3A_747, %add3A_748 : i32
      %get3A_750 = arith.index_cast %add3A_749 : i32 to index
      %get3A_751 = tpu.vector_load %arg11[%get3A_750] {strides = array<i32>} : memref<12800xf32, #tpu.memory_space<vmem>>, vector<16xf32>,
      %mul3A_752 = arith.constant 128 : i32
      %mul3A_753 = arith.muli %scan3A_639, %mul3A_752 : i32
      %add3A_754 = arith.constant 112 : i32
      %add3A_755 = arith.addi %mul3A_753, %add3A_754 : i32
      %get3A_756 = arith.index_cast %add3A_755 : i32 to index
      %get3A_757 = tpu.vector_load %arg9[%get3A_756] {strides = array<i32>} : memref<12800xf32, #tpu.memory_space<vmem>>, vector<16xf32>,
      %mul3A_758 = arith.mulf %get3A_751, %get3A_757 : vector<16xf32>
      %add3A_759 = arith.addf %scan3A_647, %mul3A_758 : vector<16xf32>
      scf.yield %add3A_661, %add3A_675, %add3A_689, %add3A_703, %add3A_717, %add3A_731, %add3A_745, %add3A_759 : vector<16xf32>, vector<16xf32>, vector<16xf32>, vector<16xf32>, vector<16xf32>, vector<16xf32>, vector<16xf32>, vector<16xf32>
    }
    %scan3A_261 = arith.constant 50 : i32
    %dma_wait3A_262 = arith.constant 6400 : i32
    %dma_wait3A_263 = tpu.memref_slice %arg11[%dma_wait3A_262] : memref<12800xf32, #tpu.memory_space<vmem>> -> memref<6400xf32, #tpu.memory_space<vmem>>
    %dma_wait3A_264 = arith.constant 6400 : i32
    %dma_wait3A_265 = tpu.memref_slice %arg7[%dma_wait3A_264] : memref<12800xi32, #tpu.memory_space<vmem>> -> memref<6400xi32, #tpu.memory_space<vmem>>
    %dma_wait3A_266 = arith.constant 0 : i32
    %dma_wait3A_267 = tpu.memref_slice %arg14[%dma_wait3A_266] : memref<1000448xf32, #tpu.memory_space<vmem_shared>> -> memref<1000448xf32, #tpu.memory_space<vmem_shared>>
    tpu.wait_indirect_dma semaphore(%arg19 : memref<!tpu.dma_semaphore, #tpu.memory_space<semaphore_mem>>) src(%dma_wait3A_267 : memref<1000448xf32, #tpu.memory_space<vmem_shared>>) dst(%dma_wait3A_263 : memref<6400xf32, #tpu.memory_space<vmem>>)
    %dma_wait3A_268 = arith.constant 0 : i32
    %dma_wait3A_269 = arith.constant 0 : i32
    %dma_wait3A_270 = tpu.memref_slice %arg2[%dma_wait3A_268, %dma_wait3A_269] : memref<100x16384xi32, #tpu.memory_space<hbm>> -> memref<1x12800xi32, #tpu.memory_space<hbm>>
    %dma_wait3A_271 = tpu.memref_squeeze %dma_wait3A_270 : memref<1x12800xi32, #tpu.memory_space<hbm>> -> memref<12800xi32, #tpu.memory_space<hbm>>
    %dma_wait3A_272 = arith.constant 0 : i32
    %dma_wait3A_273 = tpu.memref_slice %arg2[%dma_wait3A_268, %dma_wait3A_272] : memref<100x16384xi32, #tpu.memory_space<hbm>> -> memref<1x12800xi32, #tpu.memory_space<hbm>>
    %dma_wait3A_274 = tpu.memref_squeeze %dma_wait3A_273 : memref<1x12800xi32, #tpu.memory_space<hbm>> -> memref<12800xi32, #tpu.memory_space<hbm>>
    tpu.wait_dma2 semaphore(%arg16 : memref<!tpu.dma_semaphore, #tpu.memory_space<semaphore_mem>>) src(%dma_wait3A_274 : memref<12800xi32, #tpu.memory_space<hbm>>) dst(%arg8 : memref<12800xi32, #tpu.memory_space<vmem>>)
    %dma_start3A_275 = arith.constant 0 : i32
    %dma_start3A_276 = tpu.memref_slice %arg11[%dma_start3A_275] : memref<12800xf32, #tpu.memory_space<vmem>> -> memref<6400xf32, #tpu.memory_space<vmem>>
    %dma_start3A_277 = arith.constant 0 : i32
    %dma_start3A_278 = tpu.memref_slice %arg8[%dma_start3A_277] : memref<12800xi32, #tpu.memory_space<vmem>> -> memref<6400xi32, #tpu.memory_space<vmem>>
    %dma_start3A_279 = arith.constant 0 : i32
    %dma_start3A_280 = tpu.memref_slice %arg14[%dma_start3A_279] : memref<1000448xf32, #tpu.memory_space<vmem_shared>> -> memref<1000448xf32, #tpu.memory_space<vmem_shared>>
    tpu.enqueue_indirect_dma source(%dma_start3A_280 : memref<1000448xf32, #tpu.memory_space<vmem_shared>>) target(%dma_start3A_276 : memref<6400xf32, #tpu.memory_space<vmem>>) offsets(%dma_start3A_278 : memref<6400xi32, #tpu.memory_space<vmem>>) semaphore(%arg19 : memref<!tpu.dma_semaphore, #tpu.memory_space<semaphore_mem>>)
    %scan3A_281 = arith.constant 50 : i32
    %scan3A_282 = arith.constant 50 : i32
    %scan3A_283 = arith.addi %scan3A_281, %scan3A_282 : i32
    %scan3A_284 = arith.constant 1 : i32
    %scan3A_285:8 = scf.for %scan3A_639 = %scan3A_281 to %scan3A_283 step %scan3A_284 iter_args(%scan3A_640 = %scan3A_260#0, %scan3A_641 = %scan3A_260#1, %scan3A_642 = %scan3A_260#2, %scan3A_643 = %scan3A_260#3, %scan3A_644 = %scan3A_260#4, %scan3A_645 = %scan3A_260#5, %scan3A_646 = %scan3A_260#6, %scan3A_647 = %scan3A_260#7) -> (vector<16xf32>, vector<16xf32>, vector<16xf32>, vector<16xf32>, vector<16xf32>, vector<16xf32>, vector<16xf32>, vector<16xf32>)  : i32 {
      %mul3A_648 = arith.constant 128 : i32
      %mul3A_649 = arith.muli %scan3A_639, %mul3A_648 : i32
      %add3A_650 = arith.constant 0 : i32
      %add3A_651 = arith.addi %mul3A_649, %add3A_650 : i32
      %get3A_652 = arith.index_cast %add3A_651 : i32 to index
      %get3A_653 = tpu.vector_load %arg11[%get3A_652] {strides = array<i32>} : memref<12800xf32, #tpu.memory_space<vmem>>, vector<16xf32>,
      %mul3A_654 = arith.constant 128 : i32
      %mul3A_655 = arith.muli %scan3A_639, %mul3A_654 : i32
      %add3A_656 = arith.constant 0 : i32
      %add3A_657 = arith.addi %mul3A_655, %add3A_656 : i32
      %get3A_658 = arith.index_cast %add3A_657 : i32 to index
      %get3A_659 = tpu.vector_load %arg9[%get3A_658] {strides = array<i32>} : memref<12800xf32, #tpu.memory_space<vmem>>, vector<16xf32>,
      %mul3A_660 = arith.mulf %get3A_653, %get3A_659 : vector<16xf32>
      %add3A_661 = arith.addf %scan3A_640, %mul3A_660 : vector<16xf32>
      %mul3A_662 = arith.constant 128 : i32
      %mul3A_663 = arith.muli %scan3A_639, %mul3A_662 : i32
      %add3A_664 = arith.constant 16 : i32
      %add3A_665 = arith.addi %mul3A_663, %add3A_664 : i32
      %get3A_666 = arith.index_cast %add3A_665 : i32 to index
      %get3A_667 = tpu.vector_load %arg11[%get3A_666] {strides = array<i32>} : memref<12800xf32, #tpu.memory_space<vmem>>, vector<16xf32>,
      %mul3A_668 = arith.constant 128 : i32
      %mul3A_669 = arith.muli %scan3A_639, %mul3A_668 : i32
      %add3A_670 = arith.constant 16 : i32
      %add3A_671 = arith.addi %mul3A_669, %add3A_670 : i32
      %get3A_672 = arith.index_cast %add3A_671 : i32 to index
      %get3A_673 = tpu.vector_load %arg9[%get3A_672] {strides = array<i32>} : memref<12800xf32, #tpu.memory_space<vmem>>, vector<16xf32>,
      %mul3A_674 = arith.mulf %get3A_667, %get3A_673 : vector<16xf32>
      %add3A_675 = arith.addf %scan3A_641, %mul3A_674 : vector<16xf32>
      %mul3A_676 = arith.constant 128 : i32
      %mul3A_677 = arith.muli %scan3A_639, %mul3A_676 : i32
      %add3A_678 = arith.constant 32 : i32
      %add3A_679 = arith.addi %mul3A_677, %add3A_678 : i32
      %get3A_680 = arith.index_cast %add3A_679 : i32 to index
      %get3A_681 = tpu.vector_load %arg11[%get3A_680] {strides = array<i32>} : memref<12800xf32, #tpu.memory_space<vmem>>, vector<16xf32>,
      %mul3A_682 = arith.constant 128 : i32
      %mul3A_683 = arith.muli %scan3A_639, %mul3A_682 : i32
      %add3A_684 = arith.constant 32 : i32
      %add3A_685 = arith.addi %mul3A_683, %add3A_684 : i32
      %get3A_686 = arith.index_cast %add3A_685 : i32 to index
      %get3A_687 = tpu.vector_load %arg9[%get3A_686] {strides = array<i32>} : memref<12800xf32, #tpu.memory_space<vmem>>, vector<16xf32>,
      %mul3A_688 = arith.mulf %get3A_681, %get3A_687 : vector<16xf32>
      %add3A_689 = arith.addf %scan3A_642, %mul3A_688 : vector<16xf32>
      %mul3A_690 = arith.constant 128 : i32
      %mul3A_691 = arith.muli %scan3A_639, %mul3A_690 : i32
      %add3A_692 = arith.constant 48 : i32
      %add3A_693 = arith.addi %mul3A_691, %add3A_692 : i32
      %get3A_694 = arith.index_cast %add3A_693 : i32 to index
      %get3A_695 = tpu.vector_load %arg11[%get3A_694] {strides = array<i32>} : memref<12800xf32, #tpu.memory_space<vmem>>, vector<16xf32>,
      %mul3A_696 = arith.constant 128 : i32
      %mul3A_697 = arith.muli %scan3A_639, %mul3A_696 : i32
      %add3A_698 = arith.constant 48 : i32
      %add3A_699 = arith.addi %mul3A_697, %add3A_698 : i32
      %get3A_700 = arith.index_cast %add3A_699 : i32 to index
      %get3A_701 = tpu.vector_load %arg9[%get3A_700] {strides = array<i32>} : memref<12800xf32, #tpu.memory_space<vmem>>, vector<16xf32>,
      %mul3A_702 = arith.mulf %get3A_695, %get3A_701 : vector<16xf32>
      %add3A_703 = arith.addf %scan3A_643, %mul3A_702 : vector<16xf32>
      %mul3A_704 = arith.constant 128 : i32
      %mul3A_705 = arith.muli %scan3A_639, %mul3A_704 : i32
      %add3A_706 = arith.constant 64 : i32
      %add3A_707 = arith.addi %mul3A_705, %add3A_706 : i32
      %get3A_708 = arith.index_cast %add3A_707 : i32 to index
      %get3A_709 = tpu.vector_load %arg11[%get3A_708] {strides = array<i32>} : memref<12800xf32, #tpu.memory_space<vmem>>, vector<16xf32>,
      %mul3A_710 = arith.constant 128 : i32
      %mul3A_711 = arith.muli %scan3A_639, %mul3A_710 : i32
      %add3A_712 = arith.constant 64 : i32
      %add3A_713 = arith.addi %mul3A_711, %add3A_712 : i32
      %get3A_714 = arith.index_cast %add3A_713 : i32 to index
      %get3A_715 = tpu.vector_load %arg9[%get3A_714] {strides = array<i32>} : memref<12800xf32, #tpu.memory_space<vmem>>, vector<16xf32>,
      %mul3A_716 = arith.mulf %get3A_709, %get3A_715 : vector<16xf32>
      %add3A_717 = arith.addf %scan3A_644, %mul3A_716 : vector<16xf32>
      %mul3A_718 = arith.constant 128 : i32
      %mul3A_719 = arith.muli %scan3A_639, %mul3A_718 : i32
      %add3A_720 = arith.constant 80 : i32
      %add3A_721 = arith.addi %mul3A_719, %add3A_720 : i32
      %get3A_722 = arith.index_cast %add3A_721 : i32 to index
      %get3A_723 = tpu.vector_load %arg11[%get3A_722] {strides = array<i32>} : memref<12800xf32, #tpu.memory_space<vmem>>, vector<16xf32>,
      %mul3A_724 = arith.constant 128 : i32
      %mul3A_725 = arith.muli %scan3A_639, %mul3A_724 : i32
      %add3A_726 = arith.constant 80 : i32
      %add3A_727 = arith.addi %mul3A_725, %add3A_726 : i32
      %get3A_728 = arith.index_cast %add3A_727 : i32 to index
      %get3A_729 = tpu.vector_load %arg9[%get3A_728] {strides = array<i32>} : memref<12800xf32, #tpu.memory_space<vmem>>, vector<16xf32>,
      %mul3A_730 = arith.mulf %get3A_723, %get3A_729 : vector<16xf32>
      %add3A_731 = arith.addf %scan3A_645, %mul3A_730 : vector<16xf32>
      %mul3A_732 = arith.constant 128 : i32
      %mul3A_733 = arith.muli %scan3A_639, %mul3A_732 : i32
      %add3A_734 = arith.constant 96 : i32
      %add3A_735 = arith.addi %mul3A_733, %add3A_734 : i32
      %get3A_736 = arith.index_cast %add3A_735 : i32 to index
      %get3A_737 = tpu.vector_load %arg11[%get3A_736] {strides = array<i32>} : memref<12800xf32, #tpu.memory_space<vmem>>, vector<16xf32>,
      %mul3A_738 = arith.constant 128 : i32
      %mul3A_739 = arith.muli %scan3A_639, %mul3A_738 : i32
      %add3A_740 = arith.constant 96 : i32
      %add3A_741 = arith.addi %mul3A_739, %add3A_740 : i32
      %get3A_742 = arith.index_cast %add3A_741 : i32 to index
      %get3A_743 = tpu.vector_load %arg9[%get3A_742] {strides = array<i32>} : memref<12800xf32, #tpu.memory_space<vmem>>, vector<16xf32>,
      %mul3A_744 = arith.mulf %get3A_737, %get3A_743 : vector<16xf32>
      %add3A_745 = arith.addf %scan3A_646, %mul3A_744 : vector<16xf32>
      %mul3A_746 = arith.constant 128 : i32
      %mul3A_747 = arith.muli %scan3A_639, %mul3A_746 : i32
      %add3A_748 = arith.constant 112 : i32
      %add3A_749 = arith.addi %mul3A_747, %add3A_748 : i32
      %get3A_750 = arith.index_cast %add3A_749 : i32 to index
      %get3A_751 = tpu.vector_load %arg11[%get3A_750] {strides = array<i32>} : memref<12800xf32, #tpu.memory_space<vmem>>, vector<16xf32>,
      %mul3A_752 = arith.constant 128 : i32
      %mul3A_753 = arith.muli %scan3A_639, %mul3A_752 : i32
      %add3A_754 = arith.constant 112 : i32
      %add3A_755 = arith.addi %mul3A_753, %add3A_754 : i32
      %get3A_756 = arith.index_cast %add3A_755 : i32 to index
      %get3A_757 = tpu.vector_load %arg9[%get3A_756] {strides = array<i32>} : memref<12800xf32, #tpu.memory_space<vmem>>, vector<16xf32>,
      %mul3A_758 = arith.mulf %get3A_751, %get3A_757 : vector<16xf32>
      %add3A_759 = arith.addf %scan3A_647, %mul3A_758 : vector<16xf32>
      scf.yield %add3A_661, %add3A_675, %add3A_689, %add3A_703, %add3A_717, %add3A_731, %add3A_745, %add3A_759 : vector<16xf32>, vector<16xf32>, vector<16xf32>, vector<16xf32>, vector<16xf32>, vector<16xf32>, vector<16xf32>, vector<16xf32>
    }
    %scan3A_286 = arith.constant 50 : i32
    %add3A_287 = arith.addf %scan3A_285#0, %get3A_1 : vector<16xf32>
    %swap3A = arith.constant 0 : index
    %swap3A_288 = tpu.vector_load %arg12[%swap3A] {strides = array<i32>} : memref<128xf32, #tpu.memory_space<vmem>>, vector<16xf32>,
    tpu.vector_store %arg12[%swap3A], %add3A_287 {strides = array<i32>} : memref<128xf32, #tpu.memory_space<vmem>>, vector<16xf32>,
    %add3A_289 = arith.addf %scan3A_285#1, %get3A_1 : vector<16xf32>
    %swap3A_290 = arith.constant 16 : index
    %swap3A_291 = tpu.vector_load %arg12[%swap3A_290] {strides = array<i32>} : memref<128xf32, #tpu.memory_space<vmem>>, vector<16xf32>,
    tpu.vector_store %arg12[%swap3A_290], %add3A_289 {strides = array<i32>} : memref<128xf32, #tpu.memory_space<vmem>>, vector<16xf32>,
    %add3A_292 = arith.addf %scan3A_285#2, %get3A_1 : vector<16xf32>
    %swap3A_293 = arith.constant 32 : index
    %swap3A_294 = tpu.vector_load %arg12[%swap3A_293] {strides = array<i32>} : memref<128xf32, #tpu.memory_space<vmem>>, vector<16xf32>,
    tpu.vector_store %arg12[%swap3A_293], %add3A_292 {strides = array<i32>} : memref<128xf32, #tpu.memory_space<vmem>>, vector<16xf32>,
    %add3A_295 = arith.addf %scan3A_285#3, %get3A_1 : vector<16xf32>
    %swap3A_296 = arith.constant 48 : index
    %swap3A_297 = tpu.vector_load %arg12[%swap3A_296] {strides = array<i32>} : memref<128xf32, #tpu.memory_space<vmem>>, vector<16xf32>,
    tpu.vector_store %arg12[%swap3A_296], %add3A_295 {strides = array<i32>} : memref<128xf32, #tpu.memory_space<vmem>>, vector<16xf32>,
    %add3A_298 = arith.addf %scan3A_285#4, %get3A_1 : vector<16xf32>
    %swap3A_299 = arith.constant 64 : index
    %swap3A_300 = tpu.vector_load %arg12[%swap3A_299] {strides = array<i32>} : memref<128xf32, #tpu.memory_space<vmem>>, vector<16xf32>,
    tpu.vector_store %arg12[%swap3A_299], %add3A_298 {strides = array<i32>} : memref<128xf32, #tpu.memory_space<vmem>>, vector<16xf32>,
    %add3A_301 = arith.addf %scan3A_285#5, %get3A_1 : vector<16xf32>
    %swap3A_302 = arith.constant 80 : index
    %swap3A_303 = tpu.vector_load %arg12[%swap3A_302] {strides = array<i32>} : memref<128xf32, #tpu.memory_space<vmem>>, vector<16xf32>,
    tpu.vector_store %arg12[%swap3A_302], %add3A_301 {strides = array<i32>} : memref<128xf32, #tpu.memory_space<vmem>>, vector<16xf32>,
    %add3A_304 = arith.addf %scan3A_285#6, %get3A_1 : vector<16xf32>
    %swap3A_305 = arith.constant 96 : index
    %swap3A_306 = tpu.vector_load %arg12[%swap3A_305] {strides = array<i32>} : memref<128xf32, #tpu.memory_space<vmem>>, vector<16xf32>,
    tpu.vector_store %arg12[%swap3A_305], %add3A_304 {strides = array<i32>} : memref<128xf32, #tpu.memory_space<vmem>>, vector<16xf32>,
    %add3A_307 = arith.addf %scan3A_285#7, %get3A_1 : vector<16xf32>
    %swap3A_308 = arith.constant 112 : index
    %swap3A_309 = tpu.vector_load %arg12[%swap3A_308] {strides = array<i32>} : memref<128xf32, #tpu.memory_space<vmem>>, vector<16xf32>,
    tpu.vector_store %arg12[%swap3A_308], %add3A_307 {strides = array<i32>} : memref<128xf32, #tpu.memory_space<vmem>>, vector<16xf32>,
    %mul3A_310 = arith.constant 4 : i32
    %mul3A_311 = arith.muli %add3A, %mul3A_310 : i32
    %add3A_312 = arith.constant 0 : i32
    %add3A_313 = arith.addi %mul3A_311, %add3A_312 : i32
    %mul3A_314 = arith.constant 128 : i32
    %mul3A_315 = arith.muli %add3A_313, %mul3A_314 : i32
    "tpu.region"() ({
      %run_scoped3A = tpu.sem_alloc : memref<!tpu.dma_semaphore, #tpu.memory_space<semaphore_mem>>
      %dma_start3A_639 = tpu.memref_slice %arg6[%mul3A_315] : memref<16384xf32, #tpu.memory_space<hbm>> -> memref<128xf32, #tpu.memory_space<hbm>>
      %dma_start3A_640 = tpu.memref_slice %arg6[%mul3A_315] : memref<16384xf32, #tpu.memory_space<hbm>> -> memref<128xf32, #tpu.memory_space<hbm>>
      tpu.enqueue_dma source(%arg12 : memref<128xf32, #tpu.memory_space<vmem>>) target(%dma_start3A_640 : memref<128xf32, #tpu.memory_space<hbm>>) target_semaphore(%run_scoped3A : memref<!tpu.dma_semaphore, #tpu.memory_space<semaphore_mem>>)
      %dma_wait3A_641 = tpu.memref_slice %arg6[%mul3A_315] : memref<16384xf32, #tpu.memory_space<hbm>> -> memref<128xf32, #tpu.memory_space<hbm>>
      %dma_wait3A_642 = tpu.memref_slice %arg6[%mul3A_315] : memref<16384xf32, #tpu.memory_space<hbm>> -> memref<128xf32, #tpu.memory_space<hbm>>
      tpu.wait_dma2 semaphore(%run_scoped3A : memref<!tpu.dma_semaphore, #tpu.memory_space<semaphore_mem>>) src(%arg12 : memref<128xf32, #tpu.memory_space<vmem>>) dst(%dma_wait3A_642 : memref<128xf32, #tpu.memory_space<hbm>>)
      tpu.yield
    }) : () -> ()
    %mul3A_316 = arith.constant 4 : i32
    %mul3A_317 = arith.muli %add3A, %mul3A_316 : i32
    %add3A_318 = arith.constant 2 : i32
    %add3A_319 = arith.addi %mul3A_317, %add3A_318 : i32
    %mul3A_320 = arith.constant 128 : i32
    %mul3A_321 = arith.muli %add3A_319, %mul3A_320 : i32
    %scan3A_322 = arith.constant 0 : i32
    %scan3A_323 = arith.constant 0 : i32
    %scan3A_324 = arith.constant 100 : i32
    %scan3A_325 = arith.addi %scan3A_323, %scan3A_324 : i32
    %scan3A_326 = arith.constant 1 : i32
    scf.for %scan3A_639 = %scan3A_323 to %scan3A_325 step %scan3A_326  : i32 {
      %mul3A_640 = arith.constant 128 : i32
      %mul3A_641 = arith.muli %scan3A_639, %mul3A_640 : i32
      %dma_start3A_642 = tpu.memref_slice %arg7[%mul3A_641] : memref<12800xi32, #tpu.memory_space<vmem>> -> memref<128xi32, #tpu.memory_space<vmem>>
      %dma_start3A_643 = tpu.memref_slice %arg2[%scan3A_639, %mul3A_321] : memref<100x16384xi32, #tpu.memory_space<hbm>> -> memref<1x128xi32, #tpu.memory_space<hbm>>
      %dma_start3A_644 = tpu.memref_squeeze %dma_start3A_643 : memref<1x128xi32, #tpu.memory_space<hbm>> -> memref<128xi32, #tpu.memory_space<hbm>>
      %dma_start3A_645 = tpu.memref_slice %arg7[%mul3A_641] : memref<12800xi32, #tpu.memory_space<vmem>> -> memref<128xi32, #tpu.memory_space<vmem>>
      %dma_start3A_646 = tpu.memref_slice %arg2[%scan3A_639, %mul3A_321] : memref<100x16384xi32, #tpu.memory_space<hbm>> -> memref<1x128xi32, #tpu.memory_space<hbm>>
      %dma_start3A_647 = tpu.memref_squeeze %dma_start3A_646 : memref<1x128xi32, #tpu.memory_space<hbm>> -> memref<128xi32, #tpu.memory_space<hbm>>
      tpu.enqueue_dma source(%dma_start3A_647 : memref<128xi32, #tpu.memory_space<hbm>>) target(%dma_start3A_645 : memref<128xi32, #tpu.memory_space<vmem>>) target_semaphore(%arg15 : memref<!tpu.dma_semaphore, #tpu.memory_space<semaphore_mem>>)
    }
    %scan3A_327 = arith.constant 100 : i32
    %mul3A_328 = arith.constant 4 : i32
    %mul3A_329 = arith.muli %add3A, %mul3A_328 : i32
    %add3A_330 = arith.constant 2 : i32
    %add3A_331 = arith.addi %mul3A_329, %add3A_330 : i32
    %mul3A_332 = arith.constant 128 : i32
    %mul3A_333 = arith.muli %add3A_331, %mul3A_332 : i32
    %scan3A_334 = arith.constant 0 : i32
    %scan3A_335 = arith.constant 0 : i32
    %scan3A_336 = arith.constant 100 : i32
    %scan3A_337 = arith.addi %scan3A_335, %scan3A_336 : i32
    %scan3A_338 = arith.constant 1 : i32
    scf.for %scan3A_639 = %scan3A_335 to %scan3A_337 step %scan3A_338  : i32 {
      %mul3A_640 = arith.constant 128 : i32
      %mul3A_641 = arith.muli %scan3A_639, %mul3A_640 : i32
      %dma_start3A_642 = tpu.memref_slice %arg9[%mul3A_641] : memref<12800xf32, #tpu.memory_space<vmem>> -> memref<128xf32, #tpu.memory_space<vmem>>
      %dma_start3A_643 = tpu.memref_slice %arg3[%scan3A_639, %mul3A_333] : memref<100x16384xf32, #tpu.memory_space<hbm>> -> memref<1x128xf32, #tpu.memory_space<hbm>>
      %dma_start3A_644 = tpu.memref_squeeze %dma_start3A_643 : memref<1x128xf32, #tpu.memory_space<hbm>> -> memref<128xf32, #tpu.memory_space<hbm>>
      %dma_start3A_645 = tpu.memref_slice %arg9[%mul3A_641] : memref<12800xf32, #tpu.memory_space<vmem>> -> memref<128xf32, #tpu.memory_space<vmem>>
      %dma_start3A_646 = tpu.memref_slice %arg3[%scan3A_639, %mul3A_333] : memref<100x16384xf32, #tpu.memory_space<hbm>> -> memref<1x128xf32, #tpu.memory_space<hbm>>
      %dma_start3A_647 = tpu.memref_squeeze %dma_start3A_646 : memref<1x128xf32, #tpu.memory_space<hbm>> -> memref<128xf32, #tpu.memory_space<hbm>>
      tpu.enqueue_dma source(%dma_start3A_647 : memref<128xf32, #tpu.memory_space<hbm>>) target(%dma_start3A_645 : memref<128xf32, #tpu.memory_space<vmem>>) target_semaphore(%arg17 : memref<!tpu.dma_semaphore, #tpu.memory_space<semaphore_mem>>)
    }
    %scan3A_339 = arith.constant 100 : i32
    %dma_wait3A_340 = arith.constant 0 : i32
    %dma_wait3A_341 = arith.constant 0 : i32
    %dma_wait3A_342 = tpu.memref_slice %arg3[%dma_wait3A_340, %dma_wait3A_341] : memref<100x16384xf32, #tpu.memory_space<hbm>> -> memref<1x12800xf32, #tpu.memory_space<hbm>>
    %dma_wait3A_343 = tpu.memref_squeeze %dma_wait3A_342 : memref<1x12800xf32, #tpu.memory_space<hbm>> -> memref<12800xf32, #tpu.memory_space<hbm>>
    %dma_wait3A_344 = arith.constant 0 : i32
    %dma_wait3A_345 = tpu.memref_slice %arg3[%dma_wait3A_340, %dma_wait3A_344] : memref<100x16384xf32, #tpu.memory_space<hbm>> -> memref<1x12800xf32, #tpu.memory_space<hbm>>
    %dma_wait3A_346 = tpu.memref_squeeze %dma_wait3A_345 : memref<1x12800xf32, #tpu.memory_space<hbm>> -> memref<12800xf32, #tpu.memory_space<hbm>>
    tpu.wait_dma2 semaphore(%arg18 : memref<!tpu.dma_semaphore, #tpu.memory_space<semaphore_mem>>) src(%dma_wait3A_346 : memref<12800xf32, #tpu.memory_space<hbm>>) dst(%arg10 : memref<12800xf32, #tpu.memory_space<vmem>>)
    %dma_wait3A_347 = arith.constant 0 : i32
    %dma_wait3A_348 = tpu.memref_slice %arg11[%dma_wait3A_347] : memref<12800xf32, #tpu.memory_space<vmem>> -> memref<6400xf32, #tpu.memory_space<vmem>>
    %dma_wait3A_349 = arith.constant 0 : i32
    %dma_wait3A_350 = tpu.memref_slice %arg8[%dma_wait3A_349] : memref<12800xi32, #tpu.memory_space<vmem>> -> memref<6400xi32, #tpu.memory_space<vmem>>
    %dma_wait3A_351 = arith.constant 0 : i32
    %dma_wait3A_352 = tpu.memref_slice %arg14[%dma_wait3A_351] : memref<1000448xf32, #tpu.memory_space<vmem_shared>> -> memref<1000448xf32, #tpu.memory_space<vmem_shared>>
    tpu.wait_indirect_dma semaphore(%arg19 : memref<!tpu.dma_semaphore, #tpu.memory_space<semaphore_mem>>) src(%dma_wait3A_352 : memref<1000448xf32, #tpu.memory_space<vmem_shared>>) dst(%dma_wait3A_348 : memref<6400xf32, #tpu.memory_space<vmem>>)
    %dma_start3A_353 = arith.constant 6400 : i32
    %dma_start3A_354 = tpu.memref_slice %arg11[%dma_start3A_353] : memref<12800xf32, #tpu.memory_space<vmem>> -> memref<6400xf32, #tpu.memory_space<vmem>>
    %dma_start3A_355 = arith.constant 6400 : i32
    %dma_start3A_356 = tpu.memref_slice %arg8[%dma_start3A_355] : memref<12800xi32, #tpu.memory_space<vmem>> -> memref<6400xi32, #tpu.memory_space<vmem>>
    %dma_start3A_357 = arith.constant 0 : i32
    %dma_start3A_358 = tpu.memref_slice %arg14[%dma_start3A_357] : memref<1000448xf32, #tpu.memory_space<vmem_shared>> -> memref<1000448xf32, #tpu.memory_space<vmem_shared>>
    tpu.enqueue_indirect_dma source(%dma_start3A_358 : memref<1000448xf32, #tpu.memory_space<vmem_shared>>) target(%dma_start3A_354 : memref<6400xf32, #tpu.memory_space<vmem>>) offsets(%dma_start3A_356 : memref<6400xi32, #tpu.memory_space<vmem>>) semaphore(%arg19 : memref<!tpu.dma_semaphore, #tpu.memory_space<semaphore_mem>>)
    %broadcast_in_dim3A_359 = arith.constant 0.000000e+00 : f32
    %broadcast_in_dim3A_360 = vector.broadcast %broadcast_in_dim3A_359 : f32 to vector<16xf32>
    %broadcast_in_dim3A_361 = arith.constant 0.000000e+00 : f32
    %broadcast_in_dim3A_362 = vector.broadcast %broadcast_in_dim3A_361 : f32 to vector<16xf32>
    %broadcast_in_dim3A_363 = arith.constant 0.000000e+00 : f32
    %broadcast_in_dim3A_364 = vector.broadcast %broadcast_in_dim3A_363 : f32 to vector<16xf32>
    %broadcast_in_dim3A_365 = arith.constant 0.000000e+00 : f32
    %broadcast_in_dim3A_366 = vector.broadcast %broadcast_in_dim3A_365 : f32 to vector<16xf32>
    %broadcast_in_dim3A_367 = arith.constant 0.000000e+00 : f32
    %broadcast_in_dim3A_368 = vector.broadcast %broadcast_in_dim3A_367 : f32 to vector<16xf32>
    %broadcast_in_dim3A_369 = arith.constant 0.000000e+00 : f32
    %broadcast_in_dim3A_370 = vector.broadcast %broadcast_in_dim3A_369 : f32 to vector<16xf32>
    %broadcast_in_dim3A_371 = arith.constant 0.000000e+00 : f32
    %broadcast_in_dim3A_372 = vector.broadcast %broadcast_in_dim3A_371 : f32 to vector<16xf32>
    %broadcast_in_dim3A_373 = arith.constant 0.000000e+00 : f32
    %broadcast_in_dim3A_374 = vector.broadcast %broadcast_in_dim3A_373 : f32 to vector<16xf32>
    %scan3A_375 = arith.constant 0 : i32
    %scan3A_376 = arith.constant 50 : i32
    %scan3A_377 = arith.addi %scan3A_375, %scan3A_376 : i32
    %scan3A_378 = arith.constant 1 : i32
    %scan3A_379:8 = scf.for %scan3A_639 = %scan3A_375 to %scan3A_377 step %scan3A_378 iter_args(%scan3A_640 = %broadcast_in_dim3A_360, %scan3A_641 = %broadcast_in_dim3A_362, %scan3A_642 = %broadcast_in_dim3A_364, %scan3A_643 = %broadcast_in_dim3A_366, %scan3A_644 = %broadcast_in_dim3A_368, %scan3A_645 = %broadcast_in_dim3A_370, %scan3A_646 = %broadcast_in_dim3A_372, %scan3A_647 = %broadcast_in_dim3A_374) -> (vector<16xf32>, vector<16xf32>, vector<16xf32>, vector<16xf32>, vector<16xf32>, vector<16xf32>, vector<16xf32>, vector<16xf32>)  : i32 {
      %mul3A_648 = arith.constant 128 : i32
      %mul3A_649 = arith.muli %scan3A_639, %mul3A_648 : i32
      %add3A_650 = arith.constant 0 : i32
      %add3A_651 = arith.addi %mul3A_649, %add3A_650 : i32
      %get3A_652 = arith.index_cast %add3A_651 : i32 to index
      %get3A_653 = tpu.vector_load %arg11[%get3A_652] {strides = array<i32>} : memref<12800xf32, #tpu.memory_space<vmem>>, vector<16xf32>,
      %mul3A_654 = arith.constant 128 : i32
      %mul3A_655 = arith.muli %scan3A_639, %mul3A_654 : i32
      %add3A_656 = arith.constant 0 : i32
      %add3A_657 = arith.addi %mul3A_655, %add3A_656 : i32
      %get3A_658 = arith.index_cast %add3A_657 : i32 to index
      %get3A_659 = tpu.vector_load %arg10[%get3A_658] {strides = array<i32>} : memref<12800xf32, #tpu.memory_space<vmem>>, vector<16xf32>,
      %mul3A_660 = arith.mulf %get3A_653, %get3A_659 : vector<16xf32>
      %add3A_661 = arith.addf %scan3A_640, %mul3A_660 : vector<16xf32>
      %mul3A_662 = arith.constant 128 : i32
      %mul3A_663 = arith.muli %scan3A_639, %mul3A_662 : i32
      %add3A_664 = arith.constant 16 : i32
      %add3A_665 = arith.addi %mul3A_663, %add3A_664 : i32
      %get3A_666 = arith.index_cast %add3A_665 : i32 to index
      %get3A_667 = tpu.vector_load %arg11[%get3A_666] {strides = array<i32>} : memref<12800xf32, #tpu.memory_space<vmem>>, vector<16xf32>,
      %mul3A_668 = arith.constant 128 : i32
      %mul3A_669 = arith.muli %scan3A_639, %mul3A_668 : i32
      %add3A_670 = arith.constant 16 : i32
      %add3A_671 = arith.addi %mul3A_669, %add3A_670 : i32
      %get3A_672 = arith.index_cast %add3A_671 : i32 to index
      %get3A_673 = tpu.vector_load %arg10[%get3A_672] {strides = array<i32>} : memref<12800xf32, #tpu.memory_space<vmem>>, vector<16xf32>,
      %mul3A_674 = arith.mulf %get3A_667, %get3A_673 : vector<16xf32>
      %add3A_675 = arith.addf %scan3A_641, %mul3A_674 : vector<16xf32>
      %mul3A_676 = arith.constant 128 : i32
      %mul3A_677 = arith.muli %scan3A_639, %mul3A_676 : i32
      %add3A_678 = arith.constant 32 : i32
      %add3A_679 = arith.addi %mul3A_677, %add3A_678 : i32
      %get3A_680 = arith.index_cast %add3A_679 : i32 to index
      %get3A_681 = tpu.vector_load %arg11[%get3A_680] {strides = array<i32>} : memref<12800xf32, #tpu.memory_space<vmem>>, vector<16xf32>,
      %mul3A_682 = arith.constant 128 : i32
      %mul3A_683 = arith.muli %scan3A_639, %mul3A_682 : i32
      %add3A_684 = arith.constant 32 : i32
      %add3A_685 = arith.addi %mul3A_683, %add3A_684 : i32
      %get3A_686 = arith.index_cast %add3A_685 : i32 to index
      %get3A_687 = tpu.vector_load %arg10[%get3A_686] {strides = array<i32>} : memref<12800xf32, #tpu.memory_space<vmem>>, vector<16xf32>,
      %mul3A_688 = arith.mulf %get3A_681, %get3A_687 : vector<16xf32>
      %add3A_689 = arith.addf %scan3A_642, %mul3A_688 : vector<16xf32>
      %mul3A_690 = arith.constant 128 : i32
      %mul3A_691 = arith.muli %scan3A_639, %mul3A_690 : i32
      %add3A_692 = arith.constant 48 : i32
      %add3A_693 = arith.addi %mul3A_691, %add3A_692 : i32
      %get3A_694 = arith.index_cast %add3A_693 : i32 to index
      %get3A_695 = tpu.vector_load %arg11[%get3A_694] {strides = array<i32>} : memref<12800xf32, #tpu.memory_space<vmem>>, vector<16xf32>,
      %mul3A_696 = arith.constant 128 : i32
      %mul3A_697 = arith.muli %scan3A_639, %mul3A_696 : i32
      %add3A_698 = arith.constant 48 : i32
      %add3A_699 = arith.addi %mul3A_697, %add3A_698 : i32
      %get3A_700 = arith.index_cast %add3A_699 : i32 to index
      %get3A_701 = tpu.vector_load %arg10[%get3A_700] {strides = array<i32>} : memref<12800xf32, #tpu.memory_space<vmem>>, vector<16xf32>,
      %mul3A_702 = arith.mulf %get3A_695, %get3A_701 : vector<16xf32>
      %add3A_703 = arith.addf %scan3A_643, %mul3A_702 : vector<16xf32>
      %mul3A_704 = arith.constant 128 : i32
      %mul3A_705 = arith.muli %scan3A_639, %mul3A_704 : i32
      %add3A_706 = arith.constant 64 : i32
      %add3A_707 = arith.addi %mul3A_705, %add3A_706 : i32
      %get3A_708 = arith.index_cast %add3A_707 : i32 to index
      %get3A_709 = tpu.vector_load %arg11[%get3A_708] {strides = array<i32>} : memref<12800xf32, #tpu.memory_space<vmem>>, vector<16xf32>,
      %mul3A_710 = arith.constant 128 : i32
      %mul3A_711 = arith.muli %scan3A_639, %mul3A_710 : i32
      %add3A_712 = arith.constant 64 : i32
      %add3A_713 = arith.addi %mul3A_711, %add3A_712 : i32
      %get3A_714 = arith.index_cast %add3A_713 : i32 to index
      %get3A_715 = tpu.vector_load %arg10[%get3A_714] {strides = array<i32>} : memref<12800xf32, #tpu.memory_space<vmem>>, vector<16xf32>,
      %mul3A_716 = arith.mulf %get3A_709, %get3A_715 : vector<16xf32>
      %add3A_717 = arith.addf %scan3A_644, %mul3A_716 : vector<16xf32>
      %mul3A_718 = arith.constant 128 : i32
      %mul3A_719 = arith.muli %scan3A_639, %mul3A_718 : i32
      %add3A_720 = arith.constant 80 : i32
      %add3A_721 = arith.addi %mul3A_719, %add3A_720 : i32
      %get3A_722 = arith.index_cast %add3A_721 : i32 to index
      %get3A_723 = tpu.vector_load %arg11[%get3A_722] {strides = array<i32>} : memref<12800xf32, #tpu.memory_space<vmem>>, vector<16xf32>,
      %mul3A_724 = arith.constant 128 : i32
      %mul3A_725 = arith.muli %scan3A_639, %mul3A_724 : i32
      %add3A_726 = arith.constant 80 : i32
      %add3A_727 = arith.addi %mul3A_725, %add3A_726 : i32
      %get3A_728 = arith.index_cast %add3A_727 : i32 to index
      %get3A_729 = tpu.vector_load %arg10[%get3A_728] {strides = array<i32>} : memref<12800xf32, #tpu.memory_space<vmem>>, vector<16xf32>,
      %mul3A_730 = arith.mulf %get3A_723, %get3A_729 : vector<16xf32>
      %add3A_731 = arith.addf %scan3A_645, %mul3A_730 : vector<16xf32>
      %mul3A_732 = arith.constant 128 : i32
      %mul3A_733 = arith.muli %scan3A_639, %mul3A_732 : i32
      %add3A_734 = arith.constant 96 : i32
      %add3A_735 = arith.addi %mul3A_733, %add3A_734 : i32
      %get3A_736 = arith.index_cast %add3A_735 : i32 to index
      %get3A_737 = tpu.vector_load %arg11[%get3A_736] {strides = array<i32>} : memref<12800xf32, #tpu.memory_space<vmem>>, vector<16xf32>,
      %mul3A_738 = arith.constant 128 : i32
      %mul3A_739 = arith.muli %scan3A_639, %mul3A_738 : i32
      %add3A_740 = arith.constant 96 : i32
      %add3A_741 = arith.addi %mul3A_739, %add3A_740 : i32
      %get3A_742 = arith.index_cast %add3A_741 : i32 to index
      %get3A_743 = tpu.vector_load %arg10[%get3A_742] {strides = array<i32>} : memref<12800xf32, #tpu.memory_space<vmem>>, vector<16xf32>,
      %mul3A_744 = arith.mulf %get3A_737, %get3A_743 : vector<16xf32>
      %add3A_745 = arith.addf %scan3A_646, %mul3A_744 : vector<16xf32>
      %mul3A_746 = arith.constant 128 : i32
      %mul3A_747 = arith.muli %scan3A_639, %mul3A_746 : i32
      %add3A_748 = arith.constant 112 : i32
      %add3A_749 = arith.addi %mul3A_747, %add3A_748 : i32
      %get3A_750 = arith.index_cast %add3A_749 : i32 to index
      %get3A_751 = tpu.vector_load %arg11[%get3A_750] {strides = array<i32>} : memref<12800xf32, #tpu.memory_space<vmem>>, vector<16xf32>,
      %mul3A_752 = arith.constant 128 : i32
      %mul3A_753 = arith.muli %scan3A_639, %mul3A_752 : i32
      %add3A_754 = arith.constant 112 : i32
      %add3A_755 = arith.addi %mul3A_753, %add3A_754 : i32
      %get3A_756 = arith.index_cast %add3A_755 : i32 to index
      %get3A_757 = tpu.vector_load %arg10[%get3A_756] {strides = array<i32>} : memref<12800xf32, #tpu.memory_space<vmem>>, vector<16xf32>,
      %mul3A_758 = arith.mulf %get3A_751, %get3A_757 : vector<16xf32>
      %add3A_759 = arith.addf %scan3A_647, %mul3A_758 : vector<16xf32>
      scf.yield %add3A_661, %add3A_675, %add3A_689, %add3A_703, %add3A_717, %add3A_731, %add3A_745, %add3A_759 : vector<16xf32>, vector<16xf32>, vector<16xf32>, vector<16xf32>, vector<16xf32>, vector<16xf32>, vector<16xf32>, vector<16xf32>
    }
    %scan3A_380 = arith.constant 50 : i32
    %dma_wait3A_381 = arith.constant 6400 : i32
    %dma_wait3A_382 = tpu.memref_slice %arg11[%dma_wait3A_381] : memref<12800xf32, #tpu.memory_space<vmem>> -> memref<6400xf32, #tpu.memory_space<vmem>>
    %dma_wait3A_383 = arith.constant 6400 : i32
    %dma_wait3A_384 = tpu.memref_slice %arg8[%dma_wait3A_383] : memref<12800xi32, #tpu.memory_space<vmem>> -> memref<6400xi32, #tpu.memory_space<vmem>>
    %dma_wait3A_385 = arith.constant 0 : i32
    %dma_wait3A_386 = tpu.memref_slice %arg14[%dma_wait3A_385] : memref<1000448xf32, #tpu.memory_space<vmem_shared>> -> memref<1000448xf32, #tpu.memory_space<vmem_shared>>
    tpu.wait_indirect_dma semaphore(%arg19 : memref<!tpu.dma_semaphore, #tpu.memory_space<semaphore_mem>>) src(%dma_wait3A_386 : memref<1000448xf32, #tpu.memory_space<vmem_shared>>) dst(%dma_wait3A_382 : memref<6400xf32, #tpu.memory_space<vmem>>)
    %dma_wait3A_387 = arith.constant 0 : i32
    %dma_wait3A_388 = arith.constant 0 : i32
    %dma_wait3A_389 = tpu.memref_slice %arg2[%dma_wait3A_387, %dma_wait3A_388] : memref<100x16384xi32, #tpu.memory_space<hbm>> -> memref<1x12800xi32, #tpu.memory_space<hbm>>
    %dma_wait3A_390 = tpu.memref_squeeze %dma_wait3A_389 : memref<1x12800xi32, #tpu.memory_space<hbm>> -> memref<12800xi32, #tpu.memory_space<hbm>>
    %dma_wait3A_391 = arith.constant 0 : i32
    %dma_wait3A_392 = tpu.memref_slice %arg2[%dma_wait3A_387, %dma_wait3A_391] : memref<100x16384xi32, #tpu.memory_space<hbm>> -> memref<1x12800xi32, #tpu.memory_space<hbm>>
    %dma_wait3A_393 = tpu.memref_squeeze %dma_wait3A_392 : memref<1x12800xi32, #tpu.memory_space<hbm>> -> memref<12800xi32, #tpu.memory_space<hbm>>
    tpu.wait_dma2 semaphore(%arg15 : memref<!tpu.dma_semaphore, #tpu.memory_space<semaphore_mem>>) src(%dma_wait3A_393 : memref<12800xi32, #tpu.memory_space<hbm>>) dst(%arg7 : memref<12800xi32, #tpu.memory_space<vmem>>)
    %dma_start3A_394 = arith.constant 0 : i32
    %dma_start3A_395 = tpu.memref_slice %arg11[%dma_start3A_394] : memref<12800xf32, #tpu.memory_space<vmem>> -> memref<6400xf32, #tpu.memory_space<vmem>>
    %dma_start3A_396 = arith.constant 0 : i32
    %dma_start3A_397 = tpu.memref_slice %arg7[%dma_start3A_396] : memref<12800xi32, #tpu.memory_space<vmem>> -> memref<6400xi32, #tpu.memory_space<vmem>>
    %dma_start3A_398 = arith.constant 0 : i32
    %dma_start3A_399 = tpu.memref_slice %arg14[%dma_start3A_398] : memref<1000448xf32, #tpu.memory_space<vmem_shared>> -> memref<1000448xf32, #tpu.memory_space<vmem_shared>>
    tpu.enqueue_indirect_dma source(%dma_start3A_399 : memref<1000448xf32, #tpu.memory_space<vmem_shared>>) target(%dma_start3A_395 : memref<6400xf32, #tpu.memory_space<vmem>>) offsets(%dma_start3A_397 : memref<6400xi32, #tpu.memory_space<vmem>>) semaphore(%arg19 : memref<!tpu.dma_semaphore, #tpu.memory_space<semaphore_mem>>)
    %scan3A_400 = arith.constant 50 : i32
    %scan3A_401 = arith.constant 50 : i32
    %scan3A_402 = arith.addi %scan3A_400, %scan3A_401 : i32
    %scan3A_403 = arith.constant 1 : i32
    %scan3A_404:8 = scf.for %scan3A_639 = %scan3A_400 to %scan3A_402 step %scan3A_403 iter_args(%scan3A_640 = %scan3A_379#0, %scan3A_641 = %scan3A_379#1, %scan3A_642 = %scan3A_379#2, %scan3A_643 = %scan3A_379#3, %scan3A_644 = %scan3A_379#4, %scan3A_645 = %scan3A_379#5, %scan3A_646 = %scan3A_379#6, %scan3A_647 = %scan3A_379#7) -> (vector<16xf32>, vector<16xf32>, vector<16xf32>, vector<16xf32>, vector<16xf32>, vector<16xf32>, vector<16xf32>, vector<16xf32>)  : i32 {
      %mul3A_648 = arith.constant 128 : i32
      %mul3A_649 = arith.muli %scan3A_639, %mul3A_648 : i32
      %add3A_650 = arith.constant 0 : i32
      %add3A_651 = arith.addi %mul3A_649, %add3A_650 : i32
      %get3A_652 = arith.index_cast %add3A_651 : i32 to index
      %get3A_653 = tpu.vector_load %arg11[%get3A_652] {strides = array<i32>} : memref<12800xf32, #tpu.memory_space<vmem>>, vector<16xf32>,
      %mul3A_654 = arith.constant 128 : i32
      %mul3A_655 = arith.muli %scan3A_639, %mul3A_654 : i32
      %add3A_656 = arith.constant 0 : i32
      %add3A_657 = arith.addi %mul3A_655, %add3A_656 : i32
      %get3A_658 = arith.index_cast %add3A_657 : i32 to index
      %get3A_659 = tpu.vector_load %arg10[%get3A_658] {strides = array<i32>} : memref<12800xf32, #tpu.memory_space<vmem>>, vector<16xf32>,
      %mul3A_660 = arith.mulf %get3A_653, %get3A_659 : vector<16xf32>
      %add3A_661 = arith.addf %scan3A_640, %mul3A_660 : vector<16xf32>
      %mul3A_662 = arith.constant 128 : i32
      %mul3A_663 = arith.muli %scan3A_639, %mul3A_662 : i32
      %add3A_664 = arith.constant 16 : i32
      %add3A_665 = arith.addi %mul3A_663, %add3A_664 : i32
      %get3A_666 = arith.index_cast %add3A_665 : i32 to index
      %get3A_667 = tpu.vector_load %arg11[%get3A_666] {strides = array<i32>} : memref<12800xf32, #tpu.memory_space<vmem>>, vector<16xf32>,
      %mul3A_668 = arith.constant 128 : i32
      %mul3A_669 = arith.muli %scan3A_639, %mul3A_668 : i32
      %add3A_670 = arith.constant 16 : i32
      %add3A_671 = arith.addi %mul3A_669, %add3A_670 : i32
      %get3A_672 = arith.index_cast %add3A_671 : i32 to index
      %get3A_673 = tpu.vector_load %arg10[%get3A_672] {strides = array<i32>} : memref<12800xf32, #tpu.memory_space<vmem>>, vector<16xf32>,
      %mul3A_674 = arith.mulf %get3A_667, %get3A_673 : vector<16xf32>
      %add3A_675 = arith.addf %scan3A_641, %mul3A_674 : vector<16xf32>
      %mul3A_676 = arith.constant 128 : i32
      %mul3A_677 = arith.muli %scan3A_639, %mul3A_676 : i32
      %add3A_678 = arith.constant 32 : i32
      %add3A_679 = arith.addi %mul3A_677, %add3A_678 : i32
      %get3A_680 = arith.index_cast %add3A_679 : i32 to index
      %get3A_681 = tpu.vector_load %arg11[%get3A_680] {strides = array<i32>} : memref<12800xf32, #tpu.memory_space<vmem>>, vector<16xf32>,
      %mul3A_682 = arith.constant 128 : i32
      %mul3A_683 = arith.muli %scan3A_639, %mul3A_682 : i32
      %add3A_684 = arith.constant 32 : i32
      %add3A_685 = arith.addi %mul3A_683, %add3A_684 : i32
      %get3A_686 = arith.index_cast %add3A_685 : i32 to index
      %get3A_687 = tpu.vector_load %arg10[%get3A_686] {strides = array<i32>} : memref<12800xf32, #tpu.memory_space<vmem>>, vector<16xf32>,
      %mul3A_688 = arith.mulf %get3A_681, %get3A_687 : vector<16xf32>
      %add3A_689 = arith.addf %scan3A_642, %mul3A_688 : vector<16xf32>
      %mul3A_690 = arith.constant 128 : i32
      %mul3A_691 = arith.muli %scan3A_639, %mul3A_690 : i32
      %add3A_692 = arith.constant 48 : i32
      %add3A_693 = arith.addi %mul3A_691, %add3A_692 : i32
      %get3A_694 = arith.index_cast %add3A_693 : i32 to index
      %get3A_695 = tpu.vector_load %arg11[%get3A_694] {strides = array<i32>} : memref<12800xf32, #tpu.memory_space<vmem>>, vector<16xf32>,
      %mul3A_696 = arith.constant 128 : i32
      %mul3A_697 = arith.muli %scan3A_639, %mul3A_696 : i32
      %add3A_698 = arith.constant 48 : i32
      %add3A_699 = arith.addi %mul3A_697, %add3A_698 : i32
      %get3A_700 = arith.index_cast %add3A_699 : i32 to index
      %get3A_701 = tpu.vector_load %arg10[%get3A_700] {strides = array<i32>} : memref<12800xf32, #tpu.memory_space<vmem>>, vector<16xf32>,
      %mul3A_702 = arith.mulf %get3A_695, %get3A_701 : vector<16xf32>
      %add3A_703 = arith.addf %scan3A_643, %mul3A_702 : vector<16xf32>
      %mul3A_704 = arith.constant 128 : i32
      %mul3A_705 = arith.muli %scan3A_639, %mul3A_704 : i32
      %add3A_706 = arith.constant 64 : i32
      %add3A_707 = arith.addi %mul3A_705, %add3A_706 : i32
      %get3A_708 = arith.index_cast %add3A_707 : i32 to index
      %get3A_709 = tpu.vector_load %arg11[%get3A_708] {strides = array<i32>} : memref<12800xf32, #tpu.memory_space<vmem>>, vector<16xf32>,
      %mul3A_710 = arith.constant 128 : i32
      %mul3A_711 = arith.muli %scan3A_639, %mul3A_710 : i32
      %add3A_712 = arith.constant 64 : i32
      %add3A_713 = arith.addi %mul3A_711, %add3A_712 : i32
      %get3A_714 = arith.index_cast %add3A_713 : i32 to index
      %get3A_715 = tpu.vector_load %arg10[%get3A_714] {strides = array<i32>} : memref<12800xf32, #tpu.memory_space<vmem>>, vector<16xf32>,
      %mul3A_716 = arith.mulf %get3A_709, %get3A_715 : vector<16xf32>
      %add3A_717 = arith.addf %scan3A_644, %mul3A_716 : vector<16xf32>
      %mul3A_718 = arith.constant 128 : i32
      %mul3A_719 = arith.muli %scan3A_639, %mul3A_718 : i32
      %add3A_720 = arith.constant 80 : i32
      %add3A_721 = arith.addi %mul3A_719, %add3A_720 : i32
      %get3A_722 = arith.index_cast %add3A_721 : i32 to index
      %get3A_723 = tpu.vector_load %arg11[%get3A_722] {strides = array<i32>} : memref<12800xf32, #tpu.memory_space<vmem>>, vector<16xf32>,
      %mul3A_724 = arith.constant 128 : i32
      %mul3A_725 = arith.muli %scan3A_639, %mul3A_724 : i32
      %add3A_726 = arith.constant 80 : i32
      %add3A_727 = arith.addi %mul3A_725, %add3A_726 : i32
      %get3A_728 = arith.index_cast %add3A_727 : i32 to index
      %get3A_729 = tpu.vector_load %arg10[%get3A_728] {strides = array<i32>} : memref<12800xf32, #tpu.memory_space<vmem>>, vector<16xf32>,
      %mul3A_730 = arith.mulf %get3A_723, %get3A_729 : vector<16xf32>
      %add3A_731 = arith.addf %scan3A_645, %mul3A_730 : vector<16xf32>
      %mul3A_732 = arith.constant 128 : i32
      %mul3A_733 = arith.muli %scan3A_639, %mul3A_732 : i32
      %add3A_734 = arith.constant 96 : i32
      %add3A_735 = arith.addi %mul3A_733, %add3A_734 : i32
      %get3A_736 = arith.index_cast %add3A_735 : i32 to index
      %get3A_737 = tpu.vector_load %arg11[%get3A_736] {strides = array<i32>} : memref<12800xf32, #tpu.memory_space<vmem>>, vector<16xf32>,
      %mul3A_738 = arith.constant 128 : i32
      %mul3A_739 = arith.muli %scan3A_639, %mul3A_738 : i32
      %add3A_740 = arith.constant 96 : i32
      %add3A_741 = arith.addi %mul3A_739, %add3A_740 : i32
      %get3A_742 = arith.index_cast %add3A_741 : i32 to index
      %get3A_743 = tpu.vector_load %arg10[%get3A_742] {strides = array<i32>} : memref<12800xf32, #tpu.memory_space<vmem>>, vector<16xf32>,
      %mul3A_744 = arith.mulf %get3A_737, %get3A_743 : vector<16xf32>
      %add3A_745 = arith.addf %scan3A_646, %mul3A_744 : vector<16xf32>
      %mul3A_746 = arith.constant 128 : i32
      %mul3A_747 = arith.muli %scan3A_639, %mul3A_746 : i32
      %add3A_748 = arith.constant 112 : i32
      %add3A_749 = arith.addi %mul3A_747, %add3A_748 : i32
      %get3A_750 = arith.index_cast %add3A_749 : i32 to index
      %get3A_751 = tpu.vector_load %arg11[%get3A_750] {strides = array<i32>} : memref<12800xf32, #tpu.memory_space<vmem>>, vector<16xf32>,
      %mul3A_752 = arith.constant 128 : i32
      %mul3A_753 = arith.muli %scan3A_639, %mul3A_752 : i32
      %add3A_754 = arith.constant 112 : i32
      %add3A_755 = arith.addi %mul3A_753, %add3A_754 : i32
      %get3A_756 = arith.index_cast %add3A_755 : i32 to index
      %get3A_757 = tpu.vector_load %arg10[%get3A_756] {strides = array<i32>} : memref<12800xf32, #tpu.memory_space<vmem>>, vector<16xf32>,
      %mul3A_758 = arith.mulf %get3A_751, %get3A_757 : vector<16xf32>
      %add3A_759 = arith.addf %scan3A_647, %mul3A_758 : vector<16xf32>
      scf.yield %add3A_661, %add3A_675, %add3A_689, %add3A_703, %add3A_717, %add3A_731, %add3A_745, %add3A_759 : vector<16xf32>, vector<16xf32>, vector<16xf32>, vector<16xf32>, vector<16xf32>, vector<16xf32>, vector<16xf32>, vector<16xf32>
    }
    %scan3A_405 = arith.constant 50 : i32
    %add3A_406 = arith.addf %scan3A_404#0, %get3A_1 : vector<16xf32>
    %swap3A_407 = arith.constant 0 : index
    %swap3A_408 = tpu.vector_load %arg12[%swap3A_407] {strides = array<i32>} : memref<128xf32, #tpu.memory_space<vmem>>, vector<16xf32>,
    tpu.vector_store %arg12[%swap3A_407], %add3A_406 {strides = array<i32>} : memref<128xf32, #tpu.memory_space<vmem>>, vector<16xf32>,
    %add3A_409 = arith.addf %scan3A_404#1, %get3A_1 : vector<16xf32>
    %swap3A_410 = arith.constant 16 : index
    %swap3A_411 = tpu.vector_load %arg12[%swap3A_410] {strides = array<i32>} : memref<128xf32, #tpu.memory_space<vmem>>, vector<16xf32>,
    tpu.vector_store %arg12[%swap3A_410], %add3A_409 {strides = array<i32>} : memref<128xf32, #tpu.memory_space<vmem>>, vector<16xf32>,
    %add3A_412 = arith.addf %scan3A_404#2, %get3A_1 : vector<16xf32>
    %swap3A_413 = arith.constant 32 : index
    %swap3A_414 = tpu.vector_load %arg12[%swap3A_413] {strides = array<i32>} : memref<128xf32, #tpu.memory_space<vmem>>, vector<16xf32>,
    tpu.vector_store %arg12[%swap3A_413], %add3A_412 {strides = array<i32>} : memref<128xf32, #tpu.memory_space<vmem>>, vector<16xf32>,
    %add3A_415 = arith.addf %scan3A_404#3, %get3A_1 : vector<16xf32>
    %swap3A_416 = arith.constant 48 : index
    %swap3A_417 = tpu.vector_load %arg12[%swap3A_416] {strides = array<i32>} : memref<128xf32, #tpu.memory_space<vmem>>, vector<16xf32>,
    tpu.vector_store %arg12[%swap3A_416], %add3A_415 {strides = array<i32>} : memref<128xf32, #tpu.memory_space<vmem>>, vector<16xf32>,
    %add3A_418 = arith.addf %scan3A_404#4, %get3A_1 : vector<16xf32>
    %swap3A_419 = arith.constant 64 : index
    %swap3A_420 = tpu.vector_load %arg12[%swap3A_419] {strides = array<i32>} : memref<128xf32, #tpu.memory_space<vmem>>, vector<16xf32>,
    tpu.vector_store %arg12[%swap3A_419], %add3A_418 {strides = array<i32>} : memref<128xf32, #tpu.memory_space<vmem>>, vector<16xf32>,
    %add3A_421 = arith.addf %scan3A_404#5, %get3A_1 : vector<16xf32>
    %swap3A_422 = arith.constant 80 : index
    %swap3A_423 = tpu.vector_load %arg12[%swap3A_422] {strides = array<i32>} : memref<128xf32, #tpu.memory_space<vmem>>, vector<16xf32>,
    tpu.vector_store %arg12[%swap3A_422], %add3A_421 {strides = array<i32>} : memref<128xf32, #tpu.memory_space<vmem>>, vector<16xf32>,
    %add3A_424 = arith.addf %scan3A_404#6, %get3A_1 : vector<16xf32>
    %swap3A_425 = arith.constant 96 : index
    %swap3A_426 = tpu.vector_load %arg12[%swap3A_425] {strides = array<i32>} : memref<128xf32, #tpu.memory_space<vmem>>, vector<16xf32>,
    tpu.vector_store %arg12[%swap3A_425], %add3A_424 {strides = array<i32>} : memref<128xf32, #tpu.memory_space<vmem>>, vector<16xf32>,
    %add3A_427 = arith.addf %scan3A_404#7, %get3A_1 : vector<16xf32>
    %swap3A_428 = arith.constant 112 : index
    %swap3A_429 = tpu.vector_load %arg12[%swap3A_428] {strides = array<i32>} : memref<128xf32, #tpu.memory_space<vmem>>, vector<16xf32>,
    tpu.vector_store %arg12[%swap3A_428], %add3A_427 {strides = array<i32>} : memref<128xf32, #tpu.memory_space<vmem>>, vector<16xf32>,
    %mul3A_430 = arith.constant 4 : i32
    %mul3A_431 = arith.muli %add3A, %mul3A_430 : i32
    %add3A_432 = arith.constant 1 : i32
    %add3A_433 = arith.addi %mul3A_431, %add3A_432 : i32
    %mul3A_434 = arith.constant 128 : i32
    %mul3A_435 = arith.muli %add3A_433, %mul3A_434 : i32
    "tpu.region"() ({
      %run_scoped3A = tpu.sem_alloc : memref<!tpu.dma_semaphore, #tpu.memory_space<semaphore_mem>>
      %dma_start3A_639 = tpu.memref_slice %arg6[%mul3A_435] : memref<16384xf32, #tpu.memory_space<hbm>> -> memref<128xf32, #tpu.memory_space<hbm>>
      %dma_start3A_640 = tpu.memref_slice %arg6[%mul3A_435] : memref<16384xf32, #tpu.memory_space<hbm>> -> memref<128xf32, #tpu.memory_space<hbm>>
      tpu.enqueue_dma source(%arg12 : memref<128xf32, #tpu.memory_space<vmem>>) target(%dma_start3A_640 : memref<128xf32, #tpu.memory_space<hbm>>) target_semaphore(%run_scoped3A : memref<!tpu.dma_semaphore, #tpu.memory_space<semaphore_mem>>)
      %dma_wait3A_641 = tpu.memref_slice %arg6[%mul3A_435] : memref<16384xf32, #tpu.memory_space<hbm>> -> memref<128xf32, #tpu.memory_space<hbm>>
      %dma_wait3A_642 = tpu.memref_slice %arg6[%mul3A_435] : memref<16384xf32, #tpu.memory_space<hbm>> -> memref<128xf32, #tpu.memory_space<hbm>>
      tpu.wait_dma2 semaphore(%run_scoped3A : memref<!tpu.dma_semaphore, #tpu.memory_space<semaphore_mem>>) src(%arg12 : memref<128xf32, #tpu.memory_space<vmem>>) dst(%dma_wait3A_642 : memref<128xf32, #tpu.memory_space<hbm>>)
      tpu.yield
    }) : () -> ()
    %mul3A_436 = arith.constant 4 : i32
    %mul3A_437 = arith.muli %add3A, %mul3A_436 : i32
    %add3A_438 = arith.constant 3 : i32
    %add3A_439 = arith.addi %mul3A_437, %add3A_438 : i32
    %mul3A_440 = arith.constant 128 : i32
    %mul3A_441 = arith.muli %add3A_439, %mul3A_440 : i32
    %scan3A_442 = arith.constant 0 : i32
    %scan3A_443 = arith.constant 0 : i32
    %scan3A_444 = arith.constant 100 : i32
    %scan3A_445 = arith.addi %scan3A_443, %scan3A_444 : i32
    %scan3A_446 = arith.constant 1 : i32
    scf.for %scan3A_639 = %scan3A_443 to %scan3A_445 step %scan3A_446  : i32 {
      %mul3A_640 = arith.constant 128 : i32
      %mul3A_641 = arith.muli %scan3A_639, %mul3A_640 : i32
      %dma_start3A_642 = tpu.memref_slice %arg8[%mul3A_641] : memref<12800xi32, #tpu.memory_space<vmem>> -> memref<128xi32, #tpu.memory_space<vmem>>
      %dma_start3A_643 = tpu.memref_slice %arg2[%scan3A_639, %mul3A_441] : memref<100x16384xi32, #tpu.memory_space<hbm>> -> memref<1x128xi32, #tpu.memory_space<hbm>>
      %dma_start3A_644 = tpu.memref_squeeze %dma_start3A_643 : memref<1x128xi32, #tpu.memory_space<hbm>> -> memref<128xi32, #tpu.memory_space<hbm>>
      %dma_start3A_645 = tpu.memref_slice %arg8[%mul3A_641] : memref<12800xi32, #tpu.memory_space<vmem>> -> memref<128xi32, #tpu.memory_space<vmem>>
      %dma_start3A_646 = tpu.memref_slice %arg2[%scan3A_639, %mul3A_441] : memref<100x16384xi32, #tpu.memory_space<hbm>> -> memref<1x128xi32, #tpu.memory_space<hbm>>
      %dma_start3A_647 = tpu.memref_squeeze %dma_start3A_646 : memref<1x128xi32, #tpu.memory_space<hbm>> -> memref<128xi32, #tpu.memory_space<hbm>>
      tpu.enqueue_dma source(%dma_start3A_647 : memref<128xi32, #tpu.memory_space<hbm>>) target(%dma_start3A_645 : memref<128xi32, #tpu.memory_space<vmem>>) target_semaphore(%arg16 : memref<!tpu.dma_semaphore, #tpu.memory_space<semaphore_mem>>)
    }
    %scan3A_447 = arith.constant 100 : i32
    %mul3A_448 = arith.constant 4 : i32
    %mul3A_449 = arith.muli %add3A, %mul3A_448 : i32
    %add3A_450 = arith.constant 3 : i32
    %add3A_451 = arith.addi %mul3A_449, %add3A_450 : i32
    %mul3A_452 = arith.constant 128 : i32
    %mul3A_453 = arith.muli %add3A_451, %mul3A_452 : i32
    %scan3A_454 = arith.constant 0 : i32
    %scan3A_455 = arith.constant 0 : i32
    %scan3A_456 = arith.constant 100 : i32
    %scan3A_457 = arith.addi %scan3A_455, %scan3A_456 : i32
    %scan3A_458 = arith.constant 1 : i32
    scf.for %scan3A_639 = %scan3A_455 to %scan3A_457 step %scan3A_458  : i32 {
      %mul3A_640 = arith.constant 128 : i32
      %mul3A_641 = arith.muli %scan3A_639, %mul3A_640 : i32
      %dma_start3A_642 = tpu.memref_slice %arg10[%mul3A_641] : memref<12800xf32, #tpu.memory_space<vmem>> -> memref<128xf32, #tpu.memory_space<vmem>>
      %dma_start3A_643 = tpu.memref_slice %arg3[%scan3A_639, %mul3A_453] : memref<100x16384xf32, #tpu.memory_space<hbm>> -> memref<1x128xf32, #tpu.memory_space<hbm>>
      %dma_start3A_644 = tpu.memref_squeeze %dma_start3A_643 : memref<1x128xf32, #tpu.memory_space<hbm>> -> memref<128xf32, #tpu.memory_space<hbm>>
      %dma_start3A_645 = tpu.memref_slice %arg10[%mul3A_641] : memref<12800xf32, #tpu.memory_space<vmem>> -> memref<128xf32, #tpu.memory_space<vmem>>
      %dma_start3A_646 = tpu.memref_slice %arg3[%scan3A_639, %mul3A_453] : memref<100x16384xf32, #tpu.memory_space<hbm>> -> memref<1x128xf32, #tpu.memory_space<hbm>>
      %dma_start3A_647 = tpu.memref_squeeze %dma_start3A_646 : memref<1x128xf32, #tpu.memory_space<hbm>> -> memref<128xf32, #tpu.memory_space<hbm>>
      tpu.enqueue_dma source(%dma_start3A_647 : memref<128xf32, #tpu.memory_space<hbm>>) target(%dma_start3A_645 : memref<128xf32, #tpu.memory_space<vmem>>) target_semaphore(%arg18 : memref<!tpu.dma_semaphore, #tpu.memory_space<semaphore_mem>>)
    }
    %scan3A_459 = arith.constant 100 : i32
    %dma_wait3A_460 = arith.constant 0 : i32
    %dma_wait3A_461 = arith.constant 0 : i32
    %dma_wait3A_462 = tpu.memref_slice %arg3[%dma_wait3A_460, %dma_wait3A_461] : memref<100x16384xf32, #tpu.memory_space<hbm>> -> memref<1x12800xf32, #tpu.memory_space<hbm>>
    %dma_wait3A_463 = tpu.memref_squeeze %dma_wait3A_462 : memref<1x12800xf32, #tpu.memory_space<hbm>> -> memref<12800xf32, #tpu.memory_space<hbm>>
    %dma_wait3A_464 = arith.constant 0 : i32
    %dma_wait3A_465 = tpu.memref_slice %arg3[%dma_wait3A_460, %dma_wait3A_464] : memref<100x16384xf32, #tpu.memory_space<hbm>> -> memref<1x12800xf32, #tpu.memory_space<hbm>>
    %dma_wait3A_466 = tpu.memref_squeeze %dma_wait3A_465 : memref<1x12800xf32, #tpu.memory_space<hbm>> -> memref<12800xf32, #tpu.memory_space<hbm>>
    tpu.wait_dma2 semaphore(%arg17 : memref<!tpu.dma_semaphore, #tpu.memory_space<semaphore_mem>>) src(%dma_wait3A_466 : memref<12800xf32, #tpu.memory_space<hbm>>) dst(%arg9 : memref<12800xf32, #tpu.memory_space<vmem>>)
    %dma_wait3A_467 = arith.constant 0 : i32
    %dma_wait3A_468 = tpu.memref_slice %arg11[%dma_wait3A_467] : memref<12800xf32, #tpu.memory_space<vmem>> -> memref<6400xf32, #tpu.memory_space<vmem>>
    %dma_wait3A_469 = arith.constant 0 : i32
    %dma_wait3A_470 = tpu.memref_slice %arg7[%dma_wait3A_469] : memref<12800xi32, #tpu.memory_space<vmem>> -> memref<6400xi32, #tpu.memory_space<vmem>>
    %dma_wait3A_471 = arith.constant 0 : i32
    %dma_wait3A_472 = tpu.memref_slice %arg14[%dma_wait3A_471] : memref<1000448xf32, #tpu.memory_space<vmem_shared>> -> memref<1000448xf32, #tpu.memory_space<vmem_shared>>
    tpu.wait_indirect_dma semaphore(%arg19 : memref<!tpu.dma_semaphore, #tpu.memory_space<semaphore_mem>>) src(%dma_wait3A_472 : memref<1000448xf32, #tpu.memory_space<vmem_shared>>) dst(%dma_wait3A_468 : memref<6400xf32, #tpu.memory_space<vmem>>)
    %dma_start3A_473 = arith.constant 6400 : i32
    %dma_start3A_474 = tpu.memref_slice %arg11[%dma_start3A_473] : memref<12800xf32, #tpu.memory_space<vmem>> -> memref<6400xf32, #tpu.memory_space<vmem>>
    %dma_start3A_475 = arith.constant 6400 : i32
    %dma_start3A_476 = tpu.memref_slice %arg7[%dma_start3A_475] : memref<12800xi32, #tpu.memory_space<vmem>> -> memref<6400xi32, #tpu.memory_space<vmem>>
    %dma_start3A_477 = arith.constant 0 : i32
    %dma_start3A_478 = tpu.memref_slice %arg14[%dma_start3A_477] : memref<1000448xf32, #tpu.memory_space<vmem_shared>> -> memref<1000448xf32, #tpu.memory_space<vmem_shared>>
    tpu.enqueue_indirect_dma source(%dma_start3A_478 : memref<1000448xf32, #tpu.memory_space<vmem_shared>>) target(%dma_start3A_474 : memref<6400xf32, #tpu.memory_space<vmem>>) offsets(%dma_start3A_476 : memref<6400xi32, #tpu.memory_space<vmem>>) semaphore(%arg19 : memref<!tpu.dma_semaphore, #tpu.memory_space<semaphore_mem>>)
    %broadcast_in_dim3A_479 = arith.constant 0.000000e+00 : f32
    %broadcast_in_dim3A_480 = vector.broadcast %broadcast_in_dim3A_479 : f32 to vector<16xf32>
    %broadcast_in_dim3A_481 = arith.constant 0.000000e+00 : f32
    %broadcast_in_dim3A_482 = vector.broadcast %broadcast_in_dim3A_481 : f32 to vector<16xf32>
    %broadcast_in_dim3A_483 = arith.constant 0.000000e+00 : f32
    %broadcast_in_dim3A_484 = vector.broadcast %broadcast_in_dim3A_483 : f32 to vector<16xf32>
    %broadcast_in_dim3A_485 = arith.constant 0.000000e+00 : f32
    %broadcast_in_dim3A_486 = vector.broadcast %broadcast_in_dim3A_485 : f32 to vector<16xf32>
    %broadcast_in_dim3A_487 = arith.constant 0.000000e+00 : f32
    %broadcast_in_dim3A_488 = vector.broadcast %broadcast_in_dim3A_487 : f32 to vector<16xf32>
    %broadcast_in_dim3A_489 = arith.constant 0.000000e+00 : f32
    %broadcast_in_dim3A_490 = vector.broadcast %broadcast_in_dim3A_489 : f32 to vector<16xf32>
    %broadcast_in_dim3A_491 = arith.constant 0.000000e+00 : f32
    %broadcast_in_dim3A_492 = vector.broadcast %broadcast_in_dim3A_491 : f32 to vector<16xf32>
    %broadcast_in_dim3A_493 = arith.constant 0.000000e+00 : f32
    %broadcast_in_dim3A_494 = vector.broadcast %broadcast_in_dim3A_493 : f32 to vector<16xf32>
    %scan3A_495 = arith.constant 0 : i32
    %scan3A_496 = arith.constant 50 : i32
    %scan3A_497 = arith.addi %scan3A_495, %scan3A_496 : i32
    %scan3A_498 = arith.constant 1 : i32
    %scan3A_499:8 = scf.for %scan3A_639 = %scan3A_495 to %scan3A_497 step %scan3A_498 iter_args(%scan3A_640 = %broadcast_in_dim3A_480, %scan3A_641 = %broadcast_in_dim3A_482, %scan3A_642 = %broadcast_in_dim3A_484, %scan3A_643 = %broadcast_in_dim3A_486, %scan3A_644 = %broadcast_in_dim3A_488, %scan3A_645 = %broadcast_in_dim3A_490, %scan3A_646 = %broadcast_in_dim3A_492, %scan3A_647 = %broadcast_in_dim3A_494) -> (vector<16xf32>, vector<16xf32>, vector<16xf32>, vector<16xf32>, vector<16xf32>, vector<16xf32>, vector<16xf32>, vector<16xf32>)  : i32 {
      %mul3A_648 = arith.constant 128 : i32
      %mul3A_649 = arith.muli %scan3A_639, %mul3A_648 : i32
      %add3A_650 = arith.constant 0 : i32
      %add3A_651 = arith.addi %mul3A_649, %add3A_650 : i32
      %get3A_652 = arith.index_cast %add3A_651 : i32 to index
      %get3A_653 = tpu.vector_load %arg11[%get3A_652] {strides = array<i32>} : memref<12800xf32, #tpu.memory_space<vmem>>, vector<16xf32>,
      %mul3A_654 = arith.constant 128 : i32
      %mul3A_655 = arith.muli %scan3A_639, %mul3A_654 : i32
      %add3A_656 = arith.constant 0 : i32
      %add3A_657 = arith.addi %mul3A_655, %add3A_656 : i32
      %get3A_658 = arith.index_cast %add3A_657 : i32 to index
      %get3A_659 = tpu.vector_load %arg9[%get3A_658] {strides = array<i32>} : memref<12800xf32, #tpu.memory_space<vmem>>, vector<16xf32>,
      %mul3A_660 = arith.mulf %get3A_653, %get3A_659 : vector<16xf32>
      %add3A_661 = arith.addf %scan3A_640, %mul3A_660 : vector<16xf32>
      %mul3A_662 = arith.constant 128 : i32
      %mul3A_663 = arith.muli %scan3A_639, %mul3A_662 : i32
      %add3A_664 = arith.constant 16 : i32
      %add3A_665 = arith.addi %mul3A_663, %add3A_664 : i32
      %get3A_666 = arith.index_cast %add3A_665 : i32 to index
      %get3A_667 = tpu.vector_load %arg11[%get3A_666] {strides = array<i32>} : memref<12800xf32, #tpu.memory_space<vmem>>, vector<16xf32>,
      %mul3A_668 = arith.constant 128 : i32
      %mul3A_669 = arith.muli %scan3A_639, %mul3A_668 : i32
      %add3A_670 = arith.constant 16 : i32
      %add3A_671 = arith.addi %mul3A_669, %add3A_670 : i32
      %get3A_672 = arith.index_cast %add3A_671 : i32 to index
      %get3A_673 = tpu.vector_load %arg9[%get3A_672] {strides = array<i32>} : memref<12800xf32, #tpu.memory_space<vmem>>, vector<16xf32>,
      %mul3A_674 = arith.mulf %get3A_667, %get3A_673 : vector<16xf32>
      %add3A_675 = arith.addf %scan3A_641, %mul3A_674 : vector<16xf32>
      %mul3A_676 = arith.constant 128 : i32
      %mul3A_677 = arith.muli %scan3A_639, %mul3A_676 : i32
      %add3A_678 = arith.constant 32 : i32
      %add3A_679 = arith.addi %mul3A_677, %add3A_678 : i32
      %get3A_680 = arith.index_cast %add3A_679 : i32 to index
      %get3A_681 = tpu.vector_load %arg11[%get3A_680] {strides = array<i32>} : memref<12800xf32, #tpu.memory_space<vmem>>, vector<16xf32>,
      %mul3A_682 = arith.constant 128 : i32
      %mul3A_683 = arith.muli %scan3A_639, %mul3A_682 : i32
      %add3A_684 = arith.constant 32 : i32
      %add3A_685 = arith.addi %mul3A_683, %add3A_684 : i32
      %get3A_686 = arith.index_cast %add3A_685 : i32 to index
      %get3A_687 = tpu.vector_load %arg9[%get3A_686] {strides = array<i32>} : memref<12800xf32, #tpu.memory_space<vmem>>, vector<16xf32>,
      %mul3A_688 = arith.mulf %get3A_681, %get3A_687 : vector<16xf32>
      %add3A_689 = arith.addf %scan3A_642, %mul3A_688 : vector<16xf32>
      %mul3A_690 = arith.constant 128 : i32
      %mul3A_691 = arith.muli %scan3A_639, %mul3A_690 : i32
      %add3A_692 = arith.constant 48 : i32
      %add3A_693 = arith.addi %mul3A_691, %add3A_692 : i32
      %get3A_694 = arith.index_cast %add3A_693 : i32 to index
      %get3A_695 = tpu.vector_load %arg11[%get3A_694] {strides = array<i32>} : memref<12800xf32, #tpu.memory_space<vmem>>, vector<16xf32>,
      %mul3A_696 = arith.constant 128 : i32
      %mul3A_697 = arith.muli %scan3A_639, %mul3A_696 : i32
      %add3A_698 = arith.constant 48 : i32
      %add3A_699 = arith.addi %mul3A_697, %add3A_698 : i32
      %get3A_700 = arith.index_cast %add3A_699 : i32 to index
      %get3A_701 = tpu.vector_load %arg9[%get3A_700] {strides = array<i32>} : memref<12800xf32, #tpu.memory_space<vmem>>, vector<16xf32>,
      %mul3A_702 = arith.mulf %get3A_695, %get3A_701 : vector<16xf32>
      %add3A_703 = arith.addf %scan3A_643, %mul3A_702 : vector<16xf32>
      %mul3A_704 = arith.constant 128 : i32
      %mul3A_705 = arith.muli %scan3A_639, %mul3A_704 : i32
      %add3A_706 = arith.constant 64 : i32
      %add3A_707 = arith.addi %mul3A_705, %add3A_706 : i32
      %get3A_708 = arith.index_cast %add3A_707 : i32 to index
      %get3A_709 = tpu.vector_load %arg11[%get3A_708] {strides = array<i32>} : memref<12800xf32, #tpu.memory_space<vmem>>, vector<16xf32>,
      %mul3A_710 = arith.constant 128 : i32
      %mul3A_711 = arith.muli %scan3A_639, %mul3A_710 : i32
      %add3A_712 = arith.constant 64 : i32
      %add3A_713 = arith.addi %mul3A_711, %add3A_712 : i32
      %get3A_714 = arith.index_cast %add3A_713 : i32 to index
      %get3A_715 = tpu.vector_load %arg9[%get3A_714] {strides = array<i32>} : memref<12800xf32, #tpu.memory_space<vmem>>, vector<16xf32>,
      %mul3A_716 = arith.mulf %get3A_709, %get3A_715 : vector<16xf32>
      %add3A_717 = arith.addf %scan3A_644, %mul3A_716 : vector<16xf32>
      %mul3A_718 = arith.constant 128 : i32
      %mul3A_719 = arith.muli %scan3A_639, %mul3A_718 : i32
      %add3A_720 = arith.constant 80 : i32
      %add3A_721 = arith.addi %mul3A_719, %add3A_720 : i32
      %get3A_722 = arith.index_cast %add3A_721 : i32 to index
      %get3A_723 = tpu.vector_load %arg11[%get3A_722] {strides = array<i32>} : memref<12800xf32, #tpu.memory_space<vmem>>, vector<16xf32>,
      %mul3A_724 = arith.constant 128 : i32
      %mul3A_725 = arith.muli %scan3A_639, %mul3A_724 : i32
      %add3A_726 = arith.constant 80 : i32
      %add3A_727 = arith.addi %mul3A_725, %add3A_726 : i32
      %get3A_728 = arith.index_cast %add3A_727 : i32 to index
      %get3A_729 = tpu.vector_load %arg9[%get3A_728] {strides = array<i32>} : memref<12800xf32, #tpu.memory_space<vmem>>, vector<16xf32>,
      %mul3A_730 = arith.mulf %get3A_723, %get3A_729 : vector<16xf32>
      %add3A_731 = arith.addf %scan3A_645, %mul3A_730 : vector<16xf32>
      %mul3A_732 = arith.constant 128 : i32
      %mul3A_733 = arith.muli %scan3A_639, %mul3A_732 : i32
      %add3A_734 = arith.constant 96 : i32
      %add3A_735 = arith.addi %mul3A_733, %add3A_734 : i32
      %get3A_736 = arith.index_cast %add3A_735 : i32 to index
      %get3A_737 = tpu.vector_load %arg11[%get3A_736] {strides = array<i32>} : memref<12800xf32, #tpu.memory_space<vmem>>, vector<16xf32>,
      %mul3A_738 = arith.constant 128 : i32
      %mul3A_739 = arith.muli %scan3A_639, %mul3A_738 : i32
      %add3A_740 = arith.constant 96 : i32
      %add3A_741 = arith.addi %mul3A_739, %add3A_740 : i32
      %get3A_742 = arith.index_cast %add3A_741 : i32 to index
      %get3A_743 = tpu.vector_load %arg9[%get3A_742] {strides = array<i32>} : memref<12800xf32, #tpu.memory_space<vmem>>, vector<16xf32>,
      %mul3A_744 = arith.mulf %get3A_737, %get3A_743 : vector<16xf32>
      %add3A_745 = arith.addf %scan3A_646, %mul3A_744 : vector<16xf32>
      %mul3A_746 = arith.constant 128 : i32
      %mul3A_747 = arith.muli %scan3A_639, %mul3A_746 : i32
      %add3A_748 = arith.constant 112 : i32
      %add3A_749 = arith.addi %mul3A_747, %add3A_748 : i32
      %get3A_750 = arith.index_cast %add3A_749 : i32 to index
      %get3A_751 = tpu.vector_load %arg11[%get3A_750] {strides = array<i32>} : memref<12800xf32, #tpu.memory_space<vmem>>, vector<16xf32>,
      %mul3A_752 = arith.constant 128 : i32
      %mul3A_753 = arith.muli %scan3A_639, %mul3A_752 : i32
      %add3A_754 = arith.constant 112 : i32
      %add3A_755 = arith.addi %mul3A_753, %add3A_754 : i32
      %get3A_756 = arith.index_cast %add3A_755 : i32 to index
      %get3A_757 = tpu.vector_load %arg9[%get3A_756] {strides = array<i32>} : memref<12800xf32, #tpu.memory_space<vmem>>, vector<16xf32>,
      %mul3A_758 = arith.mulf %get3A_751, %get3A_757 : vector<16xf32>
      %add3A_759 = arith.addf %scan3A_647, %mul3A_758 : vector<16xf32>
      scf.yield %add3A_661, %add3A_675, %add3A_689, %add3A_703, %add3A_717, %add3A_731, %add3A_745, %add3A_759 : vector<16xf32>, vector<16xf32>, vector<16xf32>, vector<16xf32>, vector<16xf32>, vector<16xf32>, vector<16xf32>, vector<16xf32>
    }
    %scan3A_500 = arith.constant 50 : i32
    %dma_wait3A_501 = arith.constant 6400 : i32
    %dma_wait3A_502 = tpu.memref_slice %arg11[%dma_wait3A_501] : memref<12800xf32, #tpu.memory_space<vmem>> -> memref<6400xf32, #tpu.memory_space<vmem>>
    %dma_wait3A_503 = arith.constant 6400 : i32
    %dma_wait3A_504 = tpu.memref_slice %arg7[%dma_wait3A_503] : memref<12800xi32, #tpu.memory_space<vmem>> -> memref<6400xi32, #tpu.memory_space<vmem>>
    %dma_wait3A_505 = arith.constant 0 : i32
    %dma_wait3A_506 = tpu.memref_slice %arg14[%dma_wait3A_505] : memref<1000448xf32, #tpu.memory_space<vmem_shared>> -> memref<1000448xf32, #tpu.memory_space<vmem_shared>>
    tpu.wait_indirect_dma semaphore(%arg19 : memref<!tpu.dma_semaphore, #tpu.memory_space<semaphore_mem>>) src(%dma_wait3A_506 : memref<1000448xf32, #tpu.memory_space<vmem_shared>>) dst(%dma_wait3A_502 : memref<6400xf32, #tpu.memory_space<vmem>>)
    %dma_wait3A_507 = arith.constant 0 : i32
    %dma_wait3A_508 = arith.constant 0 : i32
    %dma_wait3A_509 = tpu.memref_slice %arg2[%dma_wait3A_507, %dma_wait3A_508] : memref<100x16384xi32, #tpu.memory_space<hbm>> -> memref<1x12800xi32, #tpu.memory_space<hbm>>
    %dma_wait3A_510 = tpu.memref_squeeze %dma_wait3A_509 : memref<1x12800xi32, #tpu.memory_space<hbm>> -> memref<12800xi32, #tpu.memory_space<hbm>>
    %dma_wait3A_511 = arith.constant 0 : i32
    %dma_wait3A_512 = tpu.memref_slice %arg2[%dma_wait3A_507, %dma_wait3A_511] : memref<100x16384xi32, #tpu.memory_space<hbm>> -> memref<1x12800xi32, #tpu.memory_space<hbm>>
    %dma_wait3A_513 = tpu.memref_squeeze %dma_wait3A_512 : memref<1x12800xi32, #tpu.memory_space<hbm>> -> memref<12800xi32, #tpu.memory_space<hbm>>
    tpu.wait_dma2 semaphore(%arg16 : memref<!tpu.dma_semaphore, #tpu.memory_space<semaphore_mem>>) src(%dma_wait3A_513 : memref<12800xi32, #tpu.memory_space<hbm>>) dst(%arg8 : memref<12800xi32, #tpu.memory_space<vmem>>)
    %dma_start3A_514 = arith.constant 0 : i32
    %dma_start3A_515 = tpu.memref_slice %arg11[%dma_start3A_514] : memref<12800xf32, #tpu.memory_space<vmem>> -> memref<6400xf32, #tpu.memory_space<vmem>>
    %dma_start3A_516 = arith.constant 0 : i32
    %dma_start3A_517 = tpu.memref_slice %arg8[%dma_start3A_516] : memref<12800xi32, #tpu.memory_space<vmem>> -> memref<6400xi32, #tpu.memory_space<vmem>>
    %dma_start3A_518 = arith.constant 0 : i32
    %dma_start3A_519 = tpu.memref_slice %arg14[%dma_start3A_518] : memref<1000448xf32, #tpu.memory_space<vmem_shared>> -> memref<1000448xf32, #tpu.memory_space<vmem_shared>>
    tpu.enqueue_indirect_dma source(%dma_start3A_519 : memref<1000448xf32, #tpu.memory_space<vmem_shared>>) target(%dma_start3A_515 : memref<6400xf32, #tpu.memory_space<vmem>>) offsets(%dma_start3A_517 : memref<6400xi32, #tpu.memory_space<vmem>>) semaphore(%arg19 : memref<!tpu.dma_semaphore, #tpu.memory_space<semaphore_mem>>)
    %scan3A_520 = arith.constant 50 : i32
    %scan3A_521 = arith.constant 50 : i32
    %scan3A_522 = arith.addi %scan3A_520, %scan3A_521 : i32
    %scan3A_523 = arith.constant 1 : i32
    %scan3A_524:8 = scf.for %scan3A_639 = %scan3A_520 to %scan3A_522 step %scan3A_523 iter_args(%scan3A_640 = %scan3A_499#0, %scan3A_641 = %scan3A_499#1, %scan3A_642 = %scan3A_499#2, %scan3A_643 = %scan3A_499#3, %scan3A_644 = %scan3A_499#4, %scan3A_645 = %scan3A_499#5, %scan3A_646 = %scan3A_499#6, %scan3A_647 = %scan3A_499#7) -> (vector<16xf32>, vector<16xf32>, vector<16xf32>, vector<16xf32>, vector<16xf32>, vector<16xf32>, vector<16xf32>, vector<16xf32>)  : i32 {
      %mul3A_648 = arith.constant 128 : i32
      %mul3A_649 = arith.muli %scan3A_639, %mul3A_648 : i32
      %add3A_650 = arith.constant 0 : i32
      %add3A_651 = arith.addi %mul3A_649, %add3A_650 : i32
      %get3A_652 = arith.index_cast %add3A_651 : i32 to index
      %get3A_653 = tpu.vector_load %arg11[%get3A_652] {strides = array<i32>} : memref<12800xf32, #tpu.memory_space<vmem>>, vector<16xf32>,
      %mul3A_654 = arith.constant 128 : i32
      %mul3A_655 = arith.muli %scan3A_639, %mul3A_654 : i32
      %add3A_656 = arith.constant 0 : i32
      %add3A_657 = arith.addi %mul3A_655, %add3A_656 : i32
      %get3A_658 = arith.index_cast %add3A_657 : i32 to index
      %get3A_659 = tpu.vector_load %arg9[%get3A_658] {strides = array<i32>} : memref<12800xf32, #tpu.memory_space<vmem>>, vector<16xf32>,
      %mul3A_660 = arith.mulf %get3A_653, %get3A_659 : vector<16xf32>
      %add3A_661 = arith.addf %scan3A_640, %mul3A_660 : vector<16xf32>
      %mul3A_662 = arith.constant 128 : i32
      %mul3A_663 = arith.muli %scan3A_639, %mul3A_662 : i32
      %add3A_664 = arith.constant 16 : i32
      %add3A_665 = arith.addi %mul3A_663, %add3A_664 : i32
      %get3A_666 = arith.index_cast %add3A_665 : i32 to index
      %get3A_667 = tpu.vector_load %arg11[%get3A_666] {strides = array<i32>} : memref<12800xf32, #tpu.memory_space<vmem>>, vector<16xf32>,
      %mul3A_668 = arith.constant 128 : i32
      %mul3A_669 = arith.muli %scan3A_639, %mul3A_668 : i32
      %add3A_670 = arith.constant 16 : i32
      %add3A_671 = arith.addi %mul3A_669, %add3A_670 : i32
      %get3A_672 = arith.index_cast %add3A_671 : i32 to index
      %get3A_673 = tpu.vector_load %arg9[%get3A_672] {strides = array<i32>} : memref<12800xf32, #tpu.memory_space<vmem>>, vector<16xf32>,
      %mul3A_674 = arith.mulf %get3A_667, %get3A_673 : vector<16xf32>
      %add3A_675 = arith.addf %scan3A_641, %mul3A_674 : vector<16xf32>
      %mul3A_676 = arith.constant 128 : i32
      %mul3A_677 = arith.muli %scan3A_639, %mul3A_676 : i32
      %add3A_678 = arith.constant 32 : i32
      %add3A_679 = arith.addi %mul3A_677, %add3A_678 : i32
      %get3A_680 = arith.index_cast %add3A_679 : i32 to index
      %get3A_681 = tpu.vector_load %arg11[%get3A_680] {strides = array<i32>} : memref<12800xf32, #tpu.memory_space<vmem>>, vector<16xf32>,
      %mul3A_682 = arith.constant 128 : i32
      %mul3A_683 = arith.muli %scan3A_639, %mul3A_682 : i32
      %add3A_684 = arith.constant 32 : i32
      %add3A_685 = arith.addi %mul3A_683, %add3A_684 : i32
      %get3A_686 = arith.index_cast %add3A_685 : i32 to index
      %get3A_687 = tpu.vector_load %arg9[%get3A_686] {strides = array<i32>} : memref<12800xf32, #tpu.memory_space<vmem>>, vector<16xf32>,
      %mul3A_688 = arith.mulf %get3A_681, %get3A_687 : vector<16xf32>
      %add3A_689 = arith.addf %scan3A_642, %mul3A_688 : vector<16xf32>
      %mul3A_690 = arith.constant 128 : i32
      %mul3A_691 = arith.muli %scan3A_639, %mul3A_690 : i32
      %add3A_692 = arith.constant 48 : i32
      %add3A_693 = arith.addi %mul3A_691, %add3A_692 : i32
      %get3A_694 = arith.index_cast %add3A_693 : i32 to index
      %get3A_695 = tpu.vector_load %arg11[%get3A_694] {strides = array<i32>} : memref<12800xf32, #tpu.memory_space<vmem>>, vector<16xf32>,
      %mul3A_696 = arith.constant 128 : i32
      %mul3A_697 = arith.muli %scan3A_639, %mul3A_696 : i32
      %add3A_698 = arith.constant 48 : i32
      %add3A_699 = arith.addi %mul3A_697, %add3A_698 : i32
      %get3A_700 = arith.index_cast %add3A_699 : i32 to index
      %get3A_701 = tpu.vector_load %arg9[%get3A_700] {strides = array<i32>} : memref<12800xf32, #tpu.memory_space<vmem>>, vector<16xf32>,
      %mul3A_702 = arith.mulf %get3A_695, %get3A_701 : vector<16xf32>
      %add3A_703 = arith.addf %scan3A_643, %mul3A_702 : vector<16xf32>
      %mul3A_704 = arith.constant 128 : i32
      %mul3A_705 = arith.muli %scan3A_639, %mul3A_704 : i32
      %add3A_706 = arith.constant 64 : i32
      %add3A_707 = arith.addi %mul3A_705, %add3A_706 : i32
      %get3A_708 = arith.index_cast %add3A_707 : i32 to index
      %get3A_709 = tpu.vector_load %arg11[%get3A_708] {strides = array<i32>} : memref<12800xf32, #tpu.memory_space<vmem>>, vector<16xf32>,
      %mul3A_710 = arith.constant 128 : i32
      %mul3A_711 = arith.muli %scan3A_639, %mul3A_710 : i32
      %add3A_712 = arith.constant 64 : i32
      %add3A_713 = arith.addi %mul3A_711, %add3A_712 : i32
      %get3A_714 = arith.index_cast %add3A_713 : i32 to index
      %get3A_715 = tpu.vector_load %arg9[%get3A_714] {strides = array<i32>} : memref<12800xf32, #tpu.memory_space<vmem>>, vector<16xf32>,
      %mul3A_716 = arith.mulf %get3A_709, %get3A_715 : vector<16xf32>
      %add3A_717 = arith.addf %scan3A_644, %mul3A_716 : vector<16xf32>
      %mul3A_718 = arith.constant 128 : i32
      %mul3A_719 = arith.muli %scan3A_639, %mul3A_718 : i32
      %add3A_720 = arith.constant 80 : i32
      %add3A_721 = arith.addi %mul3A_719, %add3A_720 : i32
      %get3A_722 = arith.index_cast %add3A_721 : i32 to index
      %get3A_723 = tpu.vector_load %arg11[%get3A_722] {strides = array<i32>} : memref<12800xf32, #tpu.memory_space<vmem>>, vector<16xf32>,
      %mul3A_724 = arith.constant 128 : i32
      %mul3A_725 = arith.muli %scan3A_639, %mul3A_724 : i32
      %add3A_726 = arith.constant 80 : i32
      %add3A_727 = arith.addi %mul3A_725, %add3A_726 : i32
      %get3A_728 = arith.index_cast %add3A_727 : i32 to index
      %get3A_729 = tpu.vector_load %arg9[%get3A_728] {strides = array<i32>} : memref<12800xf32, #tpu.memory_space<vmem>>, vector<16xf32>,
      %mul3A_730 = arith.mulf %get3A_723, %get3A_729 : vector<16xf32>
      %add3A_731 = arith.addf %scan3A_645, %mul3A_730 : vector<16xf32>
      %mul3A_732 = arith.constant 128 : i32
      %mul3A_733 = arith.muli %scan3A_639, %mul3A_732 : i32
      %add3A_734 = arith.constant 96 : i32
      %add3A_735 = arith.addi %mul3A_733, %add3A_734 : i32
      %get3A_736 = arith.index_cast %add3A_735 : i32 to index
      %get3A_737 = tpu.vector_load %arg11[%get3A_736] {strides = array<i32>} : memref<12800xf32, #tpu.memory_space<vmem>>, vector<16xf32>,
      %mul3A_738 = arith.constant 128 : i32
      %mul3A_739 = arith.muli %scan3A_639, %mul3A_738 : i32
      %add3A_740 = arith.constant 96 : i32
      %add3A_741 = arith.addi %mul3A_739, %add3A_740 : i32
      %get3A_742 = arith.index_cast %add3A_741 : i32 to index
      %get3A_743 = tpu.vector_load %arg9[%get3A_742] {strides = array<i32>} : memref<12800xf32, #tpu.memory_space<vmem>>, vector<16xf32>,
      %mul3A_744 = arith.mulf %get3A_737, %get3A_743 : vector<16xf32>
      %add3A_745 = arith.addf %scan3A_646, %mul3A_744 : vector<16xf32>
      %mul3A_746 = arith.constant 128 : i32
      %mul3A_747 = arith.muli %scan3A_639, %mul3A_746 : i32
      %add3A_748 = arith.constant 112 : i32
      %add3A_749 = arith.addi %mul3A_747, %add3A_748 : i32
      %get3A_750 = arith.index_cast %add3A_749 : i32 to index
      %get3A_751 = tpu.vector_load %arg11[%get3A_750] {strides = array<i32>} : memref<12800xf32, #tpu.memory_space<vmem>>, vector<16xf32>,
      %mul3A_752 = arith.constant 128 : i32
      %mul3A_753 = arith.muli %scan3A_639, %mul3A_752 : i32
      %add3A_754 = arith.constant 112 : i32
      %add3A_755 = arith.addi %mul3A_753, %add3A_754 : i32
      %get3A_756 = arith.index_cast %add3A_755 : i32 to index
      %get3A_757 = tpu.vector_load %arg9[%get3A_756] {strides = array<i32>} : memref<12800xf32, #tpu.memory_space<vmem>>, vector<16xf32>,
      %mul3A_758 = arith.mulf %get3A_751, %get3A_757 : vector<16xf32>
      %add3A_759 = arith.addf %scan3A_647, %mul3A_758 : vector<16xf32>
      scf.yield %add3A_661, %add3A_675, %add3A_689, %add3A_703, %add3A_717, %add3A_731, %add3A_745, %add3A_759 : vector<16xf32>, vector<16xf32>, vector<16xf32>, vector<16xf32>, vector<16xf32>, vector<16xf32>, vector<16xf32>, vector<16xf32>
    }
    %scan3A_525 = arith.constant 50 : i32
    %add3A_526 = arith.addf %scan3A_524#0, %get3A_1 : vector<16xf32>
    %swap3A_527 = arith.constant 0 : index
    %swap3A_528 = tpu.vector_load %arg12[%swap3A_527] {strides = array<i32>} : memref<128xf32, #tpu.memory_space<vmem>>, vector<16xf32>,
    tpu.vector_store %arg12[%swap3A_527], %add3A_526 {strides = array<i32>} : memref<128xf32, #tpu.memory_space<vmem>>, vector<16xf32>,
    %add3A_529 = arith.addf %scan3A_524#1, %get3A_1 : vector<16xf32>
    %swap3A_530 = arith.constant 16 : index
    %swap3A_531 = tpu.vector_load %arg12[%swap3A_530] {strides = array<i32>} : memref<128xf32, #tpu.memory_space<vmem>>, vector<16xf32>,
    tpu.vector_store %arg12[%swap3A_530], %add3A_529 {strides = array<i32>} : memref<128xf32, #tpu.memory_space<vmem>>, vector<16xf32>,
    %add3A_532 = arith.addf %scan3A_524#2, %get3A_1 : vector<16xf32>
    %swap3A_533 = arith.constant 32 : index
    %swap3A_534 = tpu.vector_load %arg12[%swap3A_533] {strides = array<i32>} : memref<128xf32, #tpu.memory_space<vmem>>, vector<16xf32>,
    tpu.vector_store %arg12[%swap3A_533], %add3A_532 {strides = array<i32>} : memref<128xf32, #tpu.memory_space<vmem>>, vector<16xf32>,
    %add3A_535 = arith.addf %scan3A_524#3, %get3A_1 : vector<16xf32>
    %swap3A_536 = arith.constant 48 : index
    %swap3A_537 = tpu.vector_load %arg12[%swap3A_536] {strides = array<i32>} : memref<128xf32, #tpu.memory_space<vmem>>, vector<16xf32>,
    tpu.vector_store %arg12[%swap3A_536], %add3A_535 {strides = array<i32>} : memref<128xf32, #tpu.memory_space<vmem>>, vector<16xf32>,
    %add3A_538 = arith.addf %scan3A_524#4, %get3A_1 : vector<16xf32>
    %swap3A_539 = arith.constant 64 : index
    %swap3A_540 = tpu.vector_load %arg12[%swap3A_539] {strides = array<i32>} : memref<128xf32, #tpu.memory_space<vmem>>, vector<16xf32>,
    tpu.vector_store %arg12[%swap3A_539], %add3A_538 {strides = array<i32>} : memref<128xf32, #tpu.memory_space<vmem>>, vector<16xf32>,
    %add3A_541 = arith.addf %scan3A_524#5, %get3A_1 : vector<16xf32>
    %swap3A_542 = arith.constant 80 : index
    %swap3A_543 = tpu.vector_load %arg12[%swap3A_542] {strides = array<i32>} : memref<128xf32, #tpu.memory_space<vmem>>, vector<16xf32>,
    tpu.vector_store %arg12[%swap3A_542], %add3A_541 {strides = array<i32>} : memref<128xf32, #tpu.memory_space<vmem>>, vector<16xf32>,
    %add3A_544 = arith.addf %scan3A_524#6, %get3A_1 : vector<16xf32>
    %swap3A_545 = arith.constant 96 : index
    %swap3A_546 = tpu.vector_load %arg12[%swap3A_545] {strides = array<i32>} : memref<128xf32, #tpu.memory_space<vmem>>, vector<16xf32>,
    tpu.vector_store %arg12[%swap3A_545], %add3A_544 {strides = array<i32>} : memref<128xf32, #tpu.memory_space<vmem>>, vector<16xf32>,
    %add3A_547 = arith.addf %scan3A_524#7, %get3A_1 : vector<16xf32>
    %swap3A_548 = arith.constant 112 : index
    %swap3A_549 = tpu.vector_load %arg12[%swap3A_548] {strides = array<i32>} : memref<128xf32, #tpu.memory_space<vmem>>, vector<16xf32>,
    tpu.vector_store %arg12[%swap3A_548], %add3A_547 {strides = array<i32>} : memref<128xf32, #tpu.memory_space<vmem>>, vector<16xf32>,
    %mul3A_550 = arith.constant 4 : i32
    %mul3A_551 = arith.muli %add3A, %mul3A_550 : i32
    %add3A_552 = arith.constant 2 : i32
    %add3A_553 = arith.addi %mul3A_551, %add3A_552 : i32
    %mul3A_554 = arith.constant 128 : i32
    %mul3A_555 = arith.muli %add3A_553, %mul3A_554 : i32
    "tpu.region"() ({
      %run_scoped3A = tpu.sem_alloc : memref<!tpu.dma_semaphore, #tpu.memory_space<semaphore_mem>>
      %dma_start3A_639 = tpu.memref_slice %arg6[%mul3A_555] : memref<16384xf32, #tpu.memory_space<hbm>> -> memref<128xf32, #tpu.memory_space<hbm>>
      %dma_start3A_640 = tpu.memref_slice %arg6[%mul3A_555] : memref<16384xf32, #tpu.memory_space<hbm>> -> memref<128xf32, #tpu.memory_space<hbm>>
      tpu.enqueue_dma source(%arg12 : memref<128xf32, #tpu.memory_space<vmem>>) target(%dma_start3A_640 : memref<128xf32, #tpu.memory_space<hbm>>) target_semaphore(%run_scoped3A : memref<!tpu.dma_semaphore, #tpu.memory_space<semaphore_mem>>)
      %dma_wait3A_641 = tpu.memref_slice %arg6[%mul3A_555] : memref<16384xf32, #tpu.memory_space<hbm>> -> memref<128xf32, #tpu.memory_space<hbm>>
      %dma_wait3A_642 = tpu.memref_slice %arg6[%mul3A_555] : memref<16384xf32, #tpu.memory_space<hbm>> -> memref<128xf32, #tpu.memory_space<hbm>>
      tpu.wait_dma2 semaphore(%run_scoped3A : memref<!tpu.dma_semaphore, #tpu.memory_space<semaphore_mem>>) src(%arg12 : memref<128xf32, #tpu.memory_space<vmem>>) dst(%dma_wait3A_642 : memref<128xf32, #tpu.memory_space<hbm>>)
      tpu.yield
    }) : () -> ()
    %dma_wait3A_556 = arith.constant 0 : i32
    %dma_wait3A_557 = arith.constant 0 : i32
    %dma_wait3A_558 = tpu.memref_slice %arg3[%dma_wait3A_556, %dma_wait3A_557] : memref<100x16384xf32, #tpu.memory_space<hbm>> -> memref<1x12800xf32, #tpu.memory_space<hbm>>
    %dma_wait3A_559 = tpu.memref_squeeze %dma_wait3A_558 : memref<1x12800xf32, #tpu.memory_space<hbm>> -> memref<12800xf32, #tpu.memory_space<hbm>>
    %dma_wait3A_560 = arith.constant 0 : i32
    %dma_wait3A_561 = tpu.memref_slice %arg3[%dma_wait3A_556, %dma_wait3A_560] : memref<100x16384xf32, #tpu.memory_space<hbm>> -> memref<1x12800xf32, #tpu.memory_space<hbm>>
    %dma_wait3A_562 = tpu.memref_squeeze %dma_wait3A_561 : memref<1x12800xf32, #tpu.memory_space<hbm>> -> memref<12800xf32, #tpu.memory_space<hbm>>
    tpu.wait_dma2 semaphore(%arg18 : memref<!tpu.dma_semaphore, #tpu.memory_space<semaphore_mem>>) src(%dma_wait3A_562 : memref<12800xf32, #tpu.memory_space<hbm>>) dst(%arg10 : memref<12800xf32, #tpu.memory_space<vmem>>)
    %dma_wait3A_563 = arith.constant 0 : i32
    %dma_wait3A_564 = tpu.memref_slice %arg11[%dma_wait3A_563] : memref<12800xf32, #tpu.memory_space<vmem>> -> memref<6400xf32, #tpu.memory_space<vmem>>
    %dma_wait3A_565 = arith.constant 0 : i32
    %dma_wait3A_566 = tpu.memref_slice %arg8[%dma_wait3A_565] : memref<12800xi32, #tpu.memory_space<vmem>> -> memref<6400xi32, #tpu.memory_space<vmem>>
    %dma_wait3A_567 = arith.constant 0 : i32
    %dma_wait3A_568 = tpu.memref_slice %arg14[%dma_wait3A_567] : memref<1000448xf32, #tpu.memory_space<vmem_shared>> -> memref<1000448xf32, #tpu.memory_space<vmem_shared>>
    tpu.wait_indirect_dma semaphore(%arg19 : memref<!tpu.dma_semaphore, #tpu.memory_space<semaphore_mem>>) src(%dma_wait3A_568 : memref<1000448xf32, #tpu.memory_space<vmem_shared>>) dst(%dma_wait3A_564 : memref<6400xf32, #tpu.memory_space<vmem>>)
    %dma_start3A_569 = arith.constant 6400 : i32
    %dma_start3A_570 = tpu.memref_slice %arg11[%dma_start3A_569] : memref<12800xf32, #tpu.memory_space<vmem>> -> memref<6400xf32, #tpu.memory_space<vmem>>
    %dma_start3A_571 = arith.constant 6400 : i32
    %dma_start3A_572 = tpu.memref_slice %arg8[%dma_start3A_571] : memref<12800xi32, #tpu.memory_space<vmem>> -> memref<6400xi32, #tpu.memory_space<vmem>>
    %dma_start3A_573 = arith.constant 0 : i32
    %dma_start3A_574 = tpu.memref_slice %arg14[%dma_start3A_573] : memref<1000448xf32, #tpu.memory_space<vmem_shared>> -> memref<1000448xf32, #tpu.memory_space<vmem_shared>>
    tpu.enqueue_indirect_dma source(%dma_start3A_574 : memref<1000448xf32, #tpu.memory_space<vmem_shared>>) target(%dma_start3A_570 : memref<6400xf32, #tpu.memory_space<vmem>>) offsets(%dma_start3A_572 : memref<6400xi32, #tpu.memory_space<vmem>>) semaphore(%arg19 : memref<!tpu.dma_semaphore, #tpu.memory_space<semaphore_mem>>)
    %broadcast_in_dim3A_575 = arith.constant 0.000000e+00 : f32
    %broadcast_in_dim3A_576 = vector.broadcast %broadcast_in_dim3A_575 : f32 to vector<16xf32>
    %broadcast_in_dim3A_577 = arith.constant 0.000000e+00 : f32
    %broadcast_in_dim3A_578 = vector.broadcast %broadcast_in_dim3A_577 : f32 to vector<16xf32>
    %broadcast_in_dim3A_579 = arith.constant 0.000000e+00 : f32
    %broadcast_in_dim3A_580 = vector.broadcast %broadcast_in_dim3A_579 : f32 to vector<16xf32>
    %broadcast_in_dim3A_581 = arith.constant 0.000000e+00 : f32
    %broadcast_in_dim3A_582 = vector.broadcast %broadcast_in_dim3A_581 : f32 to vector<16xf32>
    %broadcast_in_dim3A_583 = arith.constant 0.000000e+00 : f32
    %broadcast_in_dim3A_584 = vector.broadcast %broadcast_in_dim3A_583 : f32 to vector<16xf32>
    %broadcast_in_dim3A_585 = arith.constant 0.000000e+00 : f32
    %broadcast_in_dim3A_586 = vector.broadcast %broadcast_in_dim3A_585 : f32 to vector<16xf32>
    %broadcast_in_dim3A_587 = arith.constant 0.000000e+00 : f32
    %broadcast_in_dim3A_588 = vector.broadcast %broadcast_in_dim3A_587 : f32 to vector<16xf32>
    %broadcast_in_dim3A_589 = arith.constant 0.000000e+00 : f32
    %broadcast_in_dim3A_590 = vector.broadcast %broadcast_in_dim3A_589 : f32 to vector<16xf32>
    %scan3A_591 = arith.constant 0 : i32
    %scan3A_592 = arith.constant 50 : i32
    %scan3A_593 = arith.addi %scan3A_591, %scan3A_592 : i32
    %scan3A_594 = arith.constant 1 : i32
    %scan3A_595:8 = scf.for %scan3A_639 = %scan3A_591 to %scan3A_593 step %scan3A_594 iter_args(%scan3A_640 = %broadcast_in_dim3A_576, %scan3A_641 = %broadcast_in_dim3A_578, %scan3A_642 = %broadcast_in_dim3A_580, %scan3A_643 = %broadcast_in_dim3A_582, %scan3A_644 = %broadcast_in_dim3A_584, %scan3A_645 = %broadcast_in_dim3A_586, %scan3A_646 = %broadcast_in_dim3A_588, %scan3A_647 = %broadcast_in_dim3A_590) -> (vector<16xf32>, vector<16xf32>, vector<16xf32>, vector<16xf32>, vector<16xf32>, vector<16xf32>, vector<16xf32>, vector<16xf32>)  : i32 {
      %mul3A_648 = arith.constant 128 : i32
      %mul3A_649 = arith.muli %scan3A_639, %mul3A_648 : i32
      %add3A_650 = arith.constant 0 : i32
      %add3A_651 = arith.addi %mul3A_649, %add3A_650 : i32
      %get3A_652 = arith.index_cast %add3A_651 : i32 to index
      %get3A_653 = tpu.vector_load %arg11[%get3A_652] {strides = array<i32>} : memref<12800xf32, #tpu.memory_space<vmem>>, vector<16xf32>,
      %mul3A_654 = arith.constant 128 : i32
      %mul3A_655 = arith.muli %scan3A_639, %mul3A_654 : i32
      %add3A_656 = arith.constant 0 : i32
      %add3A_657 = arith.addi %mul3A_655, %add3A_656 : i32
      %get3A_658 = arith.index_cast %add3A_657 : i32 to index
      %get3A_659 = tpu.vector_load %arg10[%get3A_658] {strides = array<i32>} : memref<12800xf32, #tpu.memory_space<vmem>>, vector<16xf32>,
      %mul3A_660 = arith.mulf %get3A_653, %get3A_659 : vector<16xf32>
      %add3A_661 = arith.addf %scan3A_640, %mul3A_660 : vector<16xf32>
      %mul3A_662 = arith.constant 128 : i32
      %mul3A_663 = arith.muli %scan3A_639, %mul3A_662 : i32
      %add3A_664 = arith.constant 16 : i32
      %add3A_665 = arith.addi %mul3A_663, %add3A_664 : i32
      %get3A_666 = arith.index_cast %add3A_665 : i32 to index
      %get3A_667 = tpu.vector_load %arg11[%get3A_666] {strides = array<i32>} : memref<12800xf32, #tpu.memory_space<vmem>>, vector<16xf32>,
      %mul3A_668 = arith.constant 128 : i32
      %mul3A_669 = arith.muli %scan3A_639, %mul3A_668 : i32
      %add3A_670 = arith.constant 16 : i32
      %add3A_671 = arith.addi %mul3A_669, %add3A_670 : i32
      %get3A_672 = arith.index_cast %add3A_671 : i32 to index
      %get3A_673 = tpu.vector_load %arg10[%get3A_672] {strides = array<i32>} : memref<12800xf32, #tpu.memory_space<vmem>>, vector<16xf32>,
      %mul3A_674 = arith.mulf %get3A_667, %get3A_673 : vector<16xf32>
      %add3A_675 = arith.addf %scan3A_641, %mul3A_674 : vector<16xf32>
      %mul3A_676 = arith.constant 128 : i32
      %mul3A_677 = arith.muli %scan3A_639, %mul3A_676 : i32
      %add3A_678 = arith.constant 32 : i32
      %add3A_679 = arith.addi %mul3A_677, %add3A_678 : i32
      %get3A_680 = arith.index_cast %add3A_679 : i32 to index
      %get3A_681 = tpu.vector_load %arg11[%get3A_680] {strides = array<i32>} : memref<12800xf32, #tpu.memory_space<vmem>>, vector<16xf32>,
      %mul3A_682 = arith.constant 128 : i32
      %mul3A_683 = arith.muli %scan3A_639, %mul3A_682 : i32
      %add3A_684 = arith.constant 32 : i32
      %add3A_685 = arith.addi %mul3A_683, %add3A_684 : i32
      %get3A_686 = arith.index_cast %add3A_685 : i32 to index
      %get3A_687 = tpu.vector_load %arg10[%get3A_686] {strides = array<i32>} : memref<12800xf32, #tpu.memory_space<vmem>>, vector<16xf32>,
      %mul3A_688 = arith.mulf %get3A_681, %get3A_687 : vector<16xf32>
      %add3A_689 = arith.addf %scan3A_642, %mul3A_688 : vector<16xf32>
      %mul3A_690 = arith.constant 128 : i32
      %mul3A_691 = arith.muli %scan3A_639, %mul3A_690 : i32
      %add3A_692 = arith.constant 48 : i32
      %add3A_693 = arith.addi %mul3A_691, %add3A_692 : i32
      %get3A_694 = arith.index_cast %add3A_693 : i32 to index
      %get3A_695 = tpu.vector_load %arg11[%get3A_694] {strides = array<i32>} : memref<12800xf32, #tpu.memory_space<vmem>>, vector<16xf32>,
      %mul3A_696 = arith.constant 128 : i32
      %mul3A_697 = arith.muli %scan3A_639, %mul3A_696 : i32
      %add3A_698 = arith.constant 48 : i32
      %add3A_699 = arith.addi %mul3A_697, %add3A_698 : i32
      %get3A_700 = arith.index_cast %add3A_699 : i32 to index
      %get3A_701 = tpu.vector_load %arg10[%get3A_700] {strides = array<i32>} : memref<12800xf32, #tpu.memory_space<vmem>>, vector<16xf32>,
      %mul3A_702 = arith.mulf %get3A_695, %get3A_701 : vector<16xf32>
      %add3A_703 = arith.addf %scan3A_643, %mul3A_702 : vector<16xf32>
      %mul3A_704 = arith.constant 128 : i32
      %mul3A_705 = arith.muli %scan3A_639, %mul3A_704 : i32
      %add3A_706 = arith.constant 64 : i32
      %add3A_707 = arith.addi %mul3A_705, %add3A_706 : i32
      %get3A_708 = arith.index_cast %add3A_707 : i32 to index
      %get3A_709 = tpu.vector_load %arg11[%get3A_708] {strides = array<i32>} : memref<12800xf32, #tpu.memory_space<vmem>>, vector<16xf32>,
      %mul3A_710 = arith.constant 128 : i32
      %mul3A_711 = arith.muli %scan3A_639, %mul3A_710 : i32
      %add3A_712 = arith.constant 64 : i32
      %add3A_713 = arith.addi %mul3A_711, %add3A_712 : i32
      %get3A_714 = arith.index_cast %add3A_713 : i32 to index
      %get3A_715 = tpu.vector_load %arg10[%get3A_714] {strides = array<i32>} : memref<12800xf32, #tpu.memory_space<vmem>>, vector<16xf32>,
      %mul3A_716 = arith.mulf %get3A_709, %get3A_715 : vector<16xf32>
      %add3A_717 = arith.addf %scan3A_644, %mul3A_716 : vector<16xf32>
      %mul3A_718 = arith.constant 128 : i32
      %mul3A_719 = arith.muli %scan3A_639, %mul3A_718 : i32
      %add3A_720 = arith.constant 80 : i32
      %add3A_721 = arith.addi %mul3A_719, %add3A_720 : i32
      %get3A_722 = arith.index_cast %add3A_721 : i32 to index
      %get3A_723 = tpu.vector_load %arg11[%get3A_722] {strides = array<i32>} : memref<12800xf32, #tpu.memory_space<vmem>>, vector<16xf32>,
      %mul3A_724 = arith.constant 128 : i32
      %mul3A_725 = arith.muli %scan3A_639, %mul3A_724 : i32
      %add3A_726 = arith.constant 80 : i32
      %add3A_727 = arith.addi %mul3A_725, %add3A_726 : i32
      %get3A_728 = arith.index_cast %add3A_727 : i32 to index
      %get3A_729 = tpu.vector_load %arg10[%get3A_728] {strides = array<i32>} : memref<12800xf32, #tpu.memory_space<vmem>>, vector<16xf32>,
      %mul3A_730 = arith.mulf %get3A_723, %get3A_729 : vector<16xf32>
      %add3A_731 = arith.addf %scan3A_645, %mul3A_730 : vector<16xf32>
      %mul3A_732 = arith.constant 128 : i32
      %mul3A_733 = arith.muli %scan3A_639, %mul3A_732 : i32
      %add3A_734 = arith.constant 96 : i32
      %add3A_735 = arith.addi %mul3A_733, %add3A_734 : i32
      %get3A_736 = arith.index_cast %add3A_735 : i32 to index
      %get3A_737 = tpu.vector_load %arg11[%get3A_736] {strides = array<i32>} : memref<12800xf32, #tpu.memory_space<vmem>>, vector<16xf32>,
      %mul3A_738 = arith.constant 128 : i32
      %mul3A_739 = arith.muli %scan3A_639, %mul3A_738 : i32
      %add3A_740 = arith.constant 96 : i32
      %add3A_741 = arith.addi %mul3A_739, %add3A_740 : i32
      %get3A_742 = arith.index_cast %add3A_741 : i32 to index
      %get3A_743 = tpu.vector_load %arg10[%get3A_742] {strides = array<i32>} : memref<12800xf32, #tpu.memory_space<vmem>>, vector<16xf32>,
      %mul3A_744 = arith.mulf %get3A_737, %get3A_743 : vector<16xf32>
      %add3A_745 = arith.addf %scan3A_646, %mul3A_744 : vector<16xf32>
      %mul3A_746 = arith.constant 128 : i32
      %mul3A_747 = arith.muli %scan3A_639, %mul3A_746 : i32
      %add3A_748 = arith.constant 112 : i32
      %add3A_749 = arith.addi %mul3A_747, %add3A_748 : i32
      %get3A_750 = arith.index_cast %add3A_749 : i32 to index
      %get3A_751 = tpu.vector_load %arg11[%get3A_750] {strides = array<i32>} : memref<12800xf32, #tpu.memory_space<vmem>>, vector<16xf32>,
      %mul3A_752 = arith.constant 128 : i32
      %mul3A_753 = arith.muli %scan3A_639, %mul3A_752 : i32
      %add3A_754 = arith.constant 112 : i32
      %add3A_755 = arith.addi %mul3A_753, %add3A_754 : i32
      %get3A_756 = arith.index_cast %add3A_755 : i32 to index
      %get3A_757 = tpu.vector_load %arg10[%get3A_756] {strides = array<i32>} : memref<12800xf32, #tpu.memory_space<vmem>>, vector<16xf32>,
      %mul3A_758 = arith.mulf %get3A_751, %get3A_757 : vector<16xf32>
      %add3A_759 = arith.addf %scan3A_647, %mul3A_758 : vector<16xf32>
      scf.yield %add3A_661, %add3A_675, %add3A_689, %add3A_703, %add3A_717, %add3A_731, %add3A_745, %add3A_759 : vector<16xf32>, vector<16xf32>, vector<16xf32>, vector<16xf32>, vector<16xf32>, vector<16xf32>, vector<16xf32>, vector<16xf32>
    }
    %scan3A_596 = arith.constant 50 : i32
    %dma_wait3A_597 = arith.constant 6400 : i32
    %dma_wait3A_598 = tpu.memref_slice %arg11[%dma_wait3A_597] : memref<12800xf32, #tpu.memory_space<vmem>> -> memref<6400xf32, #tpu.memory_space<vmem>>
    %dma_wait3A_599 = arith.constant 6400 : i32
    %dma_wait3A_600 = tpu.memref_slice %arg8[%dma_wait3A_599] : memref<12800xi32, #tpu.memory_space<vmem>> -> memref<6400xi32, #tpu.memory_space<vmem>>
    %dma_wait3A_601 = arith.constant 0 : i32
    %dma_wait3A_602 = tpu.memref_slice %arg14[%dma_wait3A_601] : memref<1000448xf32, #tpu.memory_space<vmem_shared>> -> memref<1000448xf32, #tpu.memory_space<vmem_shared>>
    tpu.wait_indirect_dma semaphore(%arg19 : memref<!tpu.dma_semaphore, #tpu.memory_space<semaphore_mem>>) src(%dma_wait3A_602 : memref<1000448xf32, #tpu.memory_space<vmem_shared>>) dst(%dma_wait3A_598 : memref<6400xf32, #tpu.memory_space<vmem>>)
    %scan3A_603 = arith.constant 50 : i32
    %scan3A_604 = arith.constant 50 : i32
    %scan3A_605 = arith.addi %scan3A_603, %scan3A_604 : i32
    %scan3A_606 = arith.constant 1 : i32
    %scan3A_607:8 = scf.for %scan3A_639 = %scan3A_603 to %scan3A_605 step %scan3A_606 iter_args(%scan3A_640 = %scan3A_595#0, %scan3A_641 = %scan3A_595#1, %scan3A_642 = %scan3A_595#2, %scan3A_643 = %scan3A_595#3, %scan3A_644 = %scan3A_595#4, %scan3A_645 = %scan3A_595#5, %scan3A_646 = %scan3A_595#6, %scan3A_647 = %scan3A_595#7) -> (vector<16xf32>, vector<16xf32>, vector<16xf32>, vector<16xf32>, vector<16xf32>, vector<16xf32>, vector<16xf32>, vector<16xf32>)  : i32 {
      %mul3A_648 = arith.constant 128 : i32
      %mul3A_649 = arith.muli %scan3A_639, %mul3A_648 : i32
      %add3A_650 = arith.constant 0 : i32
      %add3A_651 = arith.addi %mul3A_649, %add3A_650 : i32
      %get3A_652 = arith.index_cast %add3A_651 : i32 to index
      %get3A_653 = tpu.vector_load %arg11[%get3A_652] {strides = array<i32>} : memref<12800xf32, #tpu.memory_space<vmem>>, vector<16xf32>,
      %mul3A_654 = arith.constant 128 : i32
      %mul3A_655 = arith.muli %scan3A_639, %mul3A_654 : i32
      %add3A_656 = arith.constant 0 : i32
      %add3A_657 = arith.addi %mul3A_655, %add3A_656 : i32
      %get3A_658 = arith.index_cast %add3A_657 : i32 to index
      %get3A_659 = tpu.vector_load %arg10[%get3A_658] {strides = array<i32>} : memref<12800xf32, #tpu.memory_space<vmem>>, vector<16xf32>,
      %mul3A_660 = arith.mulf %get3A_653, %get3A_659 : vector<16xf32>
      %add3A_661 = arith.addf %scan3A_640, %mul3A_660 : vector<16xf32>
      %mul3A_662 = arith.constant 128 : i32
      %mul3A_663 = arith.muli %scan3A_639, %mul3A_662 : i32
      %add3A_664 = arith.constant 16 : i32
      %add3A_665 = arith.addi %mul3A_663, %add3A_664 : i32
      %get3A_666 = arith.index_cast %add3A_665 : i32 to index
      %get3A_667 = tpu.vector_load %arg11[%get3A_666] {strides = array<i32>} : memref<12800xf32, #tpu.memory_space<vmem>>, vector<16xf32>,
      %mul3A_668 = arith.constant 128 : i32
      %mul3A_669 = arith.muli %scan3A_639, %mul3A_668 : i32
      %add3A_670 = arith.constant 16 : i32
      %add3A_671 = arith.addi %mul3A_669, %add3A_670 : i32
      %get3A_672 = arith.index_cast %add3A_671 : i32 to index
      %get3A_673 = tpu.vector_load %arg10[%get3A_672] {strides = array<i32>} : memref<12800xf32, #tpu.memory_space<vmem>>, vector<16xf32>,
      %mul3A_674 = arith.mulf %get3A_667, %get3A_673 : vector<16xf32>
      %add3A_675 = arith.addf %scan3A_641, %mul3A_674 : vector<16xf32>
      %mul3A_676 = arith.constant 128 : i32
      %mul3A_677 = arith.muli %scan3A_639, %mul3A_676 : i32
      %add3A_678 = arith.constant 32 : i32
      %add3A_679 = arith.addi %mul3A_677, %add3A_678 : i32
      %get3A_680 = arith.index_cast %add3A_679 : i32 to index
      %get3A_681 = tpu.vector_load %arg11[%get3A_680] {strides = array<i32>} : memref<12800xf32, #tpu.memory_space<vmem>>, vector<16xf32>,
      %mul3A_682 = arith.constant 128 : i32
      %mul3A_683 = arith.muli %scan3A_639, %mul3A_682 : i32
      %add3A_684 = arith.constant 32 : i32
      %add3A_685 = arith.addi %mul3A_683, %add3A_684 : i32
      %get3A_686 = arith.index_cast %add3A_685 : i32 to index
      %get3A_687 = tpu.vector_load %arg10[%get3A_686] {strides = array<i32>} : memref<12800xf32, #tpu.memory_space<vmem>>, vector<16xf32>,
      %mul3A_688 = arith.mulf %get3A_681, %get3A_687 : vector<16xf32>
      %add3A_689 = arith.addf %scan3A_642, %mul3A_688 : vector<16xf32>
      %mul3A_690 = arith.constant 128 : i32
      %mul3A_691 = arith.muli %scan3A_639, %mul3A_690 : i32
      %add3A_692 = arith.constant 48 : i32
      %add3A_693 = arith.addi %mul3A_691, %add3A_692 : i32
      %get3A_694 = arith.index_cast %add3A_693 : i32 to index
      %get3A_695 = tpu.vector_load %arg11[%get3A_694] {strides = array<i32>} : memref<12800xf32, #tpu.memory_space<vmem>>, vector<16xf32>,
      %mul3A_696 = arith.constant 128 : i32
      %mul3A_697 = arith.muli %scan3A_639, %mul3A_696 : i32
      %add3A_698 = arith.constant 48 : i32
      %add3A_699 = arith.addi %mul3A_697, %add3A_698 : i32
      %get3A_700 = arith.index_cast %add3A_699 : i32 to index
      %get3A_701 = tpu.vector_load %arg10[%get3A_700] {strides = array<i32>} : memref<12800xf32, #tpu.memory_space<vmem>>, vector<16xf32>,
      %mul3A_702 = arith.mulf %get3A_695, %get3A_701 : vector<16xf32>
      %add3A_703 = arith.addf %scan3A_643, %mul3A_702 : vector<16xf32>
      %mul3A_704 = arith.constant 128 : i32
      %mul3A_705 = arith.muli %scan3A_639, %mul3A_704 : i32
      %add3A_706 = arith.constant 64 : i32
      %add3A_707 = arith.addi %mul3A_705, %add3A_706 : i32
      %get3A_708 = arith.index_cast %add3A_707 : i32 to index
      %get3A_709 = tpu.vector_load %arg11[%get3A_708] {strides = array<i32>} : memref<12800xf32, #tpu.memory_space<vmem>>, vector<16xf32>,
      %mul3A_710 = arith.constant 128 : i32
      %mul3A_711 = arith.muli %scan3A_639, %mul3A_710 : i32
      %add3A_712 = arith.constant 64 : i32
      %add3A_713 = arith.addi %mul3A_711, %add3A_712 : i32
      %get3A_714 = arith.index_cast %add3A_713 : i32 to index
      %get3A_715 = tpu.vector_load %arg10[%get3A_714] {strides = array<i32>} : memref<12800xf32, #tpu.memory_space<vmem>>, vector<16xf32>,
      %mul3A_716 = arith.mulf %get3A_709, %get3A_715 : vector<16xf32>
      %add3A_717 = arith.addf %scan3A_644, %mul3A_716 : vector<16xf32>
      %mul3A_718 = arith.constant 128 : i32
      %mul3A_719 = arith.muli %scan3A_639, %mul3A_718 : i32
      %add3A_720 = arith.constant 80 : i32
      %add3A_721 = arith.addi %mul3A_719, %add3A_720 : i32
      %get3A_722 = arith.index_cast %add3A_721 : i32 to index
      %get3A_723 = tpu.vector_load %arg11[%get3A_722] {strides = array<i32>} : memref<12800xf32, #tpu.memory_space<vmem>>, vector<16xf32>,
      %mul3A_724 = arith.constant 128 : i32
      %mul3A_725 = arith.muli %scan3A_639, %mul3A_724 : i32
      %add3A_726 = arith.constant 80 : i32
      %add3A_727 = arith.addi %mul3A_725, %add3A_726 : i32
      %get3A_728 = arith.index_cast %add3A_727 : i32 to index
      %get3A_729 = tpu.vector_load %arg10[%get3A_728] {strides = array<i32>} : memref<12800xf32, #tpu.memory_space<vmem>>, vector<16xf32>,
      %mul3A_730 = arith.mulf %get3A_723, %get3A_729 : vector<16xf32>
      %add3A_731 = arith.addf %scan3A_645, %mul3A_730 : vector<16xf32>
      %mul3A_732 = arith.constant 128 : i32
      %mul3A_733 = arith.muli %scan3A_639, %mul3A_732 : i32
      %add3A_734 = arith.constant 96 : i32
      %add3A_735 = arith.addi %mul3A_733, %add3A_734 : i32
      %get3A_736 = arith.index_cast %add3A_735 : i32 to index
      %get3A_737 = tpu.vector_load %arg11[%get3A_736] {strides = array<i32>} : memref<12800xf32, #tpu.memory_space<vmem>>, vector<16xf32>,
      %mul3A_738 = arith.constant 128 : i32
      %mul3A_739 = arith.muli %scan3A_639, %mul3A_738 : i32
      %add3A_740 = arith.constant 96 : i32
      %add3A_741 = arith.addi %mul3A_739, %add3A_740 : i32
      %get3A_742 = arith.index_cast %add3A_741 : i32 to index
      %get3A_743 = tpu.vector_load %arg10[%get3A_742] {strides = array<i32>} : memref<12800xf32, #tpu.memory_space<vmem>>, vector<16xf32>,
      %mul3A_744 = arith.mulf %get3A_737, %get3A_743 : vector<16xf32>
      %add3A_745 = arith.addf %scan3A_646, %mul3A_744 : vector<16xf32>
      %mul3A_746 = arith.constant 128 : i32
      %mul3A_747 = arith.muli %scan3A_639, %mul3A_746 : i32
      %add3A_748 = arith.constant 112 : i32
      %add3A_749 = arith.addi %mul3A_747, %add3A_748 : i32
      %get3A_750 = arith.index_cast %add3A_749 : i32 to index
      %get3A_751 = tpu.vector_load %arg11[%get3A_750] {strides = array<i32>} : memref<12800xf32, #tpu.memory_space<vmem>>, vector<16xf32>,
      %mul3A_752 = arith.constant 128 : i32
      %mul3A_753 = arith.muli %scan3A_639, %mul3A_752 : i32
      %add3A_754 = arith.constant 112 : i32
      %add3A_755 = arith.addi %mul3A_753, %add3A_754 : i32
      %get3A_756 = arith.index_cast %add3A_755 : i32 to index
      %get3A_757 = tpu.vector_load %arg10[%get3A_756] {strides = array<i32>} : memref<12800xf32, #tpu.memory_space<vmem>>, vector<16xf32>,
      %mul3A_758 = arith.mulf %get3A_751, %get3A_757 : vector<16xf32>
      %add3A_759 = arith.addf %scan3A_647, %mul3A_758 : vector<16xf32>
      scf.yield %add3A_661, %add3A_675, %add3A_689, %add3A_703, %add3A_717, %add3A_731, %add3A_745, %add3A_759 : vector<16xf32>, vector<16xf32>, vector<16xf32>, vector<16xf32>, vector<16xf32>, vector<16xf32>, vector<16xf32>, vector<16xf32>
    }
    %scan3A_608 = arith.constant 50 : i32
    %add3A_609 = arith.addf %scan3A_607#0, %get3A_1 : vector<16xf32>
    %swap3A_610 = arith.constant 0 : index
    %swap3A_611 = tpu.vector_load %arg12[%swap3A_610] {strides = array<i32>} : memref<128xf32, #tpu.memory_space<vmem>>, vector<16xf32>,
    tpu.vector_store %arg12[%swap3A_610], %add3A_609 {strides = array<i32>} : memref<128xf32, #tpu.memory_space<vmem>>, vector<16xf32>,
    %add3A_612 = arith.addf %scan3A_607#1, %get3A_1 : vector<16xf32>
    %swap3A_613 = arith.constant 16 : index
    %swap3A_614 = tpu.vector_load %arg12[%swap3A_613] {strides = array<i32>} : memref<128xf32, #tpu.memory_space<vmem>>, vector<16xf32>,
    tpu.vector_store %arg12[%swap3A_613], %add3A_612 {strides = array<i32>} : memref<128xf32, #tpu.memory_space<vmem>>, vector<16xf32>,
    %add3A_615 = arith.addf %scan3A_607#2, %get3A_1 : vector<16xf32>
    %swap3A_616 = arith.constant 32 : index
    %swap3A_617 = tpu.vector_load %arg12[%swap3A_616] {strides = array<i32>} : memref<128xf32, #tpu.memory_space<vmem>>, vector<16xf32>,
    tpu.vector_store %arg12[%swap3A_616], %add3A_615 {strides = array<i32>} : memref<128xf32, #tpu.memory_space<vmem>>, vector<16xf32>,
    %add3A_618 = arith.addf %scan3A_607#3, %get3A_1 : vector<16xf32>
    %swap3A_619 = arith.constant 48 : index
    %swap3A_620 = tpu.vector_load %arg12[%swap3A_619] {strides = array<i32>} : memref<128xf32, #tpu.memory_space<vmem>>, vector<16xf32>,
    tpu.vector_store %arg12[%swap3A_619], %add3A_618 {strides = array<i32>} : memref<128xf32, #tpu.memory_space<vmem>>, vector<16xf32>,
    %add3A_621 = arith.addf %scan3A_607#4, %get3A_1 : vector<16xf32>
    %swap3A_622 = arith.constant 64 : index
    %swap3A_623 = tpu.vector_load %arg12[%swap3A_622] {strides = array<i32>} : memref<128xf32, #tpu.memory_space<vmem>>, vector<16xf32>,
    tpu.vector_store %arg12[%swap3A_622], %add3A_621 {strides = array<i32>} : memref<128xf32, #tpu.memory_space<vmem>>, vector<16xf32>,
    %add3A_624 = arith.addf %scan3A_607#5, %get3A_1 : vector<16xf32>
    %swap3A_625 = arith.constant 80 : index
    %swap3A_626 = tpu.vector_load %arg12[%swap3A_625] {strides = array<i32>} : memref<128xf32, #tpu.memory_space<vmem>>, vector<16xf32>,
    tpu.vector_store %arg12[%swap3A_625], %add3A_624 {strides = array<i32>} : memref<128xf32, #tpu.memory_space<vmem>>, vector<16xf32>,
    %add3A_627 = arith.addf %scan3A_607#6, %get3A_1 : vector<16xf32>
    %swap3A_628 = arith.constant 96 : index
    %swap3A_629 = tpu.vector_load %arg12[%swap3A_628] {strides = array<i32>} : memref<128xf32, #tpu.memory_space<vmem>>, vector<16xf32>,
    tpu.vector_store %arg12[%swap3A_628], %add3A_627 {strides = array<i32>} : memref<128xf32, #tpu.memory_space<vmem>>, vector<16xf32>,
    %add3A_630 = arith.addf %scan3A_607#7, %get3A_1 : vector<16xf32>
    %swap3A_631 = arith.constant 112 : index
    %swap3A_632 = tpu.vector_load %arg12[%swap3A_631] {strides = array<i32>} : memref<128xf32, #tpu.memory_space<vmem>>, vector<16xf32>,
    tpu.vector_store %arg12[%swap3A_631], %add3A_630 {strides = array<i32>} : memref<128xf32, #tpu.memory_space<vmem>>, vector<16xf32>,
    %mul3A_633 = arith.constant 4 : i32
    %mul3A_634 = arith.muli %add3A, %mul3A_633 : i32
    %add3A_635 = arith.constant 3 : i32
    %add3A_636 = arith.addi %mul3A_634, %add3A_635 : i32
    %mul3A_637 = arith.constant 128 : i32
    %mul3A_638 = arith.muli %add3A_636, %mul3A_637 : i32
    "tpu.region"() ({
      %run_scoped3A = tpu.sem_alloc : memref<!tpu.dma_semaphore, #tpu.memory_space<semaphore_mem>>
      %dma_start3A_639 = tpu.memref_slice %arg6[%mul3A_638] : memref<16384xf32, #tpu.memory_space<hbm>> -> memref<128xf32, #tpu.memory_space<hbm>>
      %dma_start3A_640 = tpu.memref_slice %arg6[%mul3A_638] : memref<16384xf32, #tpu.memory_space<hbm>> -> memref<128xf32, #tpu.memory_space<hbm>>
      tpu.enqueue_dma source(%arg12 : memref<128xf32, #tpu.memory_space<vmem>>) target(%dma_start3A_640 : memref<128xf32, #tpu.memory_space<hbm>>) target_semaphore(%run_scoped3A : memref<!tpu.dma_semaphore, #tpu.memory_space<semaphore_mem>>)
      %dma_wait3A_641 = tpu.memref_slice %arg6[%mul3A_638] : memref<16384xf32, #tpu.memory_space<hbm>> -> memref<128xf32, #tpu.memory_space<hbm>>
      %dma_wait3A_642 = tpu.memref_slice %arg6[%mul3A_638] : memref<16384xf32, #tpu.memory_space<hbm>> -> memref<128xf32, #tpu.memory_space<hbm>>
      tpu.wait_dma2 semaphore(%run_scoped3A : memref<!tpu.dma_semaphore, #tpu.memory_space<semaphore_mem>>) src(%arg12 : memref<128xf32, #tpu.memory_space<vmem>>) dst(%dma_wait3A_642 : memref<128xf32, #tpu.memory_space<hbm>>)
      tpu.yield
    }) : () -> ()
    return
  }
}

</mosaic_0001>

<sc_bundles>
// kernel: _wide_sc.3.cloned.1.call-start
scs
__scs_entry_jumppad:
0x0: {  	(pc) =	sbr.rel $0x88, $3  }
0x1: {  	(tag) =	ssettag $0x0;
	lr =	simm.s32 $0x1  }
0x2: {  	[smem:$0x3F9D] =	sst lr;
	_ =	strace $0xD0000000  }
0x3: {  	_ = 	snop  }
0x4: {  	_ = 	snop  }
0x5: {  	_ = 	snop  }
0x6: {  	_ = 	snop  }
0x7: {  	_ = 	snop  }
__scs_overlays_trampoline_lowered:
0x8: {  	[smem:$0x3FAC] =	sst s0  }
0x9: {  	[smem:$0x3FAD] =	sst s1  }
0xa: {  	[smem:$0x3FAE] =	sst s2  }
0xb: {  	[smem:$0x3FAF] =	sst s3  }
0xc: {  	[smem:$0x3FB0] =	sst s4  }
0xd: {  	[smem:$0x3FB1] =	sst s5  }
0xe: {  	[smem:$0x3FB2] =	sst s6  }
0xf: {  	[smem:$0x3FB3] =	sst s7  }
0x10: {  	[smem:$0x3FB4] =	sst s8  }
0x11: {  	[smem:$0x3FB5] =	sst s9;
	s0 =	simm.s32 @!p0 $0x0  }
0x12: {  	s1 =	sld [smem:$0x3F9B];
	s0 =	simm.s32 @p0 $0x1  }
0x13: {  	[smem:$0x3FB6] =	sst s0;
	s0 =	simm.s32 @!p1 $0x0  }
0x14: {  	s2 =	sld [smem:$0x3F9A];
	s0 =	simm.s32 @p1 $0x1  }
0x15: {  	[smem:$0x3FB7] =	sst s0;
	s0 =	simm.s32 @!p2 $0x0  }
0x16: {  	s3 =	sld [smem:$0x3FDB];
	s0 =	simm.s32 @p2 $0x1  }
0x17: {  	s4 =	simm.s32 $0x1BF5;
	[smem:$0x3FB9] =	sst s0  }
0x18: {  	s0 =	sld [smem:$0x3F9C];
	_ =	swait.ge [sflag:s4], $0x0  }
0x19: {  	s7 =	sld [smem:$0x3F9D]  }
0x1a: {  	s8 =	sadd.s32 $0xFFFFE003, lr  }
0x1b: {  	s9 =	sadd.s32 $0xFFFFFEF7, lr;
	s5 =	simm.s32 $0xFFFFFFFF;
	p2 =	slt.u32 s8, $0xFFFFF086  }
0x1c: {  	p1 =	slt.u32 s9, $0xF7A;
	s5 =	simm.s32 @!p2 $0x0  }
0x1d: {  	s5 =	simm.s32 @p1 $0x1;
	p0 =	seq.s32 s7, s2  }
0x1e: {  	s7 =	smul.u32 @!p0 $0xF7A, s2;
	p2 =	seq.s32 @!p0 s5, $0x0  }
0x1f: {  	s9 =	smul.u32 $0xF7A, s1;
	s8 =	simm.s32 @!p0 $0x1BF5;
	p2 =	por !p2, p0  }
0x20: {  	[sflag:s8] =	ssyncset.s32 @!p0 $0xFFFFF086;
	s6 =	sadd.s32 @!p0 s3, s7;
	s7 =	simm.s32 @!p0 $0x108  }
0x21: {  	s3 =	sadd.s32 s3, s9;
	s6 =	sadd.s32 @!p0 $0x88, s6;
	s7 =	simm.s32 @p2 $0x1082  }
0x22: {  	[simem:s7], [sflag:s8] =	dma.local @!p0 [hbm:s6], $0xF7A  }
0x23: {  	s9 =	sor.u32 $0xD0000000, s2;
	s6 =	simm.s32 $0x108;
	_ =	swait.ge @!p0 [sflag:s8], $0x0  }
0x24: {  	s3 =	sadd.s32 $0x88, s3;
	s6 =	simm.s32 @!p1 $0x1082;
	[sflag:s4] =	ssyncset.s32 $0xFFFFF086  }
0x25: {  	[simem:s6], [sflag:s4] =	dma.local [hbm:s3], $0xF7A  }
0x26: {  	[smem:$0x3F9D] =	sst s1;
	(tag) =	ssettag s2;
	_ =	strace s9  }
0x27: {  	s1 =	sld [smem:$0x3FAD]  }
0x28: {  	s2 =	sld [smem:$0x3FAE]  }
0x29: {  	s4 =	sld [smem:$0x3FB0]  }
0x2a: {  	p0 =	seq.s32 s5, $0x0;
	s5 =	sld [smem:$0x3FB1]  }
0x2b: {  	s6 =	sld [smem:$0x3FB2]  }
0x2c: {  	s7 =	sld [smem:$0x3FB3]  }
0x2d: {  	s3 =	simm.s32 $0x108;
	s8 =	sld [smem:$0x3FB4]  }
0x2e: {  	s3 =	simm.s32 @!p0 $0x1082;
	s9 =	sld [smem:$0x3FB5]  }
0x2f: {  	lr =	sadd.s32 s0, s3;
	s0 =	sld [smem:$0x3FAC]  }
0x30: {  	s3 =	sld [smem:$0x3FAF]  }
0x31: {  	[smem:$0x3FB8] =	sst s10  }
0x32: {  	s10 =	sld [smem:$0x3FB6];
	_ =	sdelay $0x3  }
0x33: {  	p0 =	seq.s32 s10, $0x1;
	s10 =	sld [smem:$0x3FB8];
	_ =	sdelay $0x3  }
0x34: {  	[smem:$0x3FB8] =	sst s10  }
0x35: {  	s10 =	sld [smem:$0x3FB7];
	_ =	sdelay $0x3  }
0x36: {  	p1 =	seq.s32 s10, $0x1;
	s10 =	sld [smem:$0x3FB8];
	_ =	sdelay $0x3  }
0x37: {  	[smem:$0x3FB8] =	sst s10  }
0x38: {  	s10 =	sld [smem:$0x3FB9]  }
0x39: {  	_ = 	snop;
	(pc) =	sbr.ind lr, $3  }
0x3a: {  	_ = 	snop  }
0x3b: {  	_ = 	snop  }
0x3c: {  	p2 =	seq.s32 s10, $0x1;
	s10 =	sld [smem:$0x3FB8]  }
0x3d: {  	_ =	shalt  }
0x3e: {  	_ =	shalt  }
0x3f: {  	_ =	shalt  }
0x40: {  	_ =	shalt  }
0x41: {  	_ =	shalt  }
0x42: {  	_ =	shalt  }
0x43: {  	_ =	shalt  }
0x44: {  	_ =	shalt  }
0x45: {  	_ =	shalt  }
0x46: {  	_ =	shalt  }
0x47: {  	_ =	shalt  }
0x48: {  	_ =	shalt  }
0x49: {  	_ =	shalt  }
0x4a: {  	_ =	shalt  }
0x4b: {  	_ =	shalt  }
0x4c: {  	_ =	shalt  }
0x4d: {  	_ =	shalt  }
0x4e: {  	_ =	shalt  }
0x4f: {  	_ =	shalt  }
0x50: {  	_ =	shalt  }
0x51: {  	_ =	shalt  }
0x52: {  	_ =	shalt  }
0x53: {  	_ =	shalt  }
0x54: {  	_ =	shalt  }
0x55: {  	_ =	shalt  }
0x56: {  	_ =	shalt  }
0x57: {  	_ =	shalt  }
0x58: {  	_ =	shalt  }
0x59: {  	_ =	shalt  }
0x5a: {  	_ =	shalt  }
0x5b: {  	_ =	shalt  }
0x5c: {  	_ =	shalt  }
0x5d: {  	_ =	shalt  }
0x5e: {  	_ =	shalt  }
0x5f: {  	_ =	shalt  }
0x60: {  	_ =	shalt  }
0x61: {  	_ =	shalt  }
0x62: {  	_ =	shalt  }
0x63: {  	_ =	shalt  }
0x64: {  	_ =	shalt  }
0x65: {  	_ =	shalt  }
0x66: {  	_ =	shalt  }
0x67: {  	_ =	shalt  }
0x68: {  	_ =	shalt  }
0x69: {  	_ =	shalt  }
0x6a: {  	_ =	shalt  }
0x6b: {  	_ =	shalt  }
0x6c: {  	_ =	shalt  }
0x6d: {  	_ =	shalt  }
0x6e: {  	_ =	shalt  }
0x6f: {  	_ =	shalt  }
0x70: {  	_ =	shalt  }
0x71: {  	_ =	shalt  }
0x72: {  	_ =	shalt  }
0x73: {  	_ =	shalt  }
0x74: {  	_ =	shalt  }
0x75: {  	_ =	shalt  }
0x76: {  	_ =	shalt  }
0x77: {  	_ =	shalt  }
0x78: {  	_ =	shalt  }
0x79: {  	_ =	shalt  }
0x7a: {  	_ =	shalt  }
0x7b: {  	_ =	shalt  }
0x7c: {  	_ =	shalt  }
0x7d: {  	_ =	shalt  }
0x7e: {  	_ =	shalt  }
0x7f: {  	_ =	shalt  }
0x80: {  	_ =	shalt  }
0x81: {  	_ =	shalt  }
0x82: {  	_ =	shalt  }
0x83: {  	_ =	shalt  }
0x84: {  	_ =	shalt  }
0x85: {  	_ =	shalt  }
0x86: {  	_ =	shalt  }
0x87: {  	_ =	shalt  }
.Lfunc_end0:
.L_simem_size_0:
called_computation_lowered:
.L_overlay_start_0:
0x88: {  	s2 =	sld [smem:$0x3FD9]  }
0x89: {  	s3 =	sld [smem:$0x3FFE];
	_ =	sdelay $0x1  }
0x8a: {  	s1 =	srdreg.scid  }
0x8b: {  	s0 =	sand.u32 $0x1, s1  }
0x8c: {  	s18 =	sshll.u32 s0, $0xA;
	s2 =	sadd.s32 s3, s2  }
0x8d: {  	s2 =	sadd.s32 s2, s18  }
0x8e: {  	[smem:$0x3FC4] =	sst s2  }
0x8f: {  	_ = 	snop  }
0x90: {  	s2 =	sld [smem:$0x3FC9]  }
0x91: {  	s19 =	sld [smem:$0x3FC8]  }
0x92: {  	s4 =	sld [smem:$0x3FC7]  }
0x93: {  	s5 =	sld [smem:$0x3FC6]  }
0x94: {  	s6 =	sld [smem:$0x3FD0];
	(tm) =	ssettm $0x1  }
0x95: {  	s7 =	sld [smem:$0x3FFB];
	_ =	sdelay $0x3  }
0x96: {  	_ =	strace s7  }
0x97: {  	s7 =	sld [smem:$0x3FFC];
	_ =	sdelay $0x3  }
0x98: {  	_ =	strace s7  }
0x99: {  	s7 =	sld [smem:$0x3FFD];
	_ =	sdelay $0x3  }
0x9a: {  	_ =	strace s7  }
0x9b: {  	_ =	strace $0x8FFFFFFF  }
0x9c: {  	s20 =	sld [smem:$0x3FDB];
	_ =	sdelay $0x1  }
0x9d: {  	s8 =	simm.s32 $_scs_section_size  }
0x9e: {  	s9 =	simm.s32 $_size__tile_overlayer_lowered;
	s10 =	simm.s32 $_tile_overlayer_lowered  }
0x9f: {  	s23 =	simm.s32 $0x1BFF;
	s22 =	sshll.u32 s10, $0x1;
	s7 =	sadd.s32 s8, s20  }
0xa0: {  	s11 =	simm.s32 $0x0;
	s21 =	sshll.u32 s9, $0x1;
	s9 =	sadd.s32 s22, s7  }
0xa1: {  	[timem:s11], [sflag:s23] =	dma.local [hbm:s9], s21  }
0xa2: {  	_ =	swait.ge [sflag:s23], s21  }
0xa3: {  	s8 =	ssub.s32 $0x0, s21;
	[sflag:s23] =	ssyncset.done $0x0  }
0xa4: {  	[sflag:s23] =	ssyncadd.s32 s8;
	_ =	sdelay $0x1  }
0xa5: {  	s24 =	simm.s32 $0x1B8B  }
0xa6: {  	_ =	swait.ge [sflag:s24], $0x1  }
0xa7: {  	[sflag:s24] =	ssyncset.done $0x0  }
0xa8: {  	s25 =	simm.s32 $0x1B8E;
	[sflag:s24] =	ssyncadd.s32 $0xFFFFFFFF  }
0xa9: {  	s26 =	simm.s32 $execute0_lowered;
	[smem:$0x3FD2] =	sst s25  }
0xaa: {  	s8 =	sshll.u32 s26, $0x1;
	_ =	strace $0x80000046;
	[dreg:$0x1] =	wrdreg $0xFFFFFFFF  }
0xab: {  	s28 =	simm.s32 $_size_execute0_lowered;
	s7 =	sadd.s32 s7, s8;
	[dreg:$0x0] =	wrdreg $0x0  }
0xac: {  	s8 =	sshll.u32 s28, $0x1;
	[dreg:$0x2] =	wrdreg s7  }
0xad: {  	[dreg:$0x3] =	wrdreg s8  }
0xae: {  	[dreg:$0x4] =	wrdreg $0xC0  }
0xaf: {  	_ =	task [dreg:s11], $0x5FFFF  }
0xb0: {  	[dreg:$0x1] =	wrdreg $0xFFFFFFFF  }
0xb1: {  	[dreg:$0x0] =	wrdreg $0x60  }
0xb2: {  	[dreg:$0x2] =	wrdreg s2  }
0xb3: {  	[dreg:$0x3] =	wrdreg s19  }
0xb4: {  	[dreg:$0x4] =	wrdreg s4  }
0xb5: {  	[dreg:$0x5] =	wrdreg s5  }
0xb6: {  	[dreg:$0x6] =	wrdreg s6  }
0xb7: {  	[dreg:$0x7] =	wrdreg $0xFB000  }
0xb8: {  	[dreg:$0x8] =	wrdreg $0x9  }
0xb9: {  	_ =	task.clear_ibuf [dreg:s11], $0x9FFFF;
	_ =	strace $0x90000046  }
0xba: {  	s29 =	simm.s32 $0x9;
	_ =	strace $0x80000048  }
0xbb: {  	_ =	swait.ge [sflag:s29], $0x1  }
0xbc: {  	[sflag:s29] =	ssyncadd.s32 $0xFFFFFFFF  }
0xbd: {  	_ =	strace $0x90000048  }
0xbe: {  	_ =	sfence  }
0xbf: {  	s30 =	sld [smem:$0x0];
	_ =	sdelay $0x2  }
0xc0: {  	s31 =	sshll.u32 s1, $0xD;
	s1 =	sshrl.u32 s1, $0x2  }
0xc1: {  	s3 =	sand.u32 $0x4000, s31;
	s1 =	sadd.s32 s1, s30  }
0xc2: {  	s0 =	sor.u32 s3, s0;
	s1 =	sshll.u32 s1, $0x11  }
0xc3: {  	s0 =	sor.u32 s1, s0  }
0xc4: {  	s0 =	sadd.s32 $0x8F2B, s0  }
0xc5: {  	[sflag:s0] =	ssyncadd.remote.s32 $0x1  }
0xc6: {  	_ =	sfence.sel $0xFFFF  }
0xc7: {  	[dreg:$0x0] =	wrdreg $0xFFFFFFFF;
	(pc) =	sbr.abs _section_cstart, $3  }
0xc8: {  	[dreg:$0x1] =	wrdreg $0xFFFFFFFF  }
0xc9: {  	_ =	task.clear_ibuf [dreg:s11], $0x2FFFF;
	_ =	strace $0x9FFFFFFF  }
0xca: {  	(tm) =	ssettm $0x7FFFFFFF  }
0xcb: {  	_ =	shalt  }
tec
execute0_lowered:
.L_overlay_start_1:
0x0: {  	(tag) =	ssettag $0x1  }
0x1: {  	s0 =	rddreg [dreg:$0x0]  }
0x2: {  	s3 =	rddreg [dreg:$0x1]  }
0x3: {  	s4 =	rddreg [dreg:$0x3];
	s1 =	srdreg.scid  }
0x4: {  	s5 =	rddreg [dreg:$0x4];
	s9 =	stileid.u32  }
0x5: {  	s30 =	simm.s32 $0x8;
	s31 =	simm.s32 $0xC800;
	s29 =	simm.s32 $0x1  }
0x6: {  	s2 =	sand.u32 $0x1, s1;
	s1 =	simm.s32 $0x0;
	s7 =	sshll.u32 s9, $0x1  }
0x7: {  	s11 =	smul.u32 $0xF440, s9;
	s6 =	ssub.s32 $0x2, s2;
	s7 =	sor.u32 s2, s7  }
0x8: {  	[smem:$0x7FF] =	sst s1;
	s8 =	sshrl.u32 s6, $0x1;
	s14 =	sshll.u32 s7, $0x9  }
0x9: {  	s13 =	sshrl.u32 s11, $0x3;
	s17 =	sadd.s32 $0x3200, s11;
	s18 =	sadd.s32 $0x6400, s11  }
0xa: {  	s20 =	sadd.s32 $0x9600, s11;
	s21 =	sadd.s32 $0xC800, s11;
	s23 =	sshll.u32 s7, $0x6  }
0xb: {  	s6 =	ssub.s32 s6, s8;
	s2 =	sadd.s32 s0, s14;
	s8 =	sadd.s32 s4, s13  }
0xc: {  	s15 =	sshrl.u32 s17, $0x3;
	s16 =	sshrl.u32 s18, $0x3;
	s19 =	sshrl.u32 s20, $0x3  }
0xd: {  	s22 =	sshrl.u32 s21, $0x3;
	s13 =	sor.u32 $0x80, s14;
	s24 =	sor.u32 $0x100, s14  }
0xe: {  	s26 =	sor.u32 $0x180, s14;
	[dreg:$0x7] =	wrdreg s8;
	s8 =	sadd.s32 s4, s15  }
0xf: {  	s9 =	sadd.s32 s0, s13;
	s10 =	sadd.s32 s3, s13;
	s12 =	sadd.s32 s0, s24  }
0x10: {  	s25 =	sshrl.u32 s13, $0x3;
	[dreg:$0x8] =	wrdreg s8;
	s8 =	sadd.s32 s4, s16  }
0x11: {  	s13 =	sadd.s32 s3, s24;
	s15 =	sadd.s32 s0, s26;
	[dreg:$0x9] =	wrdreg s8  }
0x12: {  	s7 =	sshrl.u32 s26, $0x3;
	s8 =	sadd.s32 s4, s19;
	s19 =	rddreg [dreg:$0x5]  }
0x13: {  	s28 =	smax.u32 s6, $0x1;
	s4 =	sadd.s32 s4, s22;
	[dreg:$0xa] =	wrdreg s8  }
0x14: {  	s6 =	simm.s32 $0xE100;
	s16 =	sadd.s32 s3, s26;
	[dreg:$0xb] =	wrdreg s4  }
0x15: {  	s8 =	sadd.s32 s3, s14;
	s4 =	sadd.s32 s5, s23;
	s3 =	sshrl.u32 s24, $0x3  }
0x16: {  	s14 =	sadd.s32 s5, s7;
	s22 =	sadd.s32 s11, s19;
	[dreg:$0xc] =	wrdreg s4  }
0x17: {  	s23 =	sadd.s32 s17, s19;
	s4 =	sadd.s32 s5, s25;
	[dreg:$0xf] =	wrdreg s14  }
0x18: {  	s24 =	sadd.s32 s18, s19;
	s0 =	sadd.s32 s5, s3;
	[dreg:$0xd] =	wrdreg s4  }
0x19: {  	s26 =	sadd.s32 s21, s19;
	s18 =	simm.s32 $0x7;
	[dreg:$0xe] =	wrdreg s0  }
0x1a: {  	s7 =	simm.s32 $0x2;
	_ =	strace $0x80000047;
	[dreg:$0x10] =	wrdreg s22  }
0x1b: {  	s17 =	simm.s32 $0xFA00;
	s11 =	simm.s32 $0x0;
	[dreg:$0x11] =	wrdreg s23  }
0x1c: {  	s25 =	sadd.s32 s20, s19;
	s3 =	simm.s32 $0x1900;
	[dreg:$0x12] =	wrdreg s24  }
0x1d: {  	s5 =	simm.s32 $0x5;
	s14 =	simm.s32 $0x4;
	[dreg:$0x13] =	wrdreg s25  }
0x1e: {  	s0 =	simm.s32 $0x6;
	s4 =	simm.s32 $0x3;
	[dreg:$0x14] =	wrdreg s26  }
.LBB2_1:
0x1f: {  	s20 =	rddreg [dreg:$0x2];
	s21 =	simm.s32 $0xFA80  }
0x20: {  	[tilespmem:s21], [sflag:$0x8] =	stream.linear.gather [hbm4b:s20+s1], $0x80, $0x38;
	[tilespmem:$0x1EF40] =	vst v63  }
0x21: {  	s25 =	sand.u32 $0x3C000, s1;
	_ =	swait.ge [sflag:s30], $0x80  }
0x22: {  	s26 =	sand.u32 $0x70, s1;
	s20 =	sadd.s32 s25, s2;
	[sflag:s30] =	ssyncset.done $0x0  }
0x23: {  	s20 =	sadd.s32 s26, s20;
	[sflag:s30] =	ssyncadd.s32 $0xFFFFFF80  }
0x24: {  	v0 =	vld [tilespmem:$0xFA80];
	[tilespmem:s1], [sflag:$0x1] =	stream.linear.gather [hbm4b:s20+s1], $0x80, $0x38  }
0x25: {  	s22 =	simm.s32 $0x0;
	s21 =	simm.s32 $0x10;
	s20 =	simm.s32 $0x800  }
.LBB2_2:
0x26: {  	s23 =	sand.u32 $0x3C000, s20;
	p0 =	sne.s32 s20, $0x31800;
	s20 =	sadd.s32 $0x800, s20  }
.Ltmp0:
0x27: {  	s24 =	sand.u32 $0x70, s21;
	s23 =	sadd.s32 s23, s2;
	(pc) =	sbr.rel @p0 .LBB2_2-.Ltmp0, $4  }
0x28: {  	s22 =	sadd.s32 $0x80, s22;
	s23 =	sadd.s32 s24, s23  }
0x29: {  	[tilespmem:s22], [sflag:$0x1] =	stream.linear.gather [hbm4b:s23+s1], $0x80, $0x38;
	[tilespmem:$0x1EF40] =	vst v63  }
0x2a: {  	_ = 	snop  }
0x2b: {  	s21 =	sadd.s32 $0x10, s21  }
0x2c: {  	s20 =	simm.s32 $0x0;
	s21 =	rddreg [dreg:$0x7]  }
0x2d: {  	[tilespmem:s31], [sflag:$0x6] =	stream.linear.gather [hbm4b:s21+s20], $0x3200, $0x38;
	[tilespmem:$0x1EF40] =	vst v63  }
0x2e: {  	s22 =	rddreg [dreg:$0x8];
	s21 =	simm.s32 $0x6400  }
0x2f: {  	[tilespmem:s21], [sflag:$0x6] =	stream.linear.gather [hbm4b:s22+s20], $0x3200, $0x38;
	[tilespmem:$0x1EF40] =	vst v63  }
0x30: {  	s24 =	rddreg [dreg:$0x9];
	s23 =	simm.s32 $0x9600  }
0x31: {  	[tilespmem:s23], [sflag:$0x6] =	stream.linear.gather [hbm4b:s24+s20], $0x3200, $0x38;
	[tilespmem:$0x1EF40] =	vst v63  }
0x32: {  	_ =	swait.ge [sflag:s0], $0x3200  }
0x33: {  	[sflag:s0] =	ssyncset.done $0x0  }
0x34: {  	s25 =	rddreg [dreg:$0x10];
	[sflag:s0] =	ssyncadd.s32 $0xFFFFCE00  }
0x35: {  	[spmem:s25] =	stream.linear.scatter [tilespmem:s31], [sflag:$0x7], $0x3200, $0x38;
	[tilespmem:$0x1EF40] =	vst v63  }
0x36: {  	_ =	swait.ge [sflag:s18], $0x3200  }
0x37: {  	[sflag:s18] =	ssyncset.done $0x0  }
0x38: {  	s26 =	rddreg [dreg:$0xa];
	[sflag:s18] =	ssyncadd.s32 $0xFFFFCE00  }
0x39: {  	[tilespmem:s31], [sflag:$0x6] =	stream.linear.gather [hbm4b:s26+s20], $0x3200, $0x38;
	[tilespmem:$0x1EF40] =	vst v63  }
0x3a: {  	_ =	swait.ge [sflag:s0], $0x3200  }
0x3b: {  	[sflag:s0] =	ssyncset.done $0x0  }
0x3c: {  	s24 =	rddreg [dreg:$0x11];
	[sflag:s0] =	ssyncadd.s32 $0xFFFFCE00  }
0x3d: {  	[spmem:s24] =	stream.linear.scatter [tilespmem:s21], [sflag:$0x7], $0x3200, $0x38;
	[tilespmem:$0x1EF40] =	vst v63  }
0x3e: {  	_ =	swait.ge [sflag:s18], $0x3200  }
0x3f: {  	[sflag:s18] =	ssyncset.done $0x0  }
0x40: {  	s25 =	rddreg [dreg:$0xb];
	[sflag:s18] =	ssyncadd.s32 $0xFFFFCE00  }
0x41: {  	[tilespmem:s21], [sflag:$0x6] =	stream.linear.gather [hbm4b:s25+s20], $0x2C40, $0x38;
	[tilespmem:$0x1EF40] =	vst v63  }
0x42: {  	_ =	swait.ge [sflag:s0], $0x3200  }
0x43: {  	[sflag:s0] =	ssyncset.done $0x0  }
0x44: {  	s26 =	rddreg [dreg:$0x12];
	[sflag:s0] =	ssyncadd.s32 $0xFFFFCE00  }
0x45: {  	[spmem:s26] =	stream.linear.scatter [tilespmem:s23], [sflag:$0x7], $0x3200, $0x38;
	[tilespmem:$0x1EF40] =	vst v63  }
0x46: {  	_ =	swait.ge [sflag:s0], $0x3200  }
0x47: {  	[sflag:s0] =	ssyncset.done $0x0  }
0x48: {  	s24 =	rddreg [dreg:$0x13];
	[sflag:s0] =	ssyncadd.s32 $0xFFFFCE00  }
0x49: {  	[spmem:s24] =	stream.linear.scatter [tilespmem:s31], [sflag:$0x7], $0x3200, $0x38;
	[tilespmem:$0x1EF40] =	vst v63  }
0x4a: {  	_ =	swait.ge [sflag:s0], $0x2C40  }
0x4b: {  	[sflag:s0] =	ssyncset.done $0x0  }
0x4c: {  	s25 =	rddreg [dreg:$0x14];
	[sflag:s0] =	ssyncadd.s32 $0xFFFFD3C0  }
0x4d: {  	[spmem:s25] =	stream.linear.scatter [tilespmem:s21], [sflag:$0x7], $0x2C40, $0x38;
	[tilespmem:$0x1EF40] =	vst v63  }
0x4e: {  	_ =	swait.ge [sflag:s18], $0x3200  }
0x4f: {  	[sflag:s18] =	ssyncset.done $0x0  }
0x50: {  	[sflag:s18] =	ssyncadd.s32 $0xFFFFCE00  }
0x51: {  	_ =	swait.ge [sflag:s18], $0x3200  }
0x52: {  	[sflag:s18] =	ssyncset.done $0x0  }
0x53: {  	[sflag:s18] =	ssyncadd.s32 $0xFFFFCE00  }
0x54: {  	_ =	swait.ge [sflag:s18], $0x2C40  }
0x55: {  	s26 =	sand.u32 $0x3C000, s20;
	[sflag:s18] =	ssyncset.done $0x0  }
0x56: {  	s20 =	sand.u32 $0x70, s20;
	s22 =	sadd.s32 s26, s8;
	[sflag:s18] =	ssyncadd.s32 $0xFFFFD3C0  }
0x57: {  	s20 =	sadd.s32 s20, s22;
	[bflag:$0x0] =	sbarrier.arrive $0xFFFF  }
0x58: {  	[tilespmem:s21], [sflag:$0x3] =	stream.linear.gather [hbm4b:s20+s1], $0x80, $0x38;
	[tilespmem:$0x1EF40] =	vst v63  }
0x59: {  	s22 =	simm.s32 $0x10;
	s20 =	simm.s32 $0x800  }
.LBB2_4:
0x5a: {  	s23 =	sand.u32 $0x3C000, s20;
	p0 =	sne.s32 s20, $0x31800;
	s20 =	sadd.s32 $0x800, s20  }
.Ltmp1:
0x5b: {  	s24 =	sand.u32 $0x70, s22;
	s23 =	sadd.s32 s23, s8;
	(pc) =	sbr.rel @p0 .LBB2_4-.Ltmp1, $4  }
0x5c: {  	s21 =	sadd.s32 $0x80, s21;
	s23 =	sadd.s32 s24, s23  }
0x5d: {  	[tilespmem:s21], [sflag:$0x3] =	stream.linear.gather [hbm4b:s23+s1], $0x80, $0x38;
	[tilespmem:$0x1EF40] =	vst v63  }
0x5e: {  	_ = 	snop  }
0x5f: {  	s22 =	sadd.s32 $0x10, s22  }
0x60: {  	_ =	swait.ge [sflag:s29], $0x3200;
	s20 =	simm.s32 $0x0  }
0x61: {  	[sflag:s29] =	ssyncset.done $0x0;
	s21 =	sand.u32 $0x3C000, s20;
	s22 =	sand.u32 $0x70, s20  }
0x62: {  	[sflag:s29] =	ssyncadd.s32 $0xFFFFCE00;
	s21 =	sor.u32 s22, s21  }
0x63: {  	[tilespmem:s31], [sflag:$0x5] =	stream.indirect.gather [spmem:s19], $0x1, s20, s3, $0xb8;
	[tilespmem:$0x1EF40] =	vst v63  }
0x64: {  	s22 =	simm.s32 $0x3200;
	s23 =	sadd.s32 s21, s9  }
0x65: {  	[tilespmem:s22], [sflag:$0x2] =	stream.linear.gather [hbm4b:s23+s20], $0x80, $0x38;
	[tilespmem:$0x1EF40] =	vst v63  }
0x66: {  	s24 =	simm.s32 $0x0;
	s23 =	simm.s32 $0x800  }
.LBB2_6:
0x67: {  	p0 =	sne.s32 s23, $0x31800  }
.Ltmp2:
0x68: {  	s25 =	sand.u32 $0x3C000, s23;
	s24 =	sadd.s32 $0x10, s24;
	(pc) =	sbr.rel @p0 .LBB2_6-.Ltmp2, $4  }
0x69: {  	s23 =	sadd.s32 $0x800, s23;
	s26 =	sand.u32 $0x70, s24  }
0x6a: {  	s25 =	sor.u32 s26, s25  }
0x6b: {  	s22 =	sadd.s32 $0x80, s22;
	s25 =	sadd.s32 s25, s9  }
0x6c: {  	[tilespmem:s22], [sflag:$0x2] =	stream.linear.gather [hbm4b:s25+s20], $0x80, $0x38;
	[tilespmem:$0x1EF40] =	vst v63  }
0x6d: {  	s22 =	simm.s32 $0x9600;
	s21 =	sadd.s32 s21, s10  }
0x6e: {  	[tilespmem:s22], [sflag:$0x4] =	stream.linear.gather [hbm4b:s21+s1], $0x80, $0x38;
	[tilespmem:$0x1EF40] =	vst v63  }
0x6f: {  	s21 =	simm.s32 $0x800  }
.LBB2_8:
0x70: {  	p0 =	sne.s32 s21, $0x31800  }
.Ltmp3:
0x71: {  	s23 =	sand.u32 $0x3C000, s21;
	s20 =	sadd.s32 $0x10, s20;
	(pc) =	sbr.rel @p0 .LBB2_8-.Ltmp3, $4  }
0x72: {  	s21 =	sadd.s32 $0x800, s21;
	s24 =	sand.u32 $0x70, s20  }
0x73: {  	s23 =	sor.u32 s24, s23  }
0x74: {  	s22 =	sadd.s32 $0x80, s22;
	s23 =	sadd.s32 s23, s10  }
0x75: {  	[tilespmem:s22], [sflag:$0x4] =	stream.linear.gather [hbm4b:s23+s1], $0x80, $0x38;
	[tilespmem:$0x1EF40] =	vst v63  }
0x76: {  	_ =	swait.ge [sflag:s4], $0x3200  }
0x77: {  	[sflag:s4] =	ssyncset.done $0x0  }
0x78: {  	[sflag:s4] =	ssyncadd.s32 $0xFFFFCE00  }
0x79: {  	_ =	swait.ge [sflag:s5], $0x1900  }
0x7a: {  	[sflag:s5] =	ssyncset.done $0x0  }
0x7b: {  	s20 =	simm.s32 $0x0;
	[sflag:s5] =	ssyncadd.s32 $0xFFFFE700  }
0x7c: {  	[tilespmem:s6], [sflag:$0x5] =	stream.indirect.gather [spmem:s19], $0x1, s3, s3, $0xb8;
	[tilespmem:$0x1EF40] =	vst v63  }
0x7d: {  	v1 =	vld [tilespmem:s20+$0xC870]  }
0x7e: {  	v2 =	vld [tilespmem:s20+$0x6470]  }
0x7f: {  	v3 =	vld [tilespmem:s20+$0xC800]  }
0x80: {  	v4 =	vld [tilespmem:s20+$0x6400]  }
0x81: {  	v6 =	vld [tilespmem:s20+$0xC810]  }
0x82: {  	v7 =	vld [tilespmem:s20+$0x6410]  }
0x83: {  	v8 =	vld [tilespmem:s20+$0xC820]  }
0x84: {  	v10 =	vld [tilespmem:s20+$0x6420]  }
0x85: {  	v11 =	vld [tilespmem:s20+$0xC830]  }
0x86: {  	v12 =	vld [tilespmem:s20+$0x6430]  }
0x87: {  	v14 =	vld [tilespmem:s20+$0xC840]  }
0x88: {  	v15 =	vld [tilespmem:s20+$0x6440]  }
0x89: {  	v1 =	vmul.f32 v2, v1  }
0x8a: {  	v5 =	vimm.f32 $0.0e+00;
	v9 =	vld [tilespmem:s20+$0xC850];
	v2 =	vmul.f32 v4, v3;
	v3 =	vmul.f32 v7, v6  }
0x8b: {  	v7 =	vmul.f32 v12, v11;
	v4 =	vadd.f32 v1, v5;
	v1 =	vmul.f32 v10, v8;
	v10 =	vld [tilespmem:s20+$0x6450]  }
0x8c: {  	v13 =	vld [tilespmem:s20+$0x6460];
	v6 =	vadd.f32 v2, v5  }
0x8d: {  	s21 =	simm.s32 $0x80;
	v11 =	vld [tilespmem:s20+$0xC860];
	v14 =	vmul.f32 v15, v14;
	v2 =	vadd.f32 v3, v5;
	v3 =	vadd.f32 v7, v5  }
0x8e: {  	v12 =	vld [tilespmem:s21+$0xC870];
	s20 =	simm.s32 $0x400;
	v8 =	vimm.f32 $0.0e+00;
	v7 =	vimm.f32 $0.0e+00;
	v1 =	vadd.f32 v1, v5  }
.LBB2_10:
0x8f: {  	p0 =	sne.s32 s20, $0x6200;
	v15 =	vld [tilespmem:s21+$0x6470]  }
0x90: {  	v16 =	vld [tilespmem:s21+$0xC800];
	v5 =	vadd.f32 v14, v5;
	v9 =	vmul.f32 v10, v9  }
0x91: {  	v10 =	vld [tilespmem:s21+$0x6400]  }
0x92: {  	v14 =	vld [tilespmem:s21+$0xC810];
	v8 =	vadd.f32 v9, v8;
	v9 =	vmul.f32 v13, v11  }
0x93: {  	v11 =	vld [tilespmem:s21+$0x6410]  }
0x94: {  	v13 =	vld [tilespmem:s21+$0xC820];
	v12 =	vmul.f32 v15, v12;
	v7 =	vadd.f32 v9, v7  }
0x95: {  	v9 =	vld [tilespmem:s21+$0x6420]  }
0x96: {  	v10 =	vmul.f32 v10, v16;
	v15 =	vld [tilespmem:s21+$0xC830];
	v4 =	vadd.f32 v12, v4  }
0x97: {  	v12 =	vld [tilespmem:s21+$0x6430]  }
0x98: {  	v6 =	vadd.f32 v10, v6;
	v10 =	vmul.f32 v11, v14;
	v14 =	vld [tilespmem:s21+$0xC840]  }
0x99: {  	v16 =	vld [tilespmem:s21+$0x6440]  }
.Ltmp4:
0x9a: {  	v2 =	vadd.f32 v10, v2;
	v11 =	vmul.f32 v9, v13;
	v9 =	vld [tilespmem:s21+$0xC850];
	(pc) =	sbr.rel @p0 .LBB2_10-.Ltmp4, $4  }
0x9b: {  	v10 =	vld [tilespmem:s21+$0x6450]  }
0x9c: {  	v1 =	vadd.f32 v11, v1;
	v15 =	vmul.f32 v12, v15;
	v11 =	vld [tilespmem:s21+$0xC860]  }
0x9d: {  	v13 =	vld [tilespmem:s21+$0x6460];
	s21 =	sshra.s32 s20, $0x2  }
0x9e: {  	s20 =	sadd.s32 $0x200, s20;
	v12 =	vld [tilespmem:s21+$0xC870];
	v3 =	vadd.f32 v15, v3;
	v14 =	vmul.f32 v16, v14  }
0x9f: {  	v15 =	vld [tilespmem:s21+$0x6470]  }
0xa0: {  	v16 =	vld [tilespmem:s21+$0xC800]  }
0xa1: {  	v17 =	vld [tilespmem:s21+$0x6400]  }
0xa2: {  	v18 =	vld [tilespmem:s21+$0xC810]  }
0xa3: {  	v19 =	vld [tilespmem:s21+$0x6410]  }
0xa4: {  	v20 =	vld [tilespmem:s21+$0xC820]  }
0xa5: {  	v21 =	vld [tilespmem:s21+$0x6420]  }
0xa6: {  	v22 =	vld [tilespmem:s21+$0xC830]  }
0xa7: {  	v23 =	vld [tilespmem:s21+$0x6430]  }
0xa8: {  	v24 =	vld [tilespmem:s21+$0xC840]  }
0xa9: {  	v25 =	vld [tilespmem:s21+$0x6440]  }
0xaa: {  	v26 =	vld [tilespmem:s21+$0xC850]  }
0xab: {  	v27 =	vld [tilespmem:s21+$0x6450]  }
0xac: {  	v28 =	vld [tilespmem:s21+$0xC860]  }
0xad: {  	v29 =	vld [tilespmem:s21+$0x6460];
	_ =	swait.ge [sflag:s5], $0x1900  }
0xae: {  	[sflag:s5] =	ssyncset.done $0x0  }
0xaf: {  	[sflag:s5] =	ssyncadd.s32 $0xFFFFE700  }
0xb0: {  	_ =	swait.ge [sflag:s7], $0x3200  }
0xb1: {  	[sflag:s7] =	ssyncset.done $0x0  }
0xb2: {  	s20 =	simm.s32 $0x3200;
	s26 =	simm.s32 $0x0;
	[sflag:s7] =	ssyncadd.s32 $0xFFFFCE00  }
0xb3: {  	[tilespmem:s31], [sflag:$0x5] =	stream.indirect.gather [spmem:s19], $0x1, s20, s3, $0xb8;
	[tilespmem:$0x1EF40] =	vst v63  }
0xb4: {  	v30 =	vld [tilespmem:s26+$0xE170]  }
0xb5: {  	v31 =	vld [tilespmem:s26+$0x7D70]  }
0xb6: {  	v32 =	vld [tilespmem:s26+$0xE100]  }
0xb7: {  	v33 =	vld [tilespmem:s26+$0x7D00]  }
0xb8: {  	v34 =	vld [tilespmem:s26+$0xE110]  }
0xb9: {  	v9 =	vmul.f32 v10, v9;
	v35 =	vld [tilespmem:s26+$0x7D10]  }
0xba: {  	v10 =	vmul.f32 v13, v11;
	v11 =	vmul.f32 v15, v12;
	v13 =	vld [tilespmem:s26+$0xE120]  }
0xbb: {  	v5 =	vadd.f32 v14, v5;
	v8 =	vadd.f32 v9, v8;
	v9 =	vmul.f32 v17, v16;
	v14 =	vld [tilespmem:s26+$0x7D20]  }
0xbc: {  	v7 =	vadd.f32 v10, v7;
	v11 =	vadd.f32 v11, v4;
	v4 =	vmul.f32 v19, v18;
	v15 =	vld [tilespmem:s26+$0xE130]  }
0xbd: {  	v10 =	vmul.f32 v23, v22;
	v6 =	vadd.f32 v9, v6;
	v9 =	vmul.f32 v21, v20;
	v58 =	vld [tilespmem:s26+$0x7D30]  }
0xbe: {  	v12 =	vmul.f32 v27, v26;
	v60 =	vld [tilespmem:s26+$0xE140];
	v59 =	vadd.f32 v4, v2;
	v2 =	vmul.f32 v25, v24  }
0xbf: {  	v61 =	vadd.f32 v10, v3;
	v62 =	vld [tilespmem:s26+$0x7D40];
	v9 =	vadd.f32 v9, v1;
	v1 =	vmul.f32 v29, v28  }
0xc0: {  	v3 =	vadd.f32 v12, v8;
	v10 =	vld [tilespmem:s26+$0xE150];
	v4 =	vadd.f32 v2, v5;
	v5 =	vmul.f32 v31, v30  }
0xc1: {  	v12 =	vld [tilespmem:s26+$0x7D50];
	v2 =	vadd.f32 v1, v7;
	v7 =	vmul.f32 v33, v32;
	v63 =	vmul.f32 v35, v34  }
0xc2: {  	v14 =	vmul.f32 v14, v13;
	v15 =	vmul.f32 v58, v15;
	v13 =	vld [tilespmem:s26+$0x7D60];
	v1 =	vadd.f32 v5, v11  }
0xc3: {  	s21 =	simm.s32 $0x80;
	v11 =	vld [tilespmem:s26+$0xE160];
	v8 =	vadd.f32 v7, v6;
	v5 =	vadd.f32 v63, v59  }
0xc4: {  	s20 =	simm.s32 $0x400;
	v6 =	vadd.f32 v14, v9;
	v9 =	vld [tilespmem:s21+$0xE170];
	v7 =	vadd.f32 v15, v61;
	v14 =	vmul.f32 v62, v60  }
.LBB2_12:
0xc5: {  	p0 =	sne.s32 s20, $0x6200;
	v15 =	vld [tilespmem:s21+$0x7D70]  }
0xc6: {  	v16 =	vld [tilespmem:s21+$0xE100];
	v4 =	vadd.f32 v14, v4;
	v10 =	vmul.f32 v12, v10  }
0xc7: {  	v12 =	vld [tilespmem:s21+$0x7D00]  }
0xc8: {  	v14 =	vld [tilespmem:s21+$0xE110];
	v3 =	vadd.f32 v10, v3;
	v10 =	vmul.f32 v13, v11  }
0xc9: {  	v11 =	vld [tilespmem:s21+$0x7D10]  }
0xca: {  	v13 =	vld [tilespmem:s21+$0xE120];
	v9 =	vmul.f32 v15, v9;
	v2 =	vadd.f32 v10, v2  }
0xcb: {  	v10 =	vld [tilespmem:s21+$0x7D20]  }
0xcc: {  	v12 =	vmul.f32 v12, v16;
	v15 =	vld [tilespmem:s21+$0xE130];
	v1 =	vadd.f32 v9, v1  }
0xcd: {  	v9 =	vld [tilespmem:s21+$0x7D30]  }
0xce: {  	v8 =	vadd.f32 v12, v8;
	v11 =	vmul.f32 v11, v14;
	v14 =	vld [tilespmem:s21+$0xE140]  }
0xcf: {  	v16 =	vld [tilespmem:s21+$0x7D40]  }
.Ltmp5:
0xd0: {  	v5 =	vadd.f32 v11, v5;
	v11 =	vmul.f32 v10, v13;
	v10 =	vld [tilespmem:s21+$0xE150];
	(pc) =	sbr.rel @p0 .LBB2_12-.Ltmp5, $4  }
0xd1: {  	v12 =	vld [tilespmem:s21+$0x7D50]  }
0xd2: {  	v6 =	vadd.f32 v11, v6;
	v15 =	vmul.f32 v9, v15;
	v11 =	vld [tilespmem:s21+$0xE160]  }
0xd3: {  	v13 =	vld [tilespmem:s21+$0x7D60];
	s21 =	sshra.s32 s20, $0x2  }
0xd4: {  	s20 =	sadd.s32 $0x200, s20;
	v9 =	vld [tilespmem:s21+$0xE170];
	v7 =	vadd.f32 v15, v7;
	v14 =	vmul.f32 v16, v14  }
0xd5: {  	v15 =	vld [tilespmem:s21+$0xE100]  }
0xd6: {  	v16 =	vld [tilespmem:s21+$0x7D00]  }
0xd7: {  	v17 =	vld [tilespmem:s21+$0xE110]  }
0xd8: {  	v18 =	vld [tilespmem:s21+$0x7D10]  }
0xd9: {  	v19 =	vld [tilespmem:s21+$0xE120]  }
0xda: {  	v20 =	vld [tilespmem:s21+$0x7D20]  }
0xdb: {  	v21 =	vld [tilespmem:s21+$0xE130]  }
0xdc: {  	v22 =	vld [tilespmem:s21+$0x7D30]  }
0xdd: {  	v23 =	vld [tilespmem:s21+$0xE140]  }
0xde: {  	v24 =	vld [tilespmem:s21+$0x7D40]  }
0xdf: {  	v25 =	vld [tilespmem:s21+$0xE150]  }
0xe0: {  	v26 =	vld [tilespmem:s21+$0x7D50]  }
0xe1: {  	v53 =	vld [tilespmem:s21+$0xE160];
	v10 =	vmul.f32 v12, v10;
	v52 =	vmul.f32 v16, v15  }
0xe2: {  	v55 =	vld [tilespmem:s21+$0x7D60];
	v4 =	vadd.f32 v14, v4;
	v11 =	vmul.f32 v13, v11;
	v54 =	vmul.f32 v18, v17  }
0xe3: {  	v57 =	vld [tilespmem:s21+$0x7D70];
	v3 =	vadd.f32 v10, v3;
	v56 =	vmul.f32 v20, v19;
	v8 =	vadd.f32 v52, v8  }
0xe4: {  	v2 =	vadd.f32 v11, v2;
	v58 =	vmul.f32 v22, v21;
	v5 =	vadd.f32 v54, v5  }
0xe5: {  	v59 =	vmul.f32 v24, v23;
	v6 =	vadd.f32 v56, v6;
	v8 =	vadd.f32 v8, v0  }
0xe6: {  	v60 =	vmul.f32 v26, v25;
	v7 =	vadd.f32 v58, v7;
	v5 =	vadd.f32 v5, v0  }
0xe7: {  	v61 =	vmul.f32 v55, v53;
	v4 =	vadd.f32 v59, v4;
	v6 =	vadd.f32 v6, v0;
	[tilespmem:$0xFA00] =	vst v8  }
0xe8: {  	v62 =	vmul.f32 v57, v9;
	v3 =	vadd.f32 v60, v3;
	v63 =	vadd.f32 v7, v0;
	[tilespmem:$0xFA10] =	vst v5  }
0xe9: {  	v2 =	vadd.f32 v61, v2;
	v4 =	vadd.f32 v4, v0;
	[tilespmem:$0xFA20] =	vst v6  }
0xea: {  	v1 =	vadd.f32 v62, v1;
	v3 =	vadd.f32 v3, v0;
	[tilespmem:$0xFA30] =	vst v63  }
0xeb: {  	v2 =	vadd.f32 v2, v0;
	[tilespmem:$0xFA40] =	vst v4  }
0xec: {  	v1 =	vadd.f32 v1, v0;
	[tilespmem:$0xFA50] =	vst v3  }
0xed: {  	[tilespmem:$0xFA60] =	vst v2  }
0xee: {  	s20 =	simm.s32 $0x0;
	s25 =	rddreg [dreg:$0xc];
	[tilespmem:$0xFA70] =	vst v1  }
0xef: {  	[hbm4b:s25+s20] =	stream.linear.scatter [tilespmem:s17], [sflag:$0x8], $0x80, $0x38;
	[tilespmem:$0x1EF40] =	vst v63  }
0xf0: {  	s26 =	sand.u32 $0x3C000, s20;
	s22 =	sand.u32 $0x70, s20;
	_ =	swait.ge [sflag:s30], $0x80  }
0xf1: {  	s21 =	sor.u32 s22, s26;
	[sflag:s30] =	ssyncset.done $0x0  }
0xf2: {  	s22 =	sadd.s32 s21, s12;
	[sflag:s30] =	ssyncadd.s32 $0xFFFFFF80  }
0xf3: {  	[tilespmem:s20], [sflag:$0x1] =	stream.linear.gather [hbm4b:s22+s20], $0x80, $0x38;
	[tilespmem:$0x1EF40] =	vst v63  }
0xf4: {  	s23 =	simm.s32 $0x0;
	s24 =	simm.s32 $0x0;
	s22 =	simm.s32 $0x800  }
.LBB2_14:
0xf5: {  	p0 =	sne.s32 s22, $0x31800  }
.Ltmp6:
0xf6: {  	s25 =	sand.u32 $0x3C000, s22;
	s23 =	sadd.s32 $0x10, s23;
	(pc) =	sbr.rel @p0 .LBB2_14-.Ltmp6, $4  }
0xf7: {  	s22 =	sadd.s32 $0x800, s22;
	s26 =	sand.u32 $0x70, s23  }
0xf8: {  	s25 =	sor.u32 s26, s25  }
0xf9: {  	s24 =	sadd.s32 $0x80, s24;
	s25 =	sadd.s32 s25, s12  }
0xfa: {  	[tilespmem:s24], [sflag:$0x1] =	stream.linear.gather [hbm4b:s25+s20], $0x80, $0x38;
	[tilespmem:$0x1EF40] =	vst v63  }
0xfb: {  	s22 =	simm.s32 $0x6400;
	s21 =	sadd.s32 s21, s13  }
0xfc: {  	[tilespmem:s22], [sflag:$0x3] =	stream.linear.gather [hbm4b:s21+s1], $0x80, $0x38;
	[tilespmem:$0x1EF40] =	vst v63  }
0xfd: {  	s21 =	simm.s32 $0x800  }
.LBB2_16:
0xfe: {  	p0 =	sne.s32 s21, $0x31800  }
.Ltmp7:
0xff: {  	s23 =	sand.u32 $0x3C000, s21;
	s20 =	sadd.s32 $0x10, s20;
	(pc) =	sbr.rel @p0 .LBB2_16-.Ltmp7, $4  }
0x100: {  	s21 =	sadd.s32 $0x800, s21;
	s24 =	sand.u32 $0x70, s20  }
0x101: {  	s23 =	sor.u32 s24, s23  }
0x102: {  	s22 =	sadd.s32 $0x80, s22;
	s23 =	sadd.s32 s23, s13  }
0x103: {  	[tilespmem:s22], [sflag:$0x3] =	stream.linear.gather [hbm4b:s23+s1], $0x80, $0x38;
	[tilespmem:$0x1EF40] =	vst v63  }
0x104: {  	_ =	swait.ge [sflag:s14], $0x3200  }
0x105: {  	[sflag:s14] =	ssyncset.done $0x0  }
0x106: {  	[sflag:s14] =	ssyncadd.s32 $0xFFFFCE00  }
0x107: {  	_ =	swait.ge [sflag:s5], $0x1900  }
0x108: {  	[sflag:s5] =	ssyncset.done $0x0  }
0x109: {  	s20 =	simm.s32 $0x4B00;
	s26 =	simm.s32 $0x0;
	[sflag:s5] =	ssyncadd.s32 $0xFFFFE700  }
0x10a: {  	[tilespmem:s6], [sflag:$0x5] =	stream.indirect.gather [spmem:s19], $0x1, s20, s3, $0xb8;
	[tilespmem:$0x1EF40] =	vst v63  }
0x10b: {  	v1 =	vld [tilespmem:s26+$0xC870]  }
0x10c: {  	v2 =	vld [tilespmem:s26+$0x9670]  }
0x10d: {  	v3 =	vld [tilespmem:s26+$0xC800]  }
0x10e: {  	v4 =	vld [tilespmem:s26+$0x9600]  }
0x10f: {  	v6 =	vld [tilespmem:s26+$0xC810]  }
0x110: {  	v7 =	vld [tilespmem:s26+$0x9610]  }
0x111: {  	v8 =	vld [tilespmem:s26+$0xC820]  }
0x112: {  	v10 =	vld [tilespmem:s26+$0x9620]  }
0x113: {  	v11 =	vld [tilespmem:s26+$0xC830]  }
0x114: {  	v12 =	vld [tilespmem:s26+$0x9630]  }
0x115: {  	v14 =	vld [tilespmem:s26+$0xC840]  }
0x116: {  	v15 =	vld [tilespmem:s26+$0x9640]  }
0x117: {  	v1 =	vmul.f32 v2, v1  }
0x118: {  	v5 =	vimm.f32 $0.0e+00;
	v9 =	vld [tilespmem:s26+$0xC850];
	v2 =	vmul.f32 v4, v3;
	v3 =	vmul.f32 v7, v6  }
0x119: {  	v7 =	vmul.f32 v12, v11;
	v4 =	vadd.f32 v1, v5;
	v1 =	vmul.f32 v10, v8;
	v10 =	vld [tilespmem:s26+$0x9650]  }
0x11a: {  	v13 =	vld [tilespmem:s26+$0x9660];
	v6 =	vadd.f32 v2, v5  }
0x11b: {  	s21 =	simm.s32 $0x80;
	v11 =	vld [tilespmem:s26+$0xC860];
	v14 =	vmul.f32 v15, v14;
	v2 =	vadd.f32 v3, v5;
	v3 =	vadd.f32 v7, v5  }
0x11c: {  	s20 =	simm.s32 $0x400;
	v12 =	vld [tilespmem:s21+$0xC870];
	v8 =	vimm.f32 $0.0e+00;
	v7 =	vimm.f32 $0.0e+00;
	v1 =	vadd.f32 v1, v5  }
.LBB2_18:
0x11d: {  	p0 =	sne.s32 s20, $0x6200;
	v15 =	vld [tilespmem:s21+$0x9670]  }
0x11e: {  	v16 =	vld [tilespmem:s21+$0xC800];
	v5 =	vadd.f32 v14, v5;
	v9 =	vmul.f32 v10, v9  }
0x11f: {  	v10 =	vld [tilespmem:s21+$0x9600]  }
0x120: {  	v14 =	vld [tilespmem:s21+$0xC810];
	v8 =	vadd.f32 v9, v8;
	v9 =	vmul.f32 v13, v11  }
0x121: {  	v11 =	vld [tilespmem:s21+$0x9610]  }
0x122: {  	v13 =	vld [tilespmem:s21+$0xC820];
	v12 =	vmul.f32 v15, v12;
	v7 =	vadd.f32 v9, v7  }
0x123: {  	v9 =	vld [tilespmem:s21+$0x9620]  }
0x124: {  	v10 =	vmul.f32 v10, v16;
	v15 =	vld [tilespmem:s21+$0xC830];
	v4 =	vadd.f32 v12, v4  }
0x125: {  	v12 =	vld [tilespmem:s21+$0x9630]  }
0x126: {  	v6 =	vadd.f32 v10, v6;
	v10 =	vmul.f32 v11, v14;
	v14 =	vld [tilespmem:s21+$0xC840]  }
0x127: {  	v16 =	vld [tilespmem:s21+$0x9640]  }
.Ltmp8:
0x128: {  	v2 =	vadd.f32 v10, v2;
	v11 =	vmul.f32 v9, v13;
	v9 =	vld [tilespmem:s21+$0xC850];
	(pc) =	sbr.rel @p0 .LBB2_18-.Ltmp8, $4  }
0x129: {  	v10 =	vld [tilespmem:s21+$0x9650]  }
0x12a: {  	v1 =	vadd.f32 v11, v1;
	v15 =	vmul.f32 v12, v15;
	v11 =	vld [tilespmem:s21+$0xC860]  }
0x12b: {  	v13 =	vld [tilespmem:s21+$0x9660];
	s21 =	sshra.s32 s20, $0x2  }
0x12c: {  	s20 =	sadd.s32 $0x200, s20;
	v12 =	vld [tilespmem:s21+$0xC870];
	v3 =	vadd.f32 v15, v3;
	v14 =	vmul.f32 v16, v14  }
0x12d: {  	v15 =	vld [tilespmem:s21+$0x9670]  }
0x12e: {  	v16 =	vld [tilespmem:s21+$0xC800]  }
0x12f: {  	v17 =	vld [tilespmem:s21+$0x9600]  }
0x130: {  	v18 =	vld [tilespmem:s21+$0xC810]  }
0x131: {  	v19 =	vld [tilespmem:s21+$0x9610]  }
0x132: {  	v20 =	vld [tilespmem:s21+$0xC820]  }
0x133: {  	v21 =	vld [tilespmem:s21+$0x9620]  }
0x134: {  	v22 =	vld [tilespmem:s21+$0xC830]  }
0x135: {  	v23 =	vld [tilespmem:s21+$0x9630]  }
0x136: {  	v24 =	vld [tilespmem:s21+$0xC840]  }
0x137: {  	v25 =	vld [tilespmem:s21+$0x9640]  }
0x138: {  	v26 =	vld [tilespmem:s21+$0xC850]  }
0x139: {  	v27 =	vld [tilespmem:s21+$0x9650]  }
0x13a: {  	v28 =	vld [tilespmem:s21+$0xC860]  }
0x13b: {  	v29 =	vld [tilespmem:s21+$0x9660];
	_ =	swait.ge [sflag:s5], $0x1900  }
0x13c: {  	[sflag:s5] =	ssyncset.done $0x0  }
0x13d: {  	[sflag:s5] =	ssyncadd.s32 $0xFFFFE700  }
0x13e: {  	_ =	swait.ge [sflag:s29], $0x3200  }
0x13f: {  	[sflag:s29] =	ssyncset.done $0x0  }
0x140: {  	s20 =	simm.s32 $0x0;
	s26 =	simm.s32 $0x0;
	[sflag:s29] =	ssyncadd.s32 $0xFFFFCE00  }
0x141: {  	[tilespmem:s31], [sflag:$0x5] =	stream.indirect.gather [spmem:s19], $0x1, s20, s3, $0xb8;
	[tilespmem:$0x1EF40] =	vst v63  }
0x142: {  	v30 =	vld [tilespmem:s26+$0xE170]  }
0x143: {  	v31 =	vld [tilespmem:s26+$0xAF70]  }
0x144: {  	v32 =	vld [tilespmem:s26+$0xE100]  }
0x145: {  	v33 =	vld [tilespmem:s26+$0xAF00]  }
0x146: {  	v34 =	vld [tilespmem:s26+$0xE110]  }
0x147: {  	v9 =	vmul.f32 v10, v9;
	v35 =	vld [tilespmem:s26+$0xAF10]  }
0x148: {  	v10 =	vmul.f32 v13, v11;
	v11 =	vmul.f32 v15, v12;
	v13 =	vld [tilespmem:s26+$0xE120]  }
0x149: {  	v5 =	vadd.f32 v14, v5;
	v8 =	vadd.f32 v9, v8;
	v9 =	vmul.f32 v17, v16;
	v14 =	vld [tilespmem:s26+$0xAF20]  }
0x14a: {  	v7 =	vadd.f32 v10, v7;
	v11 =	vadd.f32 v11, v4;
	v4 =	vmul.f32 v19, v18;
	v15 =	vld [tilespmem:s26+$0xE130]  }
0x14b: {  	v10 =	vmul.f32 v23, v22;
	v6 =	vadd.f32 v9, v6;
	v9 =	vmul.f32 v21, v20;
	v58 =	vld [tilespmem:s26+$0xAF30]  }
0x14c: {  	v12 =	vmul.f32 v27, v26;
	v60 =	vld [tilespmem:s26+$0xE140];
	v59 =	vadd.f32 v4, v2;
	v2 =	vmul.f32 v25, v24  }
0x14d: {  	v61 =	vadd.f32 v10, v3;
	v62 =	vld [tilespmem:s26+$0xAF40];
	v9 =	vadd.f32 v9, v1;
	v1 =	vmul.f32 v29, v28  }
0x14e: {  	v3 =	vadd.f32 v12, v8;
	v10 =	vld [tilespmem:s26+$0xE150];
	v4 =	vadd.f32 v2, v5;
	v5 =	vmul.f32 v31, v30  }
0x14f: {  	v12 =	vld [tilespmem:s26+$0xAF50];
	v2 =	vadd.f32 v1, v7;
	v7 =	vmul.f32 v33, v32;
	v63 =	vmul.f32 v35, v34  }
0x150: {  	v14 =	vmul.f32 v14, v13;
	v15 =	vmul.f32 v58, v15;
	v13 =	vld [tilespmem:s26+$0xAF60];
	v1 =	vadd.f32 v5, v11  }
0x151: {  	s21 =	simm.s32 $0x80;
	v11 =	vld [tilespmem:s26+$0xE160];
	v8 =	vadd.f32 v7, v6;
	v5 =	vadd.f32 v63, v59  }
0x152: {  	s20 =	simm.s32 $0x400;
	v6 =	vadd.f32 v14, v9;
	v9 =	vld [tilespmem:s21+$0xE170];
	v7 =	vadd.f32 v15, v61;
	v14 =	vmul.f32 v62, v60  }
.LBB2_20:
0x153: {  	p0 =	sne.s32 s20, $0x6200;
	v15 =	vld [tilespmem:s21+$0xAF70]  }
0x154: {  	v16 =	vld [tilespmem:s21+$0xE100];
	v4 =	vadd.f32 v14, v4;
	v10 =	vmul.f32 v12, v10  }
0x155: {  	v12 =	vld [tilespmem:s21+$0xAF00]  }
0x156: {  	v14 =	vld [tilespmem:s21+$0xE110];
	v3 =	vadd.f32 v10, v3;
	v10 =	vmul.f32 v13, v11  }
0x157: {  	v11 =	vld [tilespmem:s21+$0xAF10]  }
0x158: {  	v13 =	vld [tilespmem:s21+$0xE120];
	v9 =	vmul.f32 v15, v9;
	v2 =	vadd.f32 v10, v2  }
0x159: {  	v10 =	vld [tilespmem:s21+$0xAF20]  }
0x15a: {  	v12 =	vmul.f32 v12, v16;
	v15 =	vld [tilespmem:s21+$0xE130];
	v1 =	vadd.f32 v9, v1  }
0x15b: {  	v9 =	vld [tilespmem:s21+$0xAF30]  }
0x15c: {  	v8 =	vadd.f32 v12, v8;
	v11 =	vmul.f32 v11, v14;
	v14 =	vld [tilespmem:s21+$0xE140]  }
0x15d: {  	v16 =	vld [tilespmem:s21+$0xAF40]  }
.Ltmp9:
0x15e: {  	v5 =	vadd.f32 v11, v5;
	v11 =	vmul.f32 v10, v13;
	v10 =	vld [tilespmem:s21+$0xE150];
	(pc) =	sbr.rel @p0 .LBB2_20-.Ltmp9, $4  }
0x15f: {  	v12 =	vld [tilespmem:s21+$0xAF50]  }
0x160: {  	v6 =	vadd.f32 v11, v6;
	v15 =	vmul.f32 v9, v15;
	v11 =	vld [tilespmem:s21+$0xE160]  }
0x161: {  	v13 =	vld [tilespmem:s21+$0xAF60];
	s21 =	sshra.s32 s20, $0x2  }
0x162: {  	s20 =	sadd.s32 $0x200, s20;
	v9 =	vld [tilespmem:s21+$0xE170];
	v7 =	vadd.f32 v15, v7;
	v14 =	vmul.f32 v16, v14  }
0x163: {  	v15 =	vld [tilespmem:s21+$0xE100]  }
0x164: {  	v16 =	vld [tilespmem:s21+$0xAF00]  }
0x165: {  	v17 =	vld [tilespmem:s21+$0xE110]  }
0x166: {  	v18 =	vld [tilespmem:s21+$0xAF10]  }
0x167: {  	v19 =	vld [tilespmem:s21+$0xE120]  }
0x168: {  	v20 =	vld [tilespmem:s21+$0xAF20]  }
0x169: {  	v21 =	vld [tilespmem:s21+$0xE130]  }
0x16a: {  	v22 =	vld [tilespmem:s21+$0xAF30]  }
0x16b: {  	v23 =	vld [tilespmem:s21+$0xE140]  }
0x16c: {  	v24 =	vld [tilespmem:s21+$0xAF40]  }
0x16d: {  	v25 =	vld [tilespmem:s21+$0xE150]  }
0x16e: {  	v26 =	vld [tilespmem:s21+$0xAF50]  }
0x16f: {  	v53 =	vld [tilespmem:s21+$0xE160];
	v10 =	vmul.f32 v12, v10;
	v52 =	vmul.f32 v16, v15  }
0x170: {  	v55 =	vld [tilespmem:s21+$0xAF60];
	v4 =	vadd.f32 v14, v4;
	v11 =	vmul.f32 v13, v11;
	v54 =	vmul.f32 v18, v17  }
0x171: {  	v57 =	vld [tilespmem:s21+$0xAF70];
	v3 =	vadd.f32 v10, v3;
	v56 =	vmul.f32 v20, v19;
	v8 =	vadd.f32 v52, v8  }
0x172: {  	v2 =	vadd.f32 v11, v2;
	v58 =	vmul.f32 v22, v21;
	v5 =	vadd.f32 v54, v5  }
0x173: {  	v59 =	vmul.f32 v24, v23;
	v6 =	vadd.f32 v56, v6;
	v8 =	vadd.f32 v8, v0  }
0x174: {  	v60 =	vmul.f32 v26, v25;
	v7 =	vadd.f32 v58, v7;
	v5 =	vadd.f32 v5, v0  }
0x175: {  	v61 =	vmul.f32 v55, v53;
	v4 =	vadd.f32 v59, v4;
	v6 =	vadd.f32 v6, v0;
	[tilespmem:$0xFA00] =	vst v8  }
0x176: {  	v62 =	vmul.f32 v57, v9;
	v3 =	vadd.f32 v60, v3;
	v63 =	vadd.f32 v7, v0;
	[tilespmem:$0xFA10] =	vst v5  }
0x177: {  	v2 =	vadd.f32 v61, v2;
	v4 =	vadd.f32 v4, v0;
	[tilespmem:$0xFA20] =	vst v6  }
0x178: {  	v1 =	vadd.f32 v62, v1;
	v3 =	vadd.f32 v3, v0;
	[tilespmem:$0xFA30] =	vst v63  }
0x179: {  	v2 =	vadd.f32 v2, v0;
	[tilespmem:$0xFA40] =	vst v4  }
0x17a: {  	v1 =	vadd.f32 v1, v0;
	[tilespmem:$0xFA50] =	vst v3  }
0x17b: {  	[tilespmem:$0xFA60] =	vst v2  }
0x17c: {  	s20 =	simm.s32 $0x0;
	s25 =	rddreg [dreg:$0xd];
	[tilespmem:$0xFA70] =	vst v1  }
0x17d: {  	[hbm4b:s25+s20] =	stream.linear.scatter [tilespmem:s17], [sflag:$0x8], $0x80, $0x38;
	[tilespmem:$0x1EF40] =	vst v63  }
0x17e: {  	s26 =	sand.u32 $0x3C000, s20;
	s22 =	sand.u32 $0x70, s20;
	_ =	swait.ge [sflag:s30], $0x80  }
0x17f: {  	s21 =	sor.u32 s22, s26;
	[sflag:s30] =	ssyncset.done $0x0  }
0x180: {  	s22 =	simm.s32 $0x3200;
	s23 =	sadd.s32 s21, s15;
	[sflag:s30] =	ssyncadd.s32 $0xFFFFFF80  }
0x181: {  	[tilespmem:s22], [sflag:$0x2] =	stream.linear.gather [hbm4b:s23+s20], $0x80, $0x38;
	[tilespmem:$0x1EF40] =	vst v63  }
0x182: {  	s24 =	simm.s32 $0x0;
	s23 =	simm.s32 $0x800  }
.LBB2_22:
0x183: {  	p0 =	sne.s32 s23, $0x31800  }
.Ltmp10:
0x184: {  	s25 =	sand.u32 $0x3C000, s23;
	s24 =	sadd.s32 $0x10, s24;
	(pc) =	sbr.rel @p0 .LBB2_22-.Ltmp10, $4  }
0x185: {  	s23 =	sadd.s32 $0x800, s23;
	s26 =	sand.u32 $0x70, s24  }
0x186: {  	s25 =	sor.u32 s26, s25  }
0x187: {  	s22 =	sadd.s32 $0x80, s22;
	s25 =	sadd.s32 s25, s15  }
0x188: {  	[tilespmem:s22], [sflag:$0x2] =	stream.linear.gather [hbm4b:s25+s20], $0x80, $0x38;
	[tilespmem:$0x1EF40] =	vst v63  }
0x189: {  	s22 =	simm.s32 $0x9600;
	s21 =	sadd.s32 s21, s16  }
0x18a: {  	[tilespmem:s22], [sflag:$0x4] =	stream.linear.gather [hbm4b:s21+s1], $0x80, $0x38;
	[tilespmem:$0x1EF40] =	vst v63  }
0x18b: {  	s21 =	simm.s32 $0x800  }
.LBB2_24:
0x18c: {  	p0 =	sne.s32 s21, $0x31800  }
.Ltmp11:
0x18d: {  	s23 =	sand.u32 $0x3C000, s21;
	s20 =	sadd.s32 $0x10, s20;
	(pc) =	sbr.rel @p0 .LBB2_24-.Ltmp11, $4  }
0x18e: {  	s21 =	sadd.s32 $0x800, s21;
	s24 =	sand.u32 $0x70, s20  }
0x18f: {  	s23 =	sor.u32 s24, s23  }
0x190: {  	s22 =	sadd.s32 $0x80, s22;
	s23 =	sadd.s32 s23, s16  }
0x191: {  	[tilespmem:s22], [sflag:$0x4] =	stream.linear.gather [hbm4b:s23+s1], $0x80, $0x38;
	[tilespmem:$0x1EF40] =	vst v63  }
0x192: {  	_ =	swait.ge [sflag:s4], $0x3200  }
0x193: {  	[sflag:s4] =	ssyncset.done $0x0  }
0x194: {  	[sflag:s4] =	ssyncadd.s32 $0xFFFFCE00  }
0x195: {  	_ =	swait.ge [sflag:s5], $0x1900  }
0x196: {  	[sflag:s5] =	ssyncset.done $0x0  }
0x197: {  	s20 =	simm.s32 $0x0;
	[sflag:s5] =	ssyncadd.s32 $0xFFFFE700  }
0x198: {  	[tilespmem:s6], [sflag:$0x5] =	stream.indirect.gather [spmem:s19], $0x1, s3, s3, $0xb8;
	[tilespmem:$0x1EF40] =	vst v63  }
0x199: {  	v1 =	vld [tilespmem:s20+$0xC870]  }
0x19a: {  	v2 =	vld [tilespmem:s20+$0x6470]  }
0x19b: {  	v3 =	vld [tilespmem:s20+$0xC800]  }
0x19c: {  	v4 =	vld [tilespmem:s20+$0x6400]  }
0x19d: {  	v6 =	vld [tilespmem:s20+$0xC810]  }
0x19e: {  	v7 =	vld [tilespmem:s20+$0x6410]  }
0x19f: {  	v8 =	vld [tilespmem:s20+$0xC820]  }
0x1a0: {  	v10 =	vld [tilespmem:s20+$0x6420]  }
0x1a1: {  	v11 =	vld [tilespmem:s20+$0xC830]  }
0x1a2: {  	v12 =	vld [tilespmem:s20+$0x6430]  }
0x1a3: {  	v14 =	vld [tilespmem:s20+$0xC840]  }
0x1a4: {  	v15 =	vld [tilespmem:s20+$0x6440]  }
0x1a5: {  	v1 =	vmul.f32 v2, v1  }
0x1a6: {  	v5 =	vimm.f32 $0.0e+00;
	v9 =	vld [tilespmem:s20+$0xC850];
	v2 =	vmul.f32 v4, v3;
	v3 =	vmul.f32 v7, v6  }
0x1a7: {  	v7 =	vmul.f32 v12, v11;
	v4 =	vadd.f32 v1, v5;
	v1 =	vmul.f32 v10, v8;
	v10 =	vld [tilespmem:s20+$0x6450]  }
0x1a8: {  	v13 =	vld [tilespmem:s20+$0x6460];
	v6 =	vadd.f32 v2, v5  }
0x1a9: {  	s21 =	simm.s32 $0x80;
	v11 =	vld [tilespmem:s20+$0xC860];
	v14 =	vmul.f32 v15, v14;
	v2 =	vadd.f32 v3, v5;
	v3 =	vadd.f32 v7, v5  }
0x1aa: {  	v12 =	vld [tilespmem:s21+$0xC870];
	s20 =	simm.s32 $0x400;
	v8 =	vimm.f32 $0.0e+00;
	v7 =	vimm.f32 $0.0e+00;
	v1 =	vadd.f32 v1, v5  }
.LBB2_26:
0x1ab: {  	p0 =	sne.s32 s20, $0x6200;
	v15 =	vld [tilespmem:s21+$0x6470]  }
0x1ac: {  	v16 =	vld [tilespmem:s21+$0xC800];
	v5 =	vadd.f32 v14, v5;
	v9 =	vmul.f32 v10, v9  }
0x1ad: {  	v10 =	vld [tilespmem:s21+$0x6400]  }
0x1ae: {  	v14 =	vld [tilespmem:s21+$0xC810];
	v8 =	vadd.f32 v9, v8;
	v9 =	vmul.f32 v13, v11  }
0x1af: {  	v11 =	vld [tilespmem:s21+$0x6410]  }
0x1b0: {  	v13 =	vld [tilespmem:s21+$0xC820];
	v12 =	vmul.f32 v15, v12;
	v7 =	vadd.f32 v9, v7  }
0x1b1: {  	v9 =	vld [tilespmem:s21+$0x6420]  }
0x1b2: {  	v10 =	vmul.f32 v10, v16;
	v15 =	vld [tilespmem:s21+$0xC830];
	v4 =	vadd.f32 v12, v4  }
0x1b3: {  	v12 =	vld [tilespmem:s21+$0x6430]  }
0x1b4: {  	v6 =	vadd.f32 v10, v6;
	v10 =	vmul.f32 v11, v14;
	v14 =	vld [tilespmem:s21+$0xC840]  }
0x1b5: {  	v16 =	vld [tilespmem:s21+$0x6440]  }
.Ltmp12:
0x1b6: {  	v2 =	vadd.f32 v10, v2;
	v11 =	vmul.f32 v9, v13;
	v9 =	vld [tilespmem:s21+$0xC850];
	(pc) =	sbr.rel @p0 .LBB2_26-.Ltmp12, $4  }
0x1b7: {  	v10 =	vld [tilespmem:s21+$0x6450]  }
0x1b8: {  	v1 =	vadd.f32 v11, v1;
	v15 =	vmul.f32 v12, v15;
	v11 =	vld [tilespmem:s21+$0xC860]  }
0x1b9: {  	v13 =	vld [tilespmem:s21+$0x6460];
	s21 =	sshra.s32 s20, $0x2  }
0x1ba: {  	s20 =	sadd.s32 $0x200, s20;
	v12 =	vld [tilespmem:s21+$0xC870];
	v3 =	vadd.f32 v15, v3;
	v14 =	vmul.f32 v16, v14  }
0x1bb: {  	v15 =	vld [tilespmem:s21+$0x6470]  }
0x1bc: {  	v16 =	vld [tilespmem:s21+$0xC800]  }
0x1bd: {  	v17 =	vld [tilespmem:s21+$0x6400]  }
0x1be: {  	v18 =	vld [tilespmem:s21+$0xC810]  }
0x1bf: {  	v19 =	vld [tilespmem:s21+$0x6410]  }
0x1c0: {  	v20 =	vld [tilespmem:s21+$0xC820]  }
0x1c1: {  	v21 =	vld [tilespmem:s21+$0x6420]  }
0x1c2: {  	v22 =	vld [tilespmem:s21+$0xC830]  }
0x1c3: {  	v23 =	vld [tilespmem:s21+$0x6430]  }
0x1c4: {  	v24 =	vld [tilespmem:s21+$0xC840]  }
0x1c5: {  	v25 =	vld [tilespmem:s21+$0x6440]  }
0x1c6: {  	v26 =	vld [tilespmem:s21+$0xC850]  }
0x1c7: {  	v27 =	vld [tilespmem:s21+$0x6450]  }
0x1c8: {  	v28 =	vld [tilespmem:s21+$0xC860]  }
0x1c9: {  	v29 =	vld [tilespmem:s21+$0x6460];
	_ =	swait.ge [sflag:s5], $0x1900  }
0x1ca: {  	[sflag:s5] =	ssyncset.done $0x0  }
0x1cb: {  	[sflag:s5] =	ssyncadd.s32 $0xFFFFE700  }
0x1cc: {  	_ =	swait.ge [sflag:s7], $0x3200  }
0x1cd: {  	[sflag:s7] =	ssyncset.done $0x0  }
0x1ce: {  	s20 =	simm.s32 $0x3200;
	s26 =	simm.s32 $0x0;
	[sflag:s7] =	ssyncadd.s32 $0xFFFFCE00  }
0x1cf: {  	[tilespmem:s31], [sflag:$0x5] =	stream.indirect.gather [spmem:s19], $0x1, s20, s3, $0xb8;
	[tilespmem:$0x1EF40] =	vst v63  }
0x1d0: {  	v30 =	vld [tilespmem:s26+$0xE170]  }
0x1d1: {  	v31 =	vld [tilespmem:s26+$0x7D70]  }
0x1d2: {  	v32 =	vld [tilespmem:s26+$0xE100]  }
0x1d3: {  	v33 =	vld [tilespmem:s26+$0x7D00]  }
0x1d4: {  	v34 =	vld [tilespmem:s26+$0xE110]  }
0x1d5: {  	v9 =	vmul.f32 v10, v9;
	v35 =	vld [tilespmem:s26+$0x7D10]  }
0x1d6: {  	v10 =	vmul.f32 v13, v11;
	v11 =	vmul.f32 v15, v12;
	v13 =	vld [tilespmem:s26+$0xE120]  }
0x1d7: {  	v5 =	vadd.f32 v14, v5;
	v8 =	vadd.f32 v9, v8;
	v9 =	vmul.f32 v17, v16;
	v14 =	vld [tilespmem:s26+$0x7D20]  }
0x1d8: {  	v7 =	vadd.f32 v10, v7;
	v11 =	vadd.f32 v11, v4;
	v4 =	vmul.f32 v19, v18;
	v15 =	vld [tilespmem:s26+$0xE130]  }
0x1d9: {  	v10 =	vmul.f32 v23, v22;
	v6 =	vadd.f32 v9, v6;
	v9 =	vmul.f32 v21, v20;
	v58 =	vld [tilespmem:s26+$0x7D30]  }
0x1da: {  	v12 =	vmul.f32 v27, v26;
	v60 =	vld [tilespmem:s26+$0xE140];
	v59 =	vadd.f32 v4, v2;
	v2 =	vmul.f32 v25, v24  }
0x1db: {  	v61 =	vadd.f32 v10, v3;
	v62 =	vld [tilespmem:s26+$0x7D40];
	v9 =	vadd.f32 v9, v1;
	v1 =	vmul.f32 v29, v28  }
0x1dc: {  	v3 =	vadd.f32 v12, v8;
	v10 =	vld [tilespmem:s26+$0xE150];
	v4 =	vadd.f32 v2, v5;
	v5 =	vmul.f32 v31, v30  }
0x1dd: {  	v12 =	vld [tilespmem:s26+$0x7D50];
	v2 =	vadd.f32 v1, v7;
	v7 =	vmul.f32 v33, v32;
	v63 =	vmul.f32 v35, v34  }
0x1de: {  	v14 =	vmul.f32 v14, v13;
	v15 =	vmul.f32 v58, v15;
	v13 =	vld [tilespmem:s26+$0x7D60];
	v1 =	vadd.f32 v5, v11  }
0x1df: {  	s21 =	simm.s32 $0x80;
	v11 =	vld [tilespmem:s26+$0xE160];
	v8 =	vadd.f32 v7, v6;
	v5 =	vadd.f32 v63, v59  }
0x1e0: {  	s20 =	simm.s32 $0x400;
	v6 =	vadd.f32 v14, v9;
	v9 =	vld [tilespmem:s21+$0xE170];
	v7 =	vadd.f32 v15, v61;
	v14 =	vmul.f32 v62, v60  }
.LBB2_28:
0x1e1: {  	p0 =	sne.s32 s20, $0x6200;
	v15 =	vld [tilespmem:s21+$0x7D70]  }
0x1e2: {  	v16 =	vld [tilespmem:s21+$0xE100];
	v4 =	vadd.f32 v14, v4;
	v10 =	vmul.f32 v12, v10  }
0x1e3: {  	v12 =	vld [tilespmem:s21+$0x7D00]  }
0x1e4: {  	v14 =	vld [tilespmem:s21+$0xE110];
	v3 =	vadd.f32 v10, v3;
	v10 =	vmul.f32 v13, v11  }
0x1e5: {  	v11 =	vld [tilespmem:s21+$0x7D10]  }
0x1e6: {  	v13 =	vld [tilespmem:s21+$0xE120];
	v9 =	vmul.f32 v15, v9;
	v2 =	vadd.f32 v10, v2  }
0x1e7: {  	v10 =	vld [tilespmem:s21+$0x7D20]  }
0x1e8: {  	v12 =	vmul.f32 v12, v16;
	v15 =	vld [tilespmem:s21+$0xE130];
	v1 =	vadd.f32 v9, v1  }
0x1e9: {  	v9 =	vld [tilespmem:s21+$0x7D30]  }
0x1ea: {  	v8 =	vadd.f32 v12, v8;
	v11 =	vmul.f32 v11, v14;
	v14 =	vld [tilespmem:s21+$0xE140]  }
0x1eb: {  	v16 =	vld [tilespmem:s21+$0x7D40]  }
.Ltmp13:
0x1ec: {  	v5 =	vadd.f32 v11, v5;
	v11 =	vmul.f32 v10, v13;
	v10 =	vld [tilespmem:s21+$0xE150];
	(pc) =	sbr.rel @p0 .LBB2_28-.Ltmp13, $4  }
0x1ed: {  	v12 =	vld [tilespmem:s21+$0x7D50]  }
0x1ee: {  	v6 =	vadd.f32 v11, v6;
	v15 =	vmul.f32 v9, v15;
	v11 =	vld [tilespmem:s21+$0xE160]  }
0x1ef: {  	v13 =	vld [tilespmem:s21+$0x7D60];
	s21 =	sshra.s32 s20, $0x2  }
0x1f0: {  	s20 =	sadd.s32 $0x200, s20;
	v9 =	vld [tilespmem:s21+$0xE170];
	v7 =	vadd.f32 v15, v7;
	v14 =	vmul.f32 v16, v14  }
0x1f1: {  	v15 =	vld [tilespmem:s21+$0xE100]  }
0x1f2: {  	v16 =	vld [tilespmem:s21+$0x7D00]  }
0x1f3: {  	v17 =	vld [tilespmem:s21+$0xE110]  }
0x1f4: {  	v18 =	vld [tilespmem:s21+$0x7D10]  }
0x1f5: {  	v19 =	vld [tilespmem:s21+$0xE120]  }
0x1f6: {  	v20 =	vld [tilespmem:s21+$0x7D20]  }
0x1f7: {  	v21 =	vld [tilespmem:s21+$0xE130]  }
0x1f8: {  	v22 =	vld [tilespmem:s21+$0x7D30]  }
0x1f9: {  	v23 =	vld [tilespmem:s21+$0xE140]  }
0x1fa: {  	v24 =	vld [tilespmem:s21+$0x7D40]  }
0x1fb: {  	v25 =	vld [tilespmem:s21+$0xE150]  }
0x1fc: {  	v26 =	vld [tilespmem:s21+$0x7D50]  }
0x1fd: {  	v10 =	vmul.f32 v12, v10;
	v4 =	vadd.f32 v14, v4;
	v14 =	vld [tilespmem:s21+$0x7D60];
	v12 =	vmul.f32 v16, v15  }
0x1fe: {  	v11 =	vmul.f32 v13, v11;
	v15 =	vld [tilespmem:s21+$0xE160];
	v13 =	vmul.f32 v18, v17  }
0x1ff: {  	v3 =	vadd.f32 v10, v3;
	v10 =	vmul.f32 v20, v19;
	v8 =	vadd.f32 v12, v8;
	v12 =	vld [tilespmem:s21+$0x7D70]  }
0x200: {  	v2 =	vadd.f32 v11, v2;
	v11 =	vmul.f32 v22, v21;
	v5 =	vadd.f32 v13, v5  }
0x201: {  	v6 =	vadd.f32 v10, v6;
	v10 =	vmul.f32 v24, v23;
	v8 =	vadd.f32 v8, v0  }
0x202: {  	v7 =	vadd.f32 v11, v7;
	v11 =	vmul.f32 v26, v25;
	v5 =	vadd.f32 v5, v0  }
0x203: {  	v4 =	vadd.f32 v10, v4;
	v6 =	vadd.f32 v6, v0;
	v10 =	vmul.f32 v14, v15;
	[tilespmem:$0xFA00] =	vst v8  }
0x204: {  	v3 =	vadd.f32 v11, v3;
	[tilespmem:$0xFA10] =	vst v5;
	v5 =	vadd.f32 v7, v0;
	v8 =	vmul.f32 v12, v9  }
0x205: {  	[tilespmem:$0xFA20] =	vst v6;
	v4 =	vadd.f32 v4, v0;
	v2 =	vadd.f32 v10, v2  }
0x206: {  	v3 =	vadd.f32 v3, v0;
	[tilespmem:$0xFA30] =	vst v5;
	v1 =	vadd.f32 v8, v1  }
0x207: {  	[tilespmem:$0xFA40] =	vst v4;
	v2 =	vadd.f32 v2, v0  }
0x208: {  	[tilespmem:$0xFA50] =	vst v3;
	v1 =	vadd.f32 v1, v0  }
0x209: {  	[tilespmem:$0xFA60] =	vst v2  }
0x20a: {  	s20 =	simm.s32 $0x0;
	s24 =	rddreg [dreg:$0xe];
	[tilespmem:$0xFA70] =	vst v1  }
0x20b: {  	[hbm4b:s24+s20] =	stream.linear.scatter [tilespmem:s17], [sflag:$0x8], $0x80, $0x38;
	[tilespmem:$0x1EF40] =	vst v63  }
0x20c: {  	_ =	swait.ge [sflag:s30], $0x80  }
0x20d: {  	[sflag:s30] =	ssyncset.done $0x0  }
0x20e: {  	[sflag:s30] =	ssyncadd.s32 $0xFFFFFF80  }
0x20f: {  	_ =	swait.ge [sflag:s14], $0x3200  }
0x210: {  	[sflag:s14] =	ssyncset.done $0x0  }
0x211: {  	[sflag:s14] =	ssyncadd.s32 $0xFFFFCE00  }
0x212: {  	_ =	swait.ge [sflag:s5], $0x1900  }
0x213: {  	[sflag:s5] =	ssyncset.done $0x0  }
0x214: {  	s25 =	simm.s32 $0x4B00;
	s26 =	simm.s32 $0x0;
	[sflag:s5] =	ssyncadd.s32 $0xFFFFE700  }
0x215: {  	[tilespmem:s6], [sflag:$0x5] =	stream.indirect.gather [spmem:s19], $0x1, s25, s3, $0xb8;
	[tilespmem:$0x1EF40] =	vst v63  }
0x216: {  	v1 =	vld [tilespmem:s26+$0xC870]  }
0x217: {  	v2 =	vld [tilespmem:s26+$0x9670]  }
0x218: {  	v3 =	vld [tilespmem:s26+$0xC800]  }
0x219: {  	v4 =	vld [tilespmem:s26+$0x9600]  }
0x21a: {  	v6 =	vld [tilespmem:s26+$0xC810]  }
0x21b: {  	v7 =	vld [tilespmem:s26+$0x9610]  }
0x21c: {  	v8 =	vld [tilespmem:s26+$0xC820]  }
0x21d: {  	v10 =	vld [tilespmem:s26+$0x9620]  }
0x21e: {  	v11 =	vld [tilespmem:s26+$0xC830]  }
0x21f: {  	v12 =	vld [tilespmem:s26+$0x9630]  }
0x220: {  	v14 =	vld [tilespmem:s26+$0xC840]  }
0x221: {  	v15 =	vld [tilespmem:s26+$0x9640]  }
0x222: {  	v1 =	vmul.f32 v2, v1  }
0x223: {  	v5 =	vimm.f32 $0.0e+00;
	v9 =	vld [tilespmem:s26+$0xC850];
	v2 =	vmul.f32 v4, v3;
	v3 =	vmul.f32 v7, v6  }
0x224: {  	v7 =	vmul.f32 v12, v11;
	v4 =	vadd.f32 v1, v5;
	v1 =	vmul.f32 v10, v8;
	v10 =	vld [tilespmem:s26+$0x9650]  }
0x225: {  	v13 =	vld [tilespmem:s26+$0x9660];
	v6 =	vadd.f32 v2, v5  }
0x226: {  	s21 =	simm.s32 $0x80;
	v11 =	vld [tilespmem:s26+$0xC860];
	v14 =	vmul.f32 v15, v14;
	v2 =	vadd.f32 v3, v5;
	v3 =	vadd.f32 v7, v5  }
0x227: {  	s20 =	simm.s32 $0x400;
	v12 =	vld [tilespmem:s21+$0xC870];
	v8 =	vimm.f32 $0.0e+00;
	v7 =	vimm.f32 $0.0e+00;
	v1 =	vadd.f32 v1, v5  }
.LBB2_30:
0x228: {  	p0 =	sne.s32 s20, $0x6200;
	v15 =	vld [tilespmem:s21+$0x9670]  }
0x229: {  	v16 =	vld [tilespmem:s21+$0xC800];
	v5 =	vadd.f32 v14, v5;
	v9 =	vmul.f32 v10, v9  }
0x22a: {  	v10 =	vld [tilespmem:s21+$0x9600]  }
0x22b: {  	v14 =	vld [tilespmem:s21+$0xC810];
	v8 =	vadd.f32 v9, v8;
	v9 =	vmul.f32 v13, v11  }
0x22c: {  	v11 =	vld [tilespmem:s21+$0x9610]  }
0x22d: {  	v13 =	vld [tilespmem:s21+$0xC820];
	v12 =	vmul.f32 v15, v12;
	v7 =	vadd.f32 v9, v7  }
0x22e: {  	v9 =	vld [tilespmem:s21+$0x9620]  }
0x22f: {  	v10 =	vmul.f32 v10, v16;
	v15 =	vld [tilespmem:s21+$0xC830];
	v4 =	vadd.f32 v12, v4  }
0x230: {  	v12 =	vld [tilespmem:s21+$0x9630]  }
0x231: {  	v6 =	vadd.f32 v10, v6;
	v10 =	vmul.f32 v11, v14;
	v14 =	vld [tilespmem:s21+$0xC840]  }
0x232: {  	v16 =	vld [tilespmem:s21+$0x9640]  }
.Ltmp14:
0x233: {  	v2 =	vadd.f32 v10, v2;
	v11 =	vmul.f32 v9, v13;
	v9 =	vld [tilespmem:s21+$0xC850];
	(pc) =	sbr.rel @p0 .LBB2_30-.Ltmp14, $4  }
0x234: {  	v10 =	vld [tilespmem:s21+$0x9650]  }
0x235: {  	v1 =	vadd.f32 v11, v1;
	v15 =	vmul.f32 v12, v15;
	v11 =	vld [tilespmem:s21+$0xC860]  }
0x236: {  	v13 =	vld [tilespmem:s21+$0x9660];
	s21 =	sshra.s32 s20, $0x2  }
0x237: {  	s20 =	sadd.s32 $0x200, s20;
	v12 =	vld [tilespmem:s21+$0xC870];
	v3 =	vadd.f32 v15, v3;
	v14 =	vmul.f32 v16, v14  }
0x238: {  	v15 =	vld [tilespmem:s21+$0x9670]  }
0x239: {  	v16 =	vld [tilespmem:s21+$0xC800]  }
0x23a: {  	v17 =	vld [tilespmem:s21+$0x9600]  }
0x23b: {  	v18 =	vld [tilespmem:s21+$0xC810]  }
0x23c: {  	v19 =	vld [tilespmem:s21+$0x9610]  }
0x23d: {  	v20 =	vld [tilespmem:s21+$0xC820]  }
0x23e: {  	v21 =	vld [tilespmem:s21+$0x9620]  }
0x23f: {  	v22 =	vld [tilespmem:s21+$0xC830]  }
0x240: {  	v23 =	vld [tilespmem:s21+$0x9630]  }
0x241: {  	v24 =	vld [tilespmem:s21+$0xC840]  }
0x242: {  	v25 =	vld [tilespmem:s21+$0x9640]  }
0x243: {  	v26 =	vld [tilespmem:s21+$0xC850]  }
0x244: {  	v27 =	vld [tilespmem:s21+$0x9650]  }
0x245: {  	v28 =	vld [tilespmem:s21+$0xC860]  }
0x246: {  	v29 =	vld [tilespmem:s21+$0x9660];
	_ =	swait.ge [sflag:s5], $0x1900  }
0x247: {  	[sflag:s5] =	ssyncset.done $0x0  }
0x248: {  	s20 =	simm.s32 $0x0;
	[sflag:s5] =	ssyncadd.s32 $0xFFFFE700  }
0x249: {  	v30 =	vld [tilespmem:s20+$0xE170]  }
0x24a: {  	v31 =	vld [tilespmem:s20+$0xAF70]  }
0x24b: {  	v32 =	vld [tilespmem:s20+$0xE100]  }
0x24c: {  	v33 =	vld [tilespmem:s20+$0xAF00]  }
0x24d: {  	v34 =	vld [tilespmem:s20+$0xE110]  }
0x24e: {  	v9 =	vmul.f32 v10, v9;
	v35 =	vld [tilespmem:s20+$0xAF10]  }
0x24f: {  	v10 =	vmul.f32 v13, v11;
	v13 =	vld [tilespmem:s20+$0xE120];
	v11 =	vmul.f32 v15, v12  }
0x250: {  	v5 =	vadd.f32 v14, v5;
	v8 =	vadd.f32 v9, v8;
	v14 =	vld [tilespmem:s20+$0xAF20];
	v9 =	vmul.f32 v17, v16  }
0x251: {  	v58 =	vld [tilespmem:s20+$0xAF30];
	v7 =	vadd.f32 v10, v7;
	v11 =	vadd.f32 v11, v4;
	v4 =	vmul.f32 v19, v18  }
0x252: {  	v15 =	vld [tilespmem:s20+$0xE130];
	v10 =	vmul.f32 v23, v22;
	v6 =	vadd.f32 v9, v6;
	v9 =	vmul.f32 v21, v20  }
0x253: {  	v60 =	vld [tilespmem:s20+$0xE140];
	v12 =	vmul.f32 v27, v26;
	v59 =	vadd.f32 v4, v2;
	v2 =	vmul.f32 v25, v24  }
0x254: {  	v62 =	vld [tilespmem:s20+$0xAF40];
	v61 =	vadd.f32 v10, v3;
	v9 =	vadd.f32 v9, v1;
	v1 =	vmul.f32 v29, v28  }
0x255: {  	v3 =	vadd.f32 v12, v8;
	v10 =	vld [tilespmem:s20+$0xE150];
	v4 =	vadd.f32 v2, v5;
	v5 =	vmul.f32 v31, v30  }
0x256: {  	v12 =	vld [tilespmem:s20+$0xAF50];
	v63 =	vmul.f32 v35, v34;
	v2 =	vadd.f32 v1, v7;
	v7 =	vmul.f32 v33, v32  }
0x257: {  	v14 =	vmul.f32 v14, v13;
	v13 =	vld [tilespmem:s20+$0xAF60];
	v15 =	vmul.f32 v58, v15;
	v1 =	vadd.f32 v5, v11  }
0x258: {  	s21 =	simm.s32 $0x80;
	v11 =	vld [tilespmem:s20+$0xE160];
	v8 =	vadd.f32 v7, v6;
	v5 =	vadd.f32 v63, v59  }
0x259: {  	v6 =	vadd.f32 v14, v9;
	v9 =	vld [tilespmem:s21+$0xE170];
	s20 =	simm.s32 $0x400;
	v7 =	vadd.f32 v15, v61;
	v14 =	vmul.f32 v62, v60  }
.LBB2_32:
0x25a: {  	p0 =	sne.s32 s20, $0x6200;
	v15 =	vld [tilespmem:s21+$0xAF70]  }
0x25b: {  	v16 =	vld [tilespmem:s21+$0xE100];
	v4 =	vadd.f32 v14, v4;
	v10 =	vmul.f32 v12, v10  }
0x25c: {  	v12 =	vld [tilespmem:s21+$0xAF00]  }
0x25d: {  	v14 =	vld [tilespmem:s21+$0xE110];
	v3 =	vadd.f32 v10, v3;
	v10 =	vmul.f32 v13, v11  }
0x25e: {  	v11 =	vld [tilespmem:s21+$0xAF10]  }
0x25f: {  	v13 =	vld [tilespmem:s21+$0xE120];
	v9 =	vmul.f32 v15, v9;
	v2 =	vadd.f32 v10, v2  }
0x260: {  	v10 =	vld [tilespmem:s21+$0xAF20]  }
0x261: {  	v12 =	vmul.f32 v12, v16;
	v15 =	vld [tilespmem:s21+$0xE130];
	v1 =	vadd.f32 v9, v1  }
0x262: {  	v9 =	vld [tilespmem:s21+$0xAF30]  }
0x263: {  	v8 =	vadd.f32 v12, v8;
	v11 =	vmul.f32 v11, v14;
	v14 =	vld [tilespmem:s21+$0xE140]  }
0x264: {  	v16 =	vld [tilespmem:s21+$0xAF40]  }
.Ltmp15:
0x265: {  	v5 =	vadd.f32 v11, v5;
	v11 =	vmul.f32 v10, v13;
	v10 =	vld [tilespmem:s21+$0xE150];
	(pc) =	sbr.rel @p0 .LBB2_32-.Ltmp15, $4  }
0x266: {  	v12 =	vld [tilespmem:s21+$0xAF50]  }
0x267: {  	v6 =	vadd.f32 v11, v6;
	v15 =	vmul.f32 v9, v15;
	v11 =	vld [tilespmem:s21+$0xE160]  }
0x268: {  	v13 =	vld [tilespmem:s21+$0xAF60];
	s21 =	sshra.s32 s20, $0x2  }
0x269: {  	s20 =	sadd.s32 $0x200, s20;
	v9 =	vld [tilespmem:s21+$0xE170];
	v7 =	vadd.f32 v15, v7;
	v14 =	vmul.f32 v16, v14  }
0x26a: {  	v15 =	vld [tilespmem:s21+$0xE100]  }
0x26b: {  	v16 =	vld [tilespmem:s21+$0xAF00]  }
0x26c: {  	v17 =	vld [tilespmem:s21+$0xE110]  }
0x26d: {  	v18 =	vld [tilespmem:s21+$0xAF10]  }
0x26e: {  	v19 =	vld [tilespmem:s21+$0xE120]  }
0x26f: {  	v20 =	vld [tilespmem:s21+$0xAF20]  }
0x270: {  	v21 =	vld [tilespmem:s21+$0xE130]  }
0x271: {  	v22 =	vld [tilespmem:s21+$0xAF30]  }
0x272: {  	v23 =	vld [tilespmem:s21+$0xE140]  }
0x273: {  	v24 =	vld [tilespmem:s21+$0xAF40]  }
0x274: {  	v25 =	vld [tilespmem:s21+$0xE150]  }
0x275: {  	v26 =	vld [tilespmem:s21+$0xAF50]  }
0x276: {  	v52 =	vld [tilespmem:s21+$0xE160];
	v10 =	vmul.f32 v12, v10;
	v51 =	vmul.f32 v16, v15  }
0x277: {  	v54 =	vld [tilespmem:s21+$0xAF60];
	v4 =	vadd.f32 v14, v4;
	v11 =	vmul.f32 v13, v11;
	v53 =	vmul.f32 v18, v17  }
0x278: {  	v56 =	vld [tilespmem:s21+$0xAF70];
	v3 =	vadd.f32 v10, v3;
	v55 =	vmul.f32 v20, v19;
	v8 =	vadd.f32 v51, v8  }
0x279: {  	v2 =	vadd.f32 v11, v2;
	v57 =	vmul.f32 v22, v21;
	v5 =	vadd.f32 v53, v5  }
0x27a: {  	v58 =	vmul.f32 v24, v23;
	v6 =	vadd.f32 v55, v6;
	v8 =	vadd.f32 v8, v0  }
0x27b: {  	v59 =	vmul.f32 v26, v25;
	v7 =	vadd.f32 v57, v7;
	v5 =	vadd.f32 v5, v0  }
0x27c: {  	v60 =	vmul.f32 v54, v52;
	v4 =	vadd.f32 v58, v4;
	v6 =	vadd.f32 v6, v0;
	[tilespmem:$0xFA00] =	vst v8  }
0x27d: {  	v61 =	vmul.f32 v56, v9;
	v3 =	vadd.f32 v59, v3;
	v62 =	vadd.f32 v7, v0;
	[tilespmem:$0xFA10] =	vst v5  }
0x27e: {  	v2 =	vadd.f32 v60, v2;
	v4 =	vadd.f32 v4, v0;
	[tilespmem:$0xFA20] =	vst v6  }
0x27f: {  	v1 =	vadd.f32 v61, v1;
	v3 =	vadd.f32 v3, v0;
	[tilespmem:$0xFA30] =	vst v62  }
0x280: {  	v2 =	vadd.f32 v2, v0;
	[tilespmem:$0xFA40] =	vst v4  }
0x281: {  	s11 =	sadd.s32 $0x1, s11;
	v63 =	vadd.f32 v1, v0;
	[tilespmem:$0xFA50] =	vst v3  }
0x282: {  	p0 =	sne.s32 s11, s28;
	[tilespmem:$0xFA60] =	vst v2  }
.Ltmp16:
0x283: {  	s20 =	rddreg [dreg:$0xf];
	[tilespmem:$0xFA70] =	vst v63;
	(pc) =	sbr.rel @p0 .LBB2_1-.Ltmp16, $4  }
0x284: {  	[hbm4b:s20+s1] =	stream.linear.scatter [tilespmem:s17], [sflag:$0x8], $0x80, $0x38;
	[tilespmem:$0x1EF40] =	vst v63  }
0x285: {  	_ =	swait.ge [sflag:s30], $0x80  }
0x286: {  	[sflag:s30] =	ssyncset.done $0x0  }
0x287: {  	[sflag:s30] =	ssyncadd.s32 $0xFFFFFF80  }
0x288: {  	_ =	sfence.sel $0x180000  }
0x289: {  	[bflag:$0x0] =	sbarrier.arrive $0xFFFF  }
0x28a: {  	_ =	strace $0x90000047  }
0x28b: {  	s0 =	stileid.u32;
	[bflag:$0x2] =	sbarrier.arrive $0xFFFF  }
0x28c: {  	p0 =	sne.s32 s0, $0x0;
	s0 =	rddreg [dreg:$0x6]  }
0x28d: {  	s0 =	sadd.s32 @!p0 $0x100000, s0  }
0x28e: {  	[sflag:s0] =	ssyncadd.tile.s32 @!p0 $0x1;
	_ =	shalt  }
.Lfunc_end2:
_tile_overlayer_lowered:
.L_overlay_start_2:
0x28f: {  	(tag) =	ssettag $0x2  }
0x290: {  	s0 =	rddreg [dreg:$0x0];
	s2 =	stileid.u32  }
0x291: {  	s1 =	rddreg [dreg:$0x1];
	p0 =	sne.s32 s2, $0x0  }
0x292: {  	s3 =	rddreg [dreg:$0x2];
	[bflag:$0x3] =	sbarrier.arrive $0xFFFF;
	s2 =	simm.s32 @!p0 $0x1C08  }
0x293: {  	[timem:s3], [sflag:s2] =	dma.local @!p0 [hbm:s0], s1  }
0x294: {  	s0 =	simm.s32 @!p0 $0x8  }
0x295: {  	_ =	swait.ge @!p0 [sflag:s0], s1  }
0x296: {  	s1 =	ssub.s32 @!p0 $0x0, s1;
	[sflag:s0] =	ssyncset.done @!p0 $0x0  }
0x297: {  	[sflag:s0] =	ssyncadd.s32 @!p0 s1  }
0x298: {  	[bflag:$0x3] =	sbarrier.arrive $0xFFFF  }
0x299: {  	_ =	shalt  }

</sc_bundles>
